<compile_context>
chip_gen: v7x
topology: tpu7x:2x2x1
jax: 0.10.2.dev20260603
libtpu: 0.0.44.dev20260713+nightly
codegen_flags: <defaults>
</compile_context>

<pallas_src>
import jax
import jax.numpy as jnp
from jax import lax
from jax.experimental import pallas as pl
from jax.experimental.pallas import tpu as pltpu
from jax.experimental.pallas import tpu_sc as plsc

Q = 2048
K = 2048
D = 64
V = 513
MAXP = (V - 1) // 2
PLEN = Q + K - 1
LB = Q - 1 - MAXP

NC, NS = 2, 16
NW = NC * NS
GROUP = 4

SPLIT = 1024
SC_ROWS = Q - SPLIT
ROWS_PER = SC_ROWS // NW if SC_ROWS else 0
RPC = 64


def _sc_body(emb_hbm, out_hbm, p_sh, sem):
    c = lax.axis_index("c")
    s = lax.axis_index("s")
    wid = s * NC + c

    @pl.when(s == 0)
    def _():
        pltpu.sync_copy(emb_hbm, p_sh.at[pl.ds(LB, V)])
        done = 1
        while done < LB + 1:
            m = min(done, LB + 1 - done)
            pltpu.sync_copy(p_sh.at[pl.ds(LB - m + 1, m)],
                            p_sh.at[pl.ds(LB - done - m + 1, m)])
            done += m
        R = LB + V - 1
        done = 1
        while done < LB + 1:
            m = min(done, LB + 1 - done)
            pltpu.sync_copy(p_sh.at[pl.ds(R, m)],
                            p_sh.at[pl.ds(R + done, m)])
            done += m

    plsc.subcore_barrier()

    for g in range(ROWS_PER // GROUP):
        cps = []
        for b in range(GROUP):
            r = wid * ROWS_PER + g * GROUP + b
            cps.append(pltpu.async_copy(
                p_sh.at[pl.ds((Q - 1) - SPLIT - r, K)],
                out_hbm.at[SPLIT + r], sem))
        for cp in cps:
            cp.wait()


def _tc_body(emb_ref, prev_ref, out_ref, p_vmem, sem):
    del prev_ref
    @pl.when(pl.program_id(0) == 0)
    def _():
        p_vmem[pl.ds(0, LB), :] = jnp.broadcast_to(emb_ref[0:1, :], (LB, D))
        p_vmem[pl.ds(LB, V), :] = emb_ref[...]
        p_vmem[pl.ds(LB + V, PLEN - LB - V), :] = jnp.broadcast_to(
            emb_ref[V - 1:V, :], (PLEN - LB - V, D))

    base = pl.program_id(0) * RPC
    cps = []
    for b in range(RPC):
        i = base + b
        cps.append(pltpu.async_copy(
            p_vmem.at[pl.ds((Q - 1) - i, K), :], out_ref.at[i], sem))
    for cp in cps:
        cp.wait()


def kernel(q, v, embeddings):
    del q, v
    mesh = plsc.VectorSubcoreMesh(core_axis_name="c", subcore_axis_name="s")
    out_sc = pl.kernel(
        _sc_body,
        mesh=mesh,
        out_type=jax.ShapeDtypeStruct((Q, K, D), jnp.float32),
        scratch_types=[
            pltpu.VMEM_SHARED((PLEN, D), jnp.float32),
            pltpu.SemaphoreType.DMA,
        ],
    )(embeddings)

    out_tc = pl.pallas_call(
        _tc_body,
        grid=(SPLIT // RPC,),
        in_specs=[
            pl.BlockSpec((V, D), lambda g: (0, 0)),
            pl.BlockSpec(memory_space=pltpu.MemorySpace.HBM),
        ],
        input_output_aliases={1: 0},
        out_specs=pl.BlockSpec(memory_space=pltpu.MemorySpace.HBM),
        out_shape=jax.ShapeDtypeStruct((Q, K, D), jnp.float32),
        scratch_shapes=[
            pltpu.VMEM((PLEN, D), jnp.float32),
            pltpu.SemaphoreType.DMA,
        ],
    )(embeddings, out_sc)

    return out_tc

# --- scband reference (transcript-rebuilt; emitter-appended) ---
"""Pipeline reference for scband-relative-position-embedding-6141803233461 (READ-ONLY COPY).

The authoritative reference and input builder live on the scoring server;
editing this copy changes nothing except your own understanding.
"""

import jax, jax.numpy as jnp
import numpy as np

INPUT_DIM = 513
OUTPUT_DIM = 64

def setup_inputs(seed: int = 0) -> dict:
    key = jax.random.key(seed)
    k1, k2, k3 = jax.random.split(key, 3)
    q = jax.random.normal(k1, (2, 2048, 1024), dtype=jnp.float32)
    v = jax.random.normal(k2, (2, 2048, 1024), dtype=jnp.float32)
    # Learned relative-position embedding table (initializer is zeros in the
    # original module; use random values so the gather is meaningful).
    embeddings = jax.random.normal(k3, (INPUT_DIM, OUTPUT_DIM), dtype=jnp.float32) * 0.02
    return {"q": q, "v": v, "embeddings": embeddings}

def reference(q, v, embeddings):
    # compute_position_ids
    q_idxs = jnp.arange(0, q.shape[1], dtype=jnp.int32)[:, None]
    v_idxs = jnp.arange(0, v.shape[1], dtype=jnp.int32)[None, :]
    pos_ids = v_idxs - q_idxs
    max_position = (INPUT_DIM - 1) // 2
    pos_ids = jnp.clip(pos_ids, -max_position, max_position)
    pos_ids = pos_ids + max_position
    # gather rows of the embedding table
    return jnp.take(embeddings, pos_ids.astype(jnp.int32), axis=0)

if __name__ == "__main__":
    import jax
    _d = setup_inputs()
    print(jax.jit(kernel)(*tuple(_d.values())))

</pallas_src>

<mosaic_0001>
#map = affine_map<(d0, d1) -> (0, 0)>
#map1 = affine_map<(d0, d1) -> (0, 0, 0)>
module attributes {stable_mosaic.version = 14 : i64} {
  func.func @_sc_body(%arg0: i32, %arg1: i32, %arg2: memref<513x64xf32, #tpu.memory_space<hbm>>, %arg3: memref<2048x2048x64xf32, #tpu.memory_space<hbm>>, %arg4: memref<4095x64xf32, #tpu.memory_space<vmem_shared>>, %arg5: memref<!tpu.dma_semaphore, #tpu.memory_space<semaphore_mem>>) attributes {dimension_semantics = [#tpu.dimension_semantics<core_parallel>, #tpu.dimension_semantics<subcore_parallel>], iteration_bounds = array<i64: 2, 16>, scalar_prefetch = 0 : i64, scratch_operands = 2 : i64, tpu.core_type = #tpu.core_type<sc_vector_subcore>, window_params = [{transform_indices = #map}, {transform_indices = #map1}]} {
    %mul3A = arith.constant 2 : i32
    %mul3A_0 = arith.muli %arg1, %mul3A : i32
    %add3A = arith.addi %mul3A_0, %arg0 : i32
    %eq3A = arith.constant 0 : i32
    %eq3A_1 = arith.cmpi eq, %arg1, %eq3A : i32
    %convert_element_type3A = arith.extui %eq3A_1 : i1 to i32
    %cond3A = arith.constant 0 : i32
    %cond3A_2 = arith.cmpi ne, %convert_element_type3A, %cond3A : i32
    scf.if %cond3A_2 {
      "tpu.region"() ({
        %run_scoped3A = tpu.sem_alloc : memref<!tpu.dma_semaphore, #tpu.memory_space<semaphore_mem>>
        %dma_start3A_704 = arith.constant 1791 : i32
        %dma_start3A_705 = arith.constant 0 : i32
        %dma_start3A_706 = tpu.memref_slice %arg4[%dma_start3A_704, %dma_start3A_705] : memref<4095x64xf32, #tpu.memory_space<vmem_shared>> -> memref<513x64xf32, #tpu.memory_space<vmem_shared>>
        tpu.enqueue_dma source(%arg2 : memref<513x64xf32, #tpu.memory_space<hbm>>) target(%dma_start3A_706 : memref<513x64xf32, #tpu.memory_space<vmem_shared>>) target_semaphore(%run_scoped3A : memref<!tpu.dma_semaphore, #tpu.memory_space<semaphore_mem>>)
        %dma_wait3A_707 = arith.constant 1791 : i32
        %dma_wait3A_708 = arith.constant 0 : i32
        %dma_wait3A_709 = tpu.memref_slice %arg4[%dma_wait3A_707, %dma_wait3A_708] : memref<4095x64xf32, #tpu.memory_space<vmem_shared>> -> memref<513x64xf32, #tpu.memory_space<vmem_shared>>
        tpu.wait_dma2 semaphore(%run_scoped3A : memref<!tpu.dma_semaphore, #tpu.memory_space<semaphore_mem>>) src(%arg2 : memref<513x64xf32, #tpu.memory_space<hbm>>) dst(%dma_wait3A_709 : memref<513x64xf32, #tpu.memory_space<vmem_shared>>)
        tpu.yield
      }) : () -> ()
      "tpu.region"() ({
        %run_scoped3A = tpu.sem_alloc : memref<!tpu.dma_semaphore, #tpu.memory_space<semaphore_mem>>
        %dma_start3A_704 = arith.constant 1790 : i32
        %dma_start3A_705 = arith.constant 0 : i32
        %dma_start3A_706 = tpu.memref_slice %arg4[%dma_start3A_704, %dma_start3A_705] : memref<4095x64xf32, #tpu.memory_space<vmem_shared>> -> memref<1x64xf32, #tpu.memory_space<vmem_shared>>
        %dma_start3A_707 = arith.constant 1791 : i32
        %dma_start3A_708 = arith.constant 0 : i32
        %dma_start3A_709 = tpu.memref_slice %arg4[%dma_start3A_707, %dma_start3A_708] : memref<4095x64xf32, #tpu.memory_space<vmem_shared>> -> memref<1x64xf32, #tpu.memory_space<vmem_shared>>
        tpu.enqueue_dma source(%dma_start3A_709 : memref<1x64xf32, #tpu.memory_space<vmem_shared>>) target(%dma_start3A_706 : memref<1x64xf32, #tpu.memory_space<vmem_shared>>) target_semaphore(%run_scoped3A : memref<!tpu.dma_semaphore, #tpu.memory_space<semaphore_mem>>)
        %dma_wait3A_710 = arith.constant 1790 : i32
        %dma_wait3A_711 = arith.constant 0 : i32
        %dma_wait3A_712 = tpu.memref_slice %arg4[%dma_wait3A_710, %dma_wait3A_711] : memref<4095x64xf32, #tpu.memory_space<vmem_shared>> -> memref<1x64xf32, #tpu.memory_space<vmem_shared>>
        %dma_wait3A_713 = arith.constant 1791 : i32
        %dma_wait3A_714 = arith.constant 0 : i32
        %dma_wait3A_715 = tpu.memref_slice %arg4[%dma_wait3A_713, %dma_wait3A_714] : memref<4095x64xf32, #tpu.memory_space<vmem_shared>> -> memref<1x64xf32, #tpu.memory_space<vmem_shared>>
        tpu.wait_dma2 semaphore(%run_scoped3A : memref<!tpu.dma_semaphore, #tpu.memory_space<semaphore_mem>>) src(%dma_wait3A_715 : memref<1x64xf32, #tpu.memory_space<vmem_shared>>) dst(%dma_wait3A_712 : memref<1x64xf32, #tpu.memory_space<vmem_shared>>)
        tpu.yield
      }) : () -> ()
      "tpu.region"() ({
        %run_scoped3A = tpu.sem_alloc : memref<!tpu.dma_semaphore, #tpu.memory_space<semaphore_mem>>
        %dma_start3A_704 = arith.constant 1788 : i32
        %dma_start3A_705 = arith.constant 0 : i32
        %dma_start3A_706 = tpu.memref_slice %arg4[%dma_start3A_704, %dma_start3A_705] : memref<4095x64xf32, #tpu.memory_space<vmem_shared>> -> memref<2x64xf32, #tpu.memory_space<vmem_shared>>
        %dma_start3A_707 = arith.constant 1790 : i32
        %dma_start3A_708 = arith.constant 0 : i32
        %dma_start3A_709 = tpu.memref_slice %arg4[%dma_start3A_707, %dma_start3A_708] : memref<4095x64xf32, #tpu.memory_space<vmem_shared>> -> memref<2x64xf32, #tpu.memory_space<vmem_shared>>
        tpu.enqueue_dma source(%dma_start3A_709 : memref<2x64xf32, #tpu.memory_space<vmem_shared>>) target(%dma_start3A_706 : memref<2x64xf32, #tpu.memory_space<vmem_shared>>) target_semaphore(%run_scoped3A : memref<!tpu.dma_semaphore, #tpu.memory_space<semaphore_mem>>)
        %dma_wait3A_710 = arith.constant 1788 : i32
        %dma_wait3A_711 = arith.constant 0 : i32
        %dma_wait3A_712 = tpu.memref_slice %arg4[%dma_wait3A_710, %dma_wait3A_711] : memref<4095x64xf32, #tpu.memory_space<vmem_shared>> -> memref<2x64xf32, #tpu.memory_space<vmem_shared>>
        %dma_wait3A_713 = arith.constant 1790 : i32
        %dma_wait3A_714 = arith.constant 0 : i32
        %dma_wait3A_715 = tpu.memref_slice %arg4[%dma_wait3A_713, %dma_wait3A_714] : memref<4095x64xf32, #tpu.memory_space<vmem_shared>> -> memref<2x64xf32, #tpu.memory_space<vmem_shared>>
        tpu.wait_dma2 semaphore(%run_scoped3A : memref<!tpu.dma_semaphore, #tpu.memory_space<semaphore_mem>>) src(%dma_wait3A_715 : memref<2x64xf32, #tpu.memory_space<vmem_shared>>) dst(%dma_wait3A_712 : memref<2x64xf32, #tpu.memory_space<vmem_shared>>)
        tpu.yield
      }) : () -> ()
      "tpu.region"() ({
        %run_scoped3A = tpu.sem_alloc : memref<!tpu.dma_semaphore, #tpu.memory_space<semaphore_mem>>
        %dma_start3A_704 = arith.constant 1784 : i32
        %dma_start3A_705 = arith.constant 0 : i32
        %dma_start3A_706 = tpu.memref_slice %arg4[%dma_start3A_704, %dma_start3A_705] : memref<4095x64xf32, #tpu.memory_space<vmem_shared>> -> memref<4x64xf32, #tpu.memory_space<vmem_shared>>
        %dma_start3A_707 = arith.constant 1788 : i32
        %dma_start3A_708 = arith.constant 0 : i32
        %dma_start3A_709 = tpu.memref_slice %arg4[%dma_start3A_707, %dma_start3A_708] : memref<4095x64xf32, #tpu.memory_space<vmem_shared>> -> memref<4x64xf32, #tpu.memory_space<vmem_shared>>
        tpu.enqueue_dma source(%dma_start3A_709 : memref<4x64xf32, #tpu.memory_space<vmem_shared>>) target(%dma_start3A_706 : memref<4x64xf32, #tpu.memory_space<vmem_shared>>) target_semaphore(%run_scoped3A : memref<!tpu.dma_semaphore, #tpu.memory_space<semaphore_mem>>)
        %dma_wait3A_710 = arith.constant 1784 : i32
        %dma_wait3A_711 = arith.constant 0 : i32
        %dma_wait3A_712 = tpu.memref_slice %arg4[%dma_wait3A_710, %dma_wait3A_711] : memref<4095x64xf32, #tpu.memory_space<vmem_shared>> -> memref<4x64xf32, #tpu.memory_space<vmem_shared>>
        %dma_wait3A_713 = arith.constant 1788 : i32
        %dma_wait3A_714 = arith.constant 0 : i32
        %dma_wait3A_715 = tpu.memref_slice %arg4[%dma_wait3A_713, %dma_wait3A_714] : memref<4095x64xf32, #tpu.memory_space<vmem_shared>> -> memref<4x64xf32, #tpu.memory_space<vmem_shared>>
        tpu.wait_dma2 semaphore(%run_scoped3A : memref<!tpu.dma_semaphore, #tpu.memory_space<semaphore_mem>>) src(%dma_wait3A_715 : memref<4x64xf32, #tpu.memory_space<vmem_shared>>) dst(%dma_wait3A_712 : memref<4x64xf32, #tpu.memory_space<vmem_shared>>)
        tpu.yield
      }) : () -> ()
      "tpu.region"() ({
        %run_scoped3A = tpu.sem_alloc : memref<!tpu.dma_semaphore, #tpu.memory_space<semaphore_mem>>
        %dma_start3A_704 = arith.constant 1776 : i32
        %dma_start3A_705 = arith.constant 0 : i32
        %dma_start3A_706 = tpu.memref_slice %arg4[%dma_start3A_704, %dma_start3A_705] : memref<4095x64xf32, #tpu.memory_space<vmem_shared>> -> memref<8x64xf32, #tpu.memory_space<vmem_shared>>
        %dma_start3A_707 = arith.constant 1784 : i32
        %dma_start3A_708 = arith.constant 0 : i32
        %dma_start3A_709 = tpu.memref_slice %arg4[%dma_start3A_707, %dma_start3A_708] : memref<4095x64xf32, #tpu.memory_space<vmem_shared>> -> memref<8x64xf32, #tpu.memory_space<vmem_shared>>
        tpu.enqueue_dma source(%dma_start3A_709 : memref<8x64xf32, #tpu.memory_space<vmem_shared>>) target(%dma_start3A_706 : memref<8x64xf32, #tpu.memory_space<vmem_shared>>) target_semaphore(%run_scoped3A : memref<!tpu.dma_semaphore, #tpu.memory_space<semaphore_mem>>)
        %dma_wait3A_710 = arith.constant 1776 : i32
        %dma_wait3A_711 = arith.constant 0 : i32
        %dma_wait3A_712 = tpu.memref_slice %arg4[%dma_wait3A_710, %dma_wait3A_711] : memref<4095x64xf32, #tpu.memory_space<vmem_shared>> -> memref<8x64xf32, #tpu.memory_space<vmem_shared>>
        %dma_wait3A_713 = arith.constant 1784 : i32
        %dma_wait3A_714 = arith.constant 0 : i32
        %dma_wait3A_715 = tpu.memref_slice %arg4[%dma_wait3A_713, %dma_wait3A_714] : memref<4095x64xf32, #tpu.memory_space<vmem_shared>> -> memref<8x64xf32, #tpu.memory_space<vmem_shared>>
        tpu.wait_dma2 semaphore(%run_scoped3A : memref<!tpu.dma_semaphore, #tpu.memory_space<semaphore_mem>>) src(%dma_wait3A_715 : memref<8x64xf32, #tpu.memory_space<vmem_shared>>) dst(%dma_wait3A_712 : memref<8x64xf32, #tpu.memory_space<vmem_shared>>)
        tpu.yield
      }) : () -> ()
      "tpu.region"() ({
        %run_scoped3A = tpu.sem_alloc : memref<!tpu.dma_semaphore, #tpu.memory_space<semaphore_mem>>
        %dma_start3A_704 = arith.constant 1760 : i32
        %dma_start3A_705 = arith.constant 0 : i32
        %dma_start3A_706 = tpu.memref_slice %arg4[%dma_start3A_704, %dma_start3A_705] : memref<4095x64xf32, #tpu.memory_space<vmem_shared>> -> memref<16x64xf32, #tpu.memory_space<vmem_shared>>
        %dma_start3A_707 = arith.constant 1776 : i32
        %dma_start3A_708 = arith.constant 0 : i32
        %dma_start3A_709 = tpu.memref_slice %arg4[%dma_start3A_707, %dma_start3A_708] : memref<4095x64xf32, #tpu.memory_space<vmem_shared>> -> memref<16x64xf32, #tpu.memory_space<vmem_shared>>
        tpu.enqueue_dma source(%dma_start3A_709 : memref<16x64xf32, #tpu.memory_space<vmem_shared>>) target(%dma_start3A_706 : memref<16x64xf32, #tpu.memory_space<vmem_shared>>) target_semaphore(%run_scoped3A : memref<!tpu.dma_semaphore, #tpu.memory_space<semaphore_mem>>)
        %dma_wait3A_710 = arith.constant 1760 : i32
        %dma_wait3A_711 = arith.constant 0 : i32
        %dma_wait3A_712 = tpu.memref_slice %arg4[%dma_wait3A_710, %dma_wait3A_711] : memref<4095x64xf32, #tpu.memory_space<vmem_shared>> -> memref<16x64xf32, #tpu.memory_space<vmem_shared>>
        %dma_wait3A_713 = arith.constant 1776 : i32
        %dma_wait3A_714 = arith.constant 0 : i32
        %dma_wait3A_715 = tpu.memref_slice %arg4[%dma_wait3A_713, %dma_wait3A_714] : memref<4095x64xf32, #tpu.memory_space<vmem_shared>> -> memref<16x64xf32, #tpu.memory_space<vmem_shared>>
        tpu.wait_dma2 semaphore(%run_scoped3A : memref<!tpu.dma_semaphore, #tpu.memory_space<semaphore_mem>>) src(%dma_wait3A_715 : memref<16x64xf32, #tpu.memory_space<vmem_shared>>) dst(%dma_wait3A_712 : memref<16x64xf32, #tpu.memory_space<vmem_shared>>)
        tpu.yield
      }) : () -> ()
      "tpu.region"() ({
        %run_scoped3A = tpu.sem_alloc : memref<!tpu.dma_semaphore, #tpu.memory_space<semaphore_mem>>
        %dma_start3A_704 = arith.constant 1728 : i32
        %dma_start3A_705 = arith.constant 0 : i32
        %dma_start3A_706 = tpu.memref_slice %arg4[%dma_start3A_704, %dma_start3A_705] : memref<4095x64xf32, #tpu.memory_space<vmem_shared>> -> memref<32x64xf32, #tpu.memory_space<vmem_shared>>
        %dma_start3A_707 = arith.constant 1760 : i32
        %dma_start3A_708 = arith.constant 0 : i32
        %dma_start3A_709 = tpu.memref_slice %arg4[%dma_start3A_707, %dma_start3A_708] : memref<4095x64xf32, #tpu.memory_space<vmem_shared>> -> memref<32x64xf32, #tpu.memory_space<vmem_shared>>
        tpu.enqueue_dma source(%dma_start3A_709 : memref<32x64xf32, #tpu.memory_space<vmem_shared>>) target(%dma_start3A_706 : memref<32x64xf32, #tpu.memory_space<vmem_shared>>) target_semaphore(%run_scoped3A : memref<!tpu.dma_semaphore, #tpu.memory_space<semaphore_mem>>)
        %dma_wait3A_710 = arith.constant 1728 : i32
        %dma_wait3A_711 = arith.constant 0 : i32
        %dma_wait3A_712 = tpu.memref_slice %arg4[%dma_wait3A_710, %dma_wait3A_711] : memref<4095x64xf32, #tpu.memory_space<vmem_shared>> -> memref<32x64xf32, #tpu.memory_space<vmem_shared>>
        %dma_wait3A_713 = arith.constant 1760 : i32
        %dma_wait3A_714 = arith.constant 0 : i32
        %dma_wait3A_715 = tpu.memref_slice %arg4[%dma_wait3A_713, %dma_wait3A_714] : memref<4095x64xf32, #tpu.memory_space<vmem_shared>> -> memref<32x64xf32, #tpu.memory_space<vmem_shared>>
        tpu.wait_dma2 semaphore(%run_scoped3A : memref<!tpu.dma_semaphore, #tpu.memory_space<semaphore_mem>>) src(%dma_wait3A_715 : memref<32x64xf32, #tpu.memory_space<vmem_shared>>) dst(%dma_wait3A_712 : memref<32x64xf32, #tpu.memory_space<vmem_shared>>)
        tpu.yield
      }) : () -> ()
      "tpu.region"() ({
        %run_scoped3A = tpu.sem_alloc : memref<!tpu.dma_semaphore, #tpu.memory_space<semaphore_mem>>
        %dma_start3A_704 = arith.constant 1664 : i32
        %dma_start3A_705 = arith.constant 0 : i32
        %dma_start3A_706 = tpu.memref_slice %arg4[%dma_start3A_704, %dma_start3A_705] : memref<4095x64xf32, #tpu.memory_space<vmem_shared>> -> memref<64x64xf32, #tpu.memory_space<vmem_shared>>
        %dma_start3A_707 = arith.constant 1728 : i32
        %dma_start3A_708 = arith.constant 0 : i32
        %dma_start3A_709 = tpu.memref_slice %arg4[%dma_start3A_707, %dma_start3A_708] : memref<4095x64xf32, #tpu.memory_space<vmem_shared>> -> memref<64x64xf32, #tpu.memory_space<vmem_shared>>
        tpu.enqueue_dma source(%dma_start3A_709 : memref<64x64xf32, #tpu.memory_space<vmem_shared>>) target(%dma_start3A_706 : memref<64x64xf32, #tpu.memory_space<vmem_shared>>) target_semaphore(%run_scoped3A : memref<!tpu.dma_semaphore, #tpu.memory_space<semaphore_mem>>)
        %dma_wait3A_710 = arith.constant 1664 : i32
        %dma_wait3A_711 = arith.constant 0 : i32
        %dma_wait3A_712 = tpu.memref_slice %arg4[%dma_wait3A_710, %dma_wait3A_711] : memref<4095x64xf32, #tpu.memory_space<vmem_shared>> -> memref<64x64xf32, #tpu.memory_space<vmem_shared>>
        %dma_wait3A_713 = arith.constant 1728 : i32
        %dma_wait3A_714 = arith.constant 0 : i32
        %dma_wait3A_715 = tpu.memref_slice %arg4[%dma_wait3A_713, %dma_wait3A_714] : memref<4095x64xf32, #tpu.memory_space<vmem_shared>> -> memref<64x64xf32, #tpu.memory_space<vmem_shared>>
        tpu.wait_dma2 semaphore(%run_scoped3A : memref<!tpu.dma_semaphore, #tpu.memory_space<semaphore_mem>>) src(%dma_wait3A_715 : memref<64x64xf32, #tpu.memory_space<vmem_shared>>) dst(%dma_wait3A_712 : memref<64x64xf32, #tpu.memory_space<vmem_shared>>)
        tpu.yield
      }) : () -> ()
      "tpu.region"() ({
        %run_scoped3A = tpu.sem_alloc : memref<!tpu.dma_semaphore, #tpu.memory_space<semaphore_mem>>
        %dma_start3A_704 = arith.constant 1536 : i32
        %dma_start3A_705 = arith.constant 0 : i32
        %dma_start3A_706 = tpu.memref_slice %arg4[%dma_start3A_704, %dma_start3A_705] : memref<4095x64xf32, #tpu.memory_space<vmem_shared>> -> memref<128x64xf32, #tpu.memory_space<vmem_shared>>
        %dma_start3A_707 = arith.constant 1664 : i32
        %dma_start3A_708 = arith.constant 0 : i32
        %dma_start3A_709 = tpu.memref_slice %arg4[%dma_start3A_707, %dma_start3A_708] : memref<4095x64xf32, #tpu.memory_space<vmem_shared>> -> memref<128x64xf32, #tpu.memory_space<vmem_shared>>
        tpu.enqueue_dma source(%dma_start3A_709 : memref<128x64xf32, #tpu.memory_space<vmem_shared>>) target(%dma_start3A_706 : memref<128x64xf32, #tpu.memory_space<vmem_shared>>) target_semaphore(%run_scoped3A : memref<!tpu.dma_semaphore, #tpu.memory_space<semaphore_mem>>)
        %dma_wait3A_710 = arith.constant 1536 : i32
        %dma_wait3A_711 = arith.constant 0 : i32
        %dma_wait3A_712 = tpu.memref_slice %arg4[%dma_wait3A_710, %dma_wait3A_711] : memref<4095x64xf32, #tpu.memory_space<vmem_shared>> -> memref<128x64xf32, #tpu.memory_space<vmem_shared>>
        %dma_wait3A_713 = arith.constant 1664 : i32
        %dma_wait3A_714 = arith.constant 0 : i32
        %dma_wait3A_715 = tpu.memref_slice %arg4[%dma_wait3A_713, %dma_wait3A_714] : memref<4095x64xf32, #tpu.memory_space<vmem_shared>> -> memref<128x64xf32, #tpu.memory_space<vmem_shared>>
        tpu.wait_dma2 semaphore(%run_scoped3A : memref<!tpu.dma_semaphore, #tpu.memory_space<semaphore_mem>>) src(%dma_wait3A_715 : memref<128x64xf32, #tpu.memory_space<vmem_shared>>) dst(%dma_wait3A_712 : memref<128x64xf32, #tpu.memory_space<vmem_shared>>)
        tpu.yield
      }) : () -> ()
      "tpu.region"() ({
        %run_scoped3A = tpu.sem_alloc : memref<!tpu.dma_semaphore, #tpu.memory_space<semaphore_mem>>
        %dma_start3A_704 = arith.constant 1280 : i32
        %dma_start3A_705 = arith.constant 0 : i32
        %dma_start3A_706 = tpu.memref_slice %arg4[%dma_start3A_704, %dma_start3A_705] : memref<4095x64xf32, #tpu.memory_space<vmem_shared>> -> memref<256x64xf32, #tpu.memory_space<vmem_shared>>
        %dma_start3A_707 = arith.constant 1536 : i32
        %dma_start3A_708 = arith.constant 0 : i32
        %dma_start3A_709 = tpu.memref_slice %arg4[%dma_start3A_707, %dma_start3A_708] : memref<4095x64xf32, #tpu.memory_space<vmem_shared>> -> memref<256x64xf32, #tpu.memory_space<vmem_shared>>
        tpu.enqueue_dma source(%dma_start3A_709 : memref<256x64xf32, #tpu.memory_space<vmem_shared>>) target(%dma_start3A_706 : memref<256x64xf32, #tpu.memory_space<vmem_shared>>) target_semaphore(%run_scoped3A : memref<!tpu.dma_semaphore, #tpu.memory_space<semaphore_mem>>)
        %dma_wait3A_710 = arith.constant 1280 : i32
        %dma_wait3A_711 = arith.constant 0 : i32
        %dma_wait3A_712 = tpu.memref_slice %arg4[%dma_wait3A_710, %dma_wait3A_711] : memref<4095x64xf32, #tpu.memory_space<vmem_shared>> -> memref<256x64xf32, #tpu.memory_space<vmem_shared>>
        %dma_wait3A_713 = arith.constant 1536 : i32
        %dma_wait3A_714 = arith.constant 0 : i32
        %dma_wait3A_715 = tpu.memref_slice %arg4[%dma_wait3A_713, %dma_wait3A_714] : memref<4095x64xf32, #tpu.memory_space<vmem_shared>> -> memref<256x64xf32, #tpu.memory_space<vmem_shared>>
        tpu.wait_dma2 semaphore(%run_scoped3A : memref<!tpu.dma_semaphore, #tpu.memory_space<semaphore_mem>>) src(%dma_wait3A_715 : memref<256x64xf32, #tpu.memory_space<vmem_shared>>) dst(%dma_wait3A_712 : memref<256x64xf32, #tpu.memory_space<vmem_shared>>)
        tpu.yield
      }) : () -> ()
      "tpu.region"() ({
        %run_scoped3A = tpu.sem_alloc : memref<!tpu.dma_semaphore, #tpu.memory_space<semaphore_mem>>
        %dma_start3A_704 = arith.constant 768 : i32
        %dma_start3A_705 = arith.constant 0 : i32
        %dma_start3A_706 = tpu.memref_slice %arg4[%dma_start3A_704, %dma_start3A_705] : memref<4095x64xf32, #tpu.memory_space<vmem_shared>> -> memref<512x64xf32, #tpu.memory_space<vmem_shared>>
        %dma_start3A_707 = arith.constant 1280 : i32
        %dma_start3A_708 = arith.constant 0 : i32
        %dma_start3A_709 = tpu.memref_slice %arg4[%dma_start3A_707, %dma_start3A_708] : memref<4095x64xf32, #tpu.memory_space<vmem_shared>> -> memref<512x64xf32, #tpu.memory_space<vmem_shared>>
        tpu.enqueue_dma source(%dma_start3A_709 : memref<512x64xf32, #tpu.memory_space<vmem_shared>>) target(%dma_start3A_706 : memref<512x64xf32, #tpu.memory_space<vmem_shared>>) target_semaphore(%run_scoped3A : memref<!tpu.dma_semaphore, #tpu.memory_space<semaphore_mem>>)
        %dma_wait3A_710 = arith.constant 768 : i32
        %dma_wait3A_711 = arith.constant 0 : i32
        %dma_wait3A_712 = tpu.memref_slice %arg4[%dma_wait3A_710, %dma_wait3A_711] : memref<4095x64xf32, #tpu.memory_space<vmem_shared>> -> memref<512x64xf32, #tpu.memory_space<vmem_shared>>
        %dma_wait3A_713 = arith.constant 1280 : i32
        %dma_wait3A_714 = arith.constant 0 : i32
        %dma_wait3A_715 = tpu.memref_slice %arg4[%dma_wait3A_713, %dma_wait3A_714] : memref<4095x64xf32, #tpu.memory_space<vmem_shared>> -> memref<512x64xf32, #tpu.memory_space<vmem_shared>>
        tpu.wait_dma2 semaphore(%run_scoped3A : memref<!tpu.dma_semaphore, #tpu.memory_space<semaphore_mem>>) src(%dma_wait3A_715 : memref<512x64xf32, #tpu.memory_space<vmem_shared>>) dst(%dma_wait3A_712 : memref<512x64xf32, #tpu.memory_space<vmem_shared>>)
        tpu.yield
      }) : () -> ()
      "tpu.region"() ({
        %run_scoped3A = tpu.sem_alloc : memref<!tpu.dma_semaphore, #tpu.memory_space<semaphore_mem>>
        %dma_start3A_704 = arith.constant 0 : i32
        %dma_start3A_705 = arith.constant 0 : i32
        %dma_start3A_706 = tpu.memref_slice %arg4[%dma_start3A_704, %dma_start3A_705] : memref<4095x64xf32, #tpu.memory_space<vmem_shared>> -> memref<768x64xf32, #tpu.memory_space<vmem_shared>>
        %dma_start3A_707 = arith.constant 1024 : i32
        %dma_start3A_708 = arith.constant 0 : i32
        %dma_start3A_709 = tpu.memref_slice %arg4[%dma_start3A_707, %dma_start3A_708] : memref<4095x64xf32, #tpu.memory_space<vmem_shared>> -> memref<768x64xf32, #tpu.memory_space<vmem_shared>>
        tpu.enqueue_dma source(%dma_start3A_709 : memref<768x64xf32, #tpu.memory_space<vmem_shared>>) target(%dma_start3A_706 : memref<768x64xf32, #tpu.memory_space<vmem_shared>>) target_semaphore(%run_scoped3A : memref<!tpu.dma_semaphore, #tpu.memory_space<semaphore_mem>>)
        %dma_wait3A_710 = arith.constant 0 : i32
        %dma_wait3A_711 = arith.constant 0 : i32
        %dma_wait3A_712 = tpu.memref_slice %arg4[%dma_wait3A_710, %dma_wait3A_711] : memref<4095x64xf32, #tpu.memory_space<vmem_shared>> -> memref<768x64xf32, #tpu.memory_space<vmem_shared>>
        %dma_wait3A_713 = arith.constant 1024 : i32
        %dma_wait3A_714 = arith.constant 0 : i32
        %dma_wait3A_715 = tpu.memref_slice %arg4[%dma_wait3A_713, %dma_wait3A_714] : memref<4095x64xf32, #tpu.memory_space<vmem_shared>> -> memref<768x64xf32, #tpu.memory_space<vmem_shared>>
        tpu.wait_dma2 semaphore(%run_scoped3A : memref<!tpu.dma_semaphore, #tpu.memory_space<semaphore_mem>>) src(%dma_wait3A_715 : memref<768x64xf32, #tpu.memory_space<vmem_shared>>) dst(%dma_wait3A_712 : memref<768x64xf32, #tpu.memory_space<vmem_shared>>)
        tpu.yield
      }) : () -> ()
      "tpu.region"() ({
        %run_scoped3A = tpu.sem_alloc : memref<!tpu.dma_semaphore, #tpu.memory_space<semaphore_mem>>
        %dma_start3A_704 = arith.constant 2304 : i32
        %dma_start3A_705 = arith.constant 0 : i32
        %dma_start3A_706 = tpu.memref_slice %arg4[%dma_start3A_704, %dma_start3A_705] : memref<4095x64xf32, #tpu.memory_space<vmem_shared>> -> memref<1x64xf32, #tpu.memory_space<vmem_shared>>
        %dma_start3A_707 = arith.constant 2303 : i32
        %dma_start3A_708 = arith.constant 0 : i32
        %dma_start3A_709 = tpu.memref_slice %arg4[%dma_start3A_707, %dma_start3A_708] : memref<4095x64xf32, #tpu.memory_space<vmem_shared>> -> memref<1x64xf32, #tpu.memory_space<vmem_shared>>
        tpu.enqueue_dma source(%dma_start3A_709 : memref<1x64xf32, #tpu.memory_space<vmem_shared>>) target(%dma_start3A_706 : memref<1x64xf32, #tpu.memory_space<vmem_shared>>) target_semaphore(%run_scoped3A : memref<!tpu.dma_semaphore, #tpu.memory_space<semaphore_mem>>)
        %dma_wait3A_710 = arith.constant 2304 : i32
        %dma_wait3A_711 = arith.constant 0 : i32
        %dma_wait3A_712 = tpu.memref_slice %arg4[%dma_wait3A_710, %dma_wait3A_711] : memref<4095x64xf32, #tpu.memory_space<vmem_shared>> -> memref<1x64xf32, #tpu.memory_space<vmem_shared>>
        %dma_wait3A_713 = arith.constant 2303 : i32
        %dma_wait3A_714 = arith.constant 0 : i32
        %dma_wait3A_715 = tpu.memref_slice %arg4[%dma_wait3A_713, %dma_wait3A_714] : memref<4095x64xf32, #tpu.memory_space<vmem_shared>> -> memref<1x64xf32, #tpu.memory_space<vmem_shared>>
        tpu.wait_dma2 semaphore(%run_scoped3A : memref<!tpu.dma_semaphore, #tpu.memory_space<semaphore_mem>>) src(%dma_wait3A_715 : memref<1x64xf32, #tpu.memory_space<vmem_shared>>) dst(%dma_wait3A_712 : memref<1x64xf32, #tpu.memory_space<vmem_shared>>)
        tpu.yield
      }) : () -> ()
      "tpu.region"() ({
        %run_scoped3A = tpu.sem_alloc : memref<!tpu.dma_semaphore, #tpu.memory_space<semaphore_mem>>
        %dma_start3A_704 = arith.constant 2305 : i32
        %dma_start3A_705 = arith.constant 0 : i32
        %dma_start3A_706 = tpu.memref_slice %arg4[%dma_start3A_704, %dma_start3A_705] : memref<4095x64xf32, #tpu.memory_space<vmem_shared>> -> memref<2x64xf32, #tpu.memory_space<vmem_shared>>
        %dma_start3A_707 = arith.constant 2303 : i32
        %dma_start3A_708 = arith.constant 0 : i32
        %dma_start3A_709 = tpu.memref_slice %arg4[%dma_start3A_707, %dma_start3A_708] : memref<4095x64xf32, #tpu.memory_space<vmem_shared>> -> memref<2x64xf32, #tpu.memory_space<vmem_shared>>
        tpu.enqueue_dma source(%dma_start3A_709 : memref<2x64xf32, #tpu.memory_space<vmem_shared>>) target(%dma_start3A_706 : memref<2x64xf32, #tpu.memory_space<vmem_shared>>) target_semaphore(%run_scoped3A : memref<!tpu.dma_semaphore, #tpu.memory_space<semaphore_mem>>)
        %dma_wait3A_710 = arith.constant 2305 : i32
        %dma_wait3A_711 = arith.constant 0 : i32
        %dma_wait3A_712 = tpu.memref_slice %arg4[%dma_wait3A_710, %dma_wait3A_711] : memref<4095x64xf32, #tpu.memory_space<vmem_shared>> -> memref<2x64xf32, #tpu.memory_space<vmem_shared>>
        %dma_wait3A_713 = arith.constant 2303 : i32
        %dma_wait3A_714 = arith.constant 0 : i32
        %dma_wait3A_715 = tpu.memref_slice %arg4[%dma_wait3A_713, %dma_wait3A_714] : memref<4095x64xf32, #tpu.memory_space<vmem_shared>> -> memref<2x64xf32, #tpu.memory_space<vmem_shared>>
        tpu.wait_dma2 semaphore(%run_scoped3A : memref<!tpu.dma_semaphore, #tpu.memory_space<semaphore_mem>>) src(%dma_wait3A_715 : memref<2x64xf32, #tpu.memory_space<vmem_shared>>) dst(%dma_wait3A_712 : memref<2x64xf32, #tpu.memory_space<vmem_shared>>)
        tpu.yield
      }) : () -> ()
      "tpu.region"() ({
        %run_scoped3A = tpu.sem_alloc : memref<!tpu.dma_semaphore, #tpu.memory_space<semaphore_mem>>
        %dma_start3A_704 = arith.constant 2307 : i32
        %dma_start3A_705 = arith.constant 0 : i32
        %dma_start3A_706 = tpu.memref_slice %arg4[%dma_start3A_704, %dma_start3A_705] : memref<4095x64xf32, #tpu.memory_space<vmem_shared>> -> memref<4x64xf32, #tpu.memory_space<vmem_shared>>
        %dma_start3A_707 = arith.constant 2303 : i32
        %dma_start3A_708 = arith.constant 0 : i32
        %dma_start3A_709 = tpu.memref_slice %arg4[%dma_start3A_707, %dma_start3A_708] : memref<4095x64xf32, #tpu.memory_space<vmem_shared>> -> memref<4x64xf32, #tpu.memory_space<vmem_shared>>
        tpu.enqueue_dma source(%dma_start3A_709 : memref<4x64xf32, #tpu.memory_space<vmem_shared>>) target(%dma_start3A_706 : memref<4x64xf32, #tpu.memory_space<vmem_shared>>) target_semaphore(%run_scoped3A : memref<!tpu.dma_semaphore, #tpu.memory_space<semaphore_mem>>)
        %dma_wait3A_710 = arith.constant 2307 : i32
        %dma_wait3A_711 = arith.constant 0 : i32
        %dma_wait3A_712 = tpu.memref_slice %arg4[%dma_wait3A_710, %dma_wait3A_711] : memref<4095x64xf32, #tpu.memory_space<vmem_shared>> -> memref<4x64xf32, #tpu.memory_space<vmem_shared>>
        %dma_wait3A_713 = arith.constant 2303 : i32
        %dma_wait3A_714 = arith.constant 0 : i32
        %dma_wait3A_715 = tpu.memref_slice %arg4[%dma_wait3A_713, %dma_wait3A_714] : memref<4095x64xf32, #tpu.memory_space<vmem_shared>> -> memref<4x64xf32, #tpu.memory_space<vmem_shared>>
        tpu.wait_dma2 semaphore(%run_scoped3A : memref<!tpu.dma_semaphore, #tpu.memory_space<semaphore_mem>>) src(%dma_wait3A_715 : memref<4x64xf32, #tpu.memory_space<vmem_shared>>) dst(%dma_wait3A_712 : memref<4x64xf32, #tpu.memory_space<vmem_shared>>)
        tpu.yield
      }) : () -> ()
      "tpu.region"() ({
        %run_scoped3A = tpu.sem_alloc : memref<!tpu.dma_semaphore, #tpu.memory_space<semaphore_mem>>
        %dma_start3A_704 = arith.constant 2311 : i32
        %dma_start3A_705 = arith.constant 0 : i32
        %dma_start3A_706 = tpu.memref_slice %arg4[%dma_start3A_704, %dma_start3A_705] : memref<4095x64xf32, #tpu.memory_space<vmem_shared>> -> memref<8x64xf32, #tpu.memory_space<vmem_shared>>
        %dma_start3A_707 = arith.constant 2303 : i32
        %dma_start3A_708 = arith.constant 0 : i32
        %dma_start3A_709 = tpu.memref_slice %arg4[%dma_start3A_707, %dma_start3A_708] : memref<4095x64xf32, #tpu.memory_space<vmem_shared>> -> memref<8x64xf32, #tpu.memory_space<vmem_shared>>
        tpu.enqueue_dma source(%dma_start3A_709 : memref<8x64xf32, #tpu.memory_space<vmem_shared>>) target(%dma_start3A_706 : memref<8x64xf32, #tpu.memory_space<vmem_shared>>) target_semaphore(%run_scoped3A : memref<!tpu.dma_semaphore, #tpu.memory_space<semaphore_mem>>)
        %dma_wait3A_710 = arith.constant 2311 : i32
        %dma_wait3A_711 = arith.constant 0 : i32
        %dma_wait3A_712 = tpu.memref_slice %arg4[%dma_wait3A_710, %dma_wait3A_711] : memref<4095x64xf32, #tpu.memory_space<vmem_shared>> -> memref<8x64xf32, #tpu.memory_space<vmem_shared>>
        %dma_wait3A_713 = arith.constant 2303 : i32
        %dma_wait3A_714 = arith.constant 0 : i32
        %dma_wait3A_715 = tpu.memref_slice %arg4[%dma_wait3A_713, %dma_wait3A_714] : memref<4095x64xf32, #tpu.memory_space<vmem_shared>> -> memref<8x64xf32, #tpu.memory_space<vmem_shared>>
        tpu.wait_dma2 semaphore(%run_scoped3A : memref<!tpu.dma_semaphore, #tpu.memory_space<semaphore_mem>>) src(%dma_wait3A_715 : memref<8x64xf32, #tpu.memory_space<vmem_shared>>) dst(%dma_wait3A_712 : memref<8x64xf32, #tpu.memory_space<vmem_shared>>)
        tpu.yield
      }) : () -> ()
      "tpu.region"() ({
        %run_scoped3A = tpu.sem_alloc : memref<!tpu.dma_semaphore, #tpu.memory_space<semaphore_mem>>
        %dma_start3A_704 = arith.constant 2319 : i32
        %dma_start3A_705 = arith.constant 0 : i32
        %dma_start3A_706 = tpu.memref_slice %arg4[%dma_start3A_704, %dma_start3A_705] : memref<4095x64xf32, #tpu.memory_space<vmem_shared>> -> memref<16x64xf32, #tpu.memory_space<vmem_shared>>
        %dma_start3A_707 = arith.constant 2303 : i32
        %dma_start3A_708 = arith.constant 0 : i32
        %dma_start3A_709 = tpu.memref_slice %arg4[%dma_start3A_707, %dma_start3A_708] : memref<4095x64xf32, #tpu.memory_space<vmem_shared>> -> memref<16x64xf32, #tpu.memory_space<vmem_shared>>
        tpu.enqueue_dma source(%dma_start3A_709 : memref<16x64xf32, #tpu.memory_space<vmem_shared>>) target(%dma_start3A_706 : memref<16x64xf32, #tpu.memory_space<vmem_shared>>) target_semaphore(%run_scoped3A : memref<!tpu.dma_semaphore, #tpu.memory_space<semaphore_mem>>)
        %dma_wait3A_710 = arith.constant 2319 : i32
        %dma_wait3A_711 = arith.constant 0 : i32
        %dma_wait3A_712 = tpu.memref_slice %arg4[%dma_wait3A_710, %dma_wait3A_711] : memref<4095x64xf32, #tpu.memory_space<vmem_shared>> -> memref<16x64xf32, #tpu.memory_space<vmem_shared>>
        %dma_wait3A_713 = arith.constant 2303 : i32
        %dma_wait3A_714 = arith.constant 0 : i32
        %dma_wait3A_715 = tpu.memref_slice %arg4[%dma_wait3A_713, %dma_wait3A_714] : memref<4095x64xf32, #tpu.memory_space<vmem_shared>> -> memref<16x64xf32, #tpu.memory_space<vmem_shared>>
        tpu.wait_dma2 semaphore(%run_scoped3A : memref<!tpu.dma_semaphore, #tpu.memory_space<semaphore_mem>>) src(%dma_wait3A_715 : memref<16x64xf32, #tpu.memory_space<vmem_shared>>) dst(%dma_wait3A_712 : memref<16x64xf32, #tpu.memory_space<vmem_shared>>)
        tpu.yield
      }) : () -> ()
      "tpu.region"() ({
        %run_scoped3A = tpu.sem_alloc : memref<!tpu.dma_semaphore, #tpu.memory_space<semaphore_mem>>
        %dma_start3A_704 = arith.constant 2335 : i32
        %dma_start3A_705 = arith.constant 0 : i32
        %dma_start3A_706 = tpu.memref_slice %arg4[%dma_start3A_704, %dma_start3A_705] : memref<4095x64xf32, #tpu.memory_space<vmem_shared>> -> memref<32x64xf32, #tpu.memory_space<vmem_shared>>
        %dma_start3A_707 = arith.constant 2303 : i32
        %dma_start3A_708 = arith.constant 0 : i32
        %dma_start3A_709 = tpu.memref_slice %arg4[%dma_start3A_707, %dma_start3A_708] : memref<4095x64xf32, #tpu.memory_space<vmem_shared>> -> memref<32x64xf32, #tpu.memory_space<vmem_shared>>
        tpu.enqueue_dma source(%dma_start3A_709 : memref<32x64xf32, #tpu.memory_space<vmem_shared>>) target(%dma_start3A_706 : memref<32x64xf32, #tpu.memory_space<vmem_shared>>) target_semaphore(%run_scoped3A : memref<!tpu.dma_semaphore, #tpu.memory_space<semaphore_mem>>)
        %dma_wait3A_710 = arith.constant 2335 : i32
        %dma_wait3A_711 = arith.constant 0 : i32
        %dma_wait3A_712 = tpu.memref_slice %arg4[%dma_wait3A_710, %dma_wait3A_711] : memref<4095x64xf32, #tpu.memory_space<vmem_shared>> -> memref<32x64xf32, #tpu.memory_space<vmem_shared>>
        %dma_wait3A_713 = arith.constant 2303 : i32
        %dma_wait3A_714 = arith.constant 0 : i32
        %dma_wait3A_715 = tpu.memref_slice %arg4[%dma_wait3A_713, %dma_wait3A_714] : memref<4095x64xf32, #tpu.memory_space<vmem_shared>> -> memref<32x64xf32, #tpu.memory_space<vmem_shared>>
        tpu.wait_dma2 semaphore(%run_scoped3A : memref<!tpu.dma_semaphore, #tpu.memory_space<semaphore_mem>>) src(%dma_wait3A_715 : memref<32x64xf32, #tpu.memory_space<vmem_shared>>) dst(%dma_wait3A_712 : memref<32x64xf32, #tpu.memory_space<vmem_shared>>)
        tpu.yield
      }) : () -> ()
      "tpu.region"() ({
        %run_scoped3A = tpu.sem_alloc : memref<!tpu.dma_semaphore, #tpu.memory_space<semaphore_mem>>
        %dma_start3A_704 = arith.constant 2367 : i32
        %dma_start3A_705 = arith.constant 0 : i32
        %dma_start3A_706 = tpu.memref_slice %arg4[%dma_start3A_704, %dma_start3A_705] : memref<4095x64xf32, #tpu.memory_space<vmem_shared>> -> memref<64x64xf32, #tpu.memory_space<vmem_shared>>
        %dma_start3A_707 = arith.constant 2303 : i32
        %dma_start3A_708 = arith.constant 0 : i32
        %dma_start3A_709 = tpu.memref_slice %arg4[%dma_start3A_707, %dma_start3A_708] : memref<4095x64xf32, #tpu.memory_space<vmem_shared>> -> memref<64x64xf32, #tpu.memory_space<vmem_shared>>
        tpu.enqueue_dma source(%dma_start3A_709 : memref<64x64xf32, #tpu.memory_space<vmem_shared>>) target(%dma_start3A_706 : memref<64x64xf32, #tpu.memory_space<vmem_shared>>) target_semaphore(%run_scoped3A : memref<!tpu.dma_semaphore, #tpu.memory_space<semaphore_mem>>)
        %dma_wait3A_710 = arith.constant 2367 : i32
        %dma_wait3A_711 = arith.constant 0 : i32
        %dma_wait3A_712 = tpu.memref_slice %arg4[%dma_wait3A_710, %dma_wait3A_711] : memref<4095x64xf32, #tpu.memory_space<vmem_shared>> -> memref<64x64xf32, #tpu.memory_space<vmem_shared>>
        %dma_wait3A_713 = arith.constant 2303 : i32
        %dma_wait3A_714 = arith.constant 0 : i32
        %dma_wait3A_715 = tpu.memref_slice %arg4[%dma_wait3A_713, %dma_wait3A_714] : memref<4095x64xf32, #tpu.memory_space<vmem_shared>> -> memref<64x64xf32, #tpu.memory_space<vmem_shared>>
        tpu.wait_dma2 semaphore(%run_scoped3A : memref<!tpu.dma_semaphore, #tpu.memory_space<semaphore_mem>>) src(%dma_wait3A_715 : memref<64x64xf32, #tpu.memory_space<vmem_shared>>) dst(%dma_wait3A_712 : memref<64x64xf32, #tpu.memory_space<vmem_shared>>)
        tpu.yield
      }) : () -> ()
      "tpu.region"() ({
        %run_scoped3A = tpu.sem_alloc : memref<!tpu.dma_semaphore, #tpu.memory_space<semaphore_mem>>
        %dma_start3A_704 = arith.constant 2431 : i32
        %dma_start3A_705 = arith.constant 0 : i32
        %dma_start3A_706 = tpu.memref_slice %arg4[%dma_start3A_704, %dma_start3A_705] : memref<4095x64xf32, #tpu.memory_space<vmem_shared>> -> memref<128x64xf32, #tpu.memory_space<vmem_shared>>
        %dma_start3A_707 = arith.constant 2303 : i32
        %dma_start3A_708 = arith.constant 0 : i32
        %dma_start3A_709 = tpu.memref_slice %arg4[%dma_start3A_707, %dma_start3A_708] : memref<4095x64xf32, #tpu.memory_space<vmem_shared>> -> memref<128x64xf32, #tpu.memory_space<vmem_shared>>
        tpu.enqueue_dma source(%dma_start3A_709 : memref<128x64xf32, #tpu.memory_space<vmem_shared>>) target(%dma_start3A_706 : memref<128x64xf32, #tpu.memory_space<vmem_shared>>) target_semaphore(%run_scoped3A : memref<!tpu.dma_semaphore, #tpu.memory_space<semaphore_mem>>)
        %dma_wait3A_710 = arith.constant 2431 : i32
        %dma_wait3A_711 = arith.constant 0 : i32
        %dma_wait3A_712 = tpu.memref_slice %arg4[%dma_wait3A_710, %dma_wait3A_711] : memref<4095x64xf32, #tpu.memory_space<vmem_shared>> -> memref<128x64xf32, #tpu.memory_space<vmem_shared>>
        %dma_wait3A_713 = arith.constant 2303 : i32
        %dma_wait3A_714 = arith.constant 0 : i32
        %dma_wait3A_715 = tpu.memref_slice %arg4[%dma_wait3A_713, %dma_wait3A_714] : memref<4095x64xf32, #tpu.memory_space<vmem_shared>> -> memref<128x64xf32, #tpu.memory_space<vmem_shared>>
        tpu.wait_dma2 semaphore(%run_scoped3A : memref<!tpu.dma_semaphore, #tpu.memory_space<semaphore_mem>>) src(%dma_wait3A_715 : memref<128x64xf32, #tpu.memory_space<vmem_shared>>) dst(%dma_wait3A_712 : memref<128x64xf32, #tpu.memory_space<vmem_shared>>)
        tpu.yield
      }) : () -> ()
      "tpu.region"() ({
        %run_scoped3A = tpu.sem_alloc : memref<!tpu.dma_semaphore, #tpu.memory_space<semaphore_mem>>
        %dma_start3A_704 = arith.constant 2559 : i32
        %dma_start3A_705 = arith.constant 0 : i32
        %dma_start3A_706 = tpu.memref_slice %arg4[%dma_start3A_704, %dma_start3A_705] : memref<4095x64xf32, #tpu.memory_space<vmem_shared>> -> memref<256x64xf32, #tpu.memory_space<vmem_shared>>
        %dma_start3A_707 = arith.constant 2303 : i32
        %dma_start3A_708 = arith.constant 0 : i32
        %dma_start3A_709 = tpu.memref_slice %arg4[%dma_start3A_707, %dma_start3A_708] : memref<4095x64xf32, #tpu.memory_space<vmem_shared>> -> memref<256x64xf32, #tpu.memory_space<vmem_shared>>
        tpu.enqueue_dma source(%dma_start3A_709 : memref<256x64xf32, #tpu.memory_space<vmem_shared>>) target(%dma_start3A_706 : memref<256x64xf32, #tpu.memory_space<vmem_shared>>) target_semaphore(%run_scoped3A : memref<!tpu.dma_semaphore, #tpu.memory_space<semaphore_mem>>)
        %dma_wait3A_710 = arith.constant 2559 : i32
        %dma_wait3A_711 = arith.constant 0 : i32
        %dma_wait3A_712 = tpu.memref_slice %arg4[%dma_wait3A_710, %dma_wait3A_711] : memref<4095x64xf32, #tpu.memory_space<vmem_shared>> -> memref<256x64xf32, #tpu.memory_space<vmem_shared>>
        %dma_wait3A_713 = arith.constant 2303 : i32
        %dma_wait3A_714 = arith.constant 0 : i32
        %dma_wait3A_715 = tpu.memref_slice %arg4[%dma_wait3A_713, %dma_wait3A_714] : memref<4095x64xf32, #tpu.memory_space<vmem_shared>> -> memref<256x64xf32, #tpu.memory_space<vmem_shared>>
        tpu.wait_dma2 semaphore(%run_scoped3A : memref<!tpu.dma_semaphore, #tpu.memory_space<semaphore_mem>>) src(%dma_wait3A_715 : memref<256x64xf32, #tpu.memory_space<vmem_shared>>) dst(%dma_wait3A_712 : memref<256x64xf32, #tpu.memory_space<vmem_shared>>)
        tpu.yield
      }) : () -> ()
      "tpu.region"() ({
        %run_scoped3A = tpu.sem_alloc : memref<!tpu.dma_semaphore, #tpu.memory_space<semaphore_mem>>
        %dma_start3A_704 = arith.constant 2815 : i32
        %dma_start3A_705 = arith.constant 0 : i32
        %dma_start3A_706 = tpu.memref_slice %arg4[%dma_start3A_704, %dma_start3A_705] : memref<4095x64xf32, #tpu.memory_space<vmem_shared>> -> memref<512x64xf32, #tpu.memory_space<vmem_shared>>
        %dma_start3A_707 = arith.constant 2303 : i32
        %dma_start3A_708 = arith.constant 0 : i32
        %dma_start3A_709 = tpu.memref_slice %arg4[%dma_start3A_707, %dma_start3A_708] : memref<4095x64xf32, #tpu.memory_space<vmem_shared>> -> memref<512x64xf32, #tpu.memory_space<vmem_shared>>
        tpu.enqueue_dma source(%dma_start3A_709 : memref<512x64xf32, #tpu.memory_space<vmem_shared>>) target(%dma_start3A_706 : memref<512x64xf32, #tpu.memory_space<vmem_shared>>) target_semaphore(%run_scoped3A : memref<!tpu.dma_semaphore, #tpu.memory_space<semaphore_mem>>)
        %dma_wait3A_710 = arith.constant 2815 : i32
        %dma_wait3A_711 = arith.constant 0 : i32
        %dma_wait3A_712 = tpu.memref_slice %arg4[%dma_wait3A_710, %dma_wait3A_711] : memref<4095x64xf32, #tpu.memory_space<vmem_shared>> -> memref<512x64xf32, #tpu.memory_space<vmem_shared>>
        %dma_wait3A_713 = arith.constant 2303 : i32
        %dma_wait3A_714 = arith.constant 0 : i32
        %dma_wait3A_715 = tpu.memref_slice %arg4[%dma_wait3A_713, %dma_wait3A_714] : memref<4095x64xf32, #tpu.memory_space<vmem_shared>> -> memref<512x64xf32, #tpu.memory_space<vmem_shared>>
        tpu.wait_dma2 semaphore(%run_scoped3A : memref<!tpu.dma_semaphore, #tpu.memory_space<semaphore_mem>>) src(%dma_wait3A_715 : memref<512x64xf32, #tpu.memory_space<vmem_shared>>) dst(%dma_wait3A_712 : memref<512x64xf32, #tpu.memory_space<vmem_shared>>)
        tpu.yield
      }) : () -> ()
      "tpu.region"() ({
        %run_scoped3A = tpu.sem_alloc : memref<!tpu.dma_semaphore, #tpu.memory_space<semaphore_mem>>
        %dma_start3A_704 = arith.constant 3327 : i32
        %dma_start3A_705 = arith.constant 0 : i32
        %dma_start3A_706 = tpu.memref_slice %arg4[%dma_start3A_704, %dma_start3A_705] : memref<4095x64xf32, #tpu.memory_space<vmem_shared>> -> memref<768x64xf32, #tpu.memory_space<vmem_shared>>
        %dma_start3A_707 = arith.constant 2303 : i32
        %dma_start3A_708 = arith.constant 0 : i32
        %dma_start3A_709 = tpu.memref_slice %arg4[%dma_start3A_707, %dma_start3A_708] : memref<4095x64xf32, #tpu.memory_space<vmem_shared>> -> memref<768x64xf32, #tpu.memory_space<vmem_shared>>
        tpu.enqueue_dma source(%dma_start3A_709 : memref<768x64xf32, #tpu.memory_space<vmem_shared>>) target(%dma_start3A_706 : memref<768x64xf32, #tpu.memory_space<vmem_shared>>) target_semaphore(%run_scoped3A : memref<!tpu.dma_semaphore, #tpu.memory_space<semaphore_mem>>)
        %dma_wait3A_710 = arith.constant 3327 : i32
        %dma_wait3A_711 = arith.constant 0 : i32
        %dma_wait3A_712 = tpu.memref_slice %arg4[%dma_wait3A_710, %dma_wait3A_711] : memref<4095x64xf32, #tpu.memory_space<vmem_shared>> -> memref<768x64xf32, #tpu.memory_space<vmem_shared>>
        %dma_wait3A_713 = arith.constant 2303 : i32
        %dma_wait3A_714 = arith.constant 0 : i32
        %dma_wait3A_715 = tpu.memref_slice %arg4[%dma_wait3A_713, %dma_wait3A_714] : memref<4095x64xf32, #tpu.memory_space<vmem_shared>> -> memref<768x64xf32, #tpu.memory_space<vmem_shared>>
        tpu.wait_dma2 semaphore(%run_scoped3A : memref<!tpu.dma_semaphore, #tpu.memory_space<semaphore_mem>>) src(%dma_wait3A_715 : memref<768x64xf32, #tpu.memory_space<vmem_shared>>) dst(%dma_wait3A_712 : memref<768x64xf32, #tpu.memory_space<vmem_shared>>)
        tpu.yield
      }) : () -> ()
    } else {
    }
    %barrier3A = arith.constant 0 : index
    tpu.barrier barrier_id(%barrier3A)
    %mul3A_3 = arith.constant 32 : i32
    %mul3A_4 = arith.muli %add3A, %mul3A_3 : i32
    %add3A_5 = arith.constant 0 : i32
    %add3A_6 = arith.addi %mul3A_4, %add3A_5 : i32
    %add3A_7 = arith.constant 0 : i32
    %add3A_8 = arith.addi %add3A_6, %add3A_7 : i32
    %sub3A = arith.constant 1023 : i32
    %sub3A_9 = arith.subi %sub3A, %add3A_8 : i32
    %add3A_10 = arith.constant 1024 : i32
    %add3A_11 = arith.addi %add3A_10, %add3A_8 : i32
    %dma_start3A = arith.constant 0 : i32
    %dma_start3A_12 = arith.constant 0 : i32
    %dma_start3A_13 = tpu.memref_slice %arg3[%add3A_11, %dma_start3A, %dma_start3A_12] : memref<2048x2048x64xf32, #tpu.memory_space<hbm>> -> memref<1x2048x64xf32, #tpu.memory_space<hbm>>
    %dma_start3A_14 = tpu.memref_squeeze %dma_start3A_13 : memref<1x2048x64xf32, #tpu.memory_space<hbm>> -> memref<2048x64xf32, #tpu.memory_space<hbm>>
    %dma_start3A_15 = arith.constant 0 : i32
    %dma_start3A_16 = tpu.memref_slice %arg4[%sub3A_9, %dma_start3A_15] : memref<4095x64xf32, #tpu.memory_space<vmem_shared>> -> memref<2048x64xf32, #tpu.memory_space<vmem_shared>>
    tpu.enqueue_dma source(%dma_start3A_16 : memref<2048x64xf32, #tpu.memory_space<vmem_shared>>) target(%dma_start3A_14 : memref<2048x64xf32, #tpu.memory_space<hbm>>) target_semaphore(%arg5 : memref<!tpu.dma_semaphore, #tpu.memory_space<semaphore_mem>>)
    %mul3A_17 = arith.constant 32 : i32
    %mul3A_18 = arith.muli %add3A, %mul3A_17 : i32
    %add3A_19 = arith.constant 0 : i32
    %add3A_20 = arith.addi %mul3A_18, %add3A_19 : i32
    %add3A_21 = arith.constant 1 : i32
    %add3A_22 = arith.addi %add3A_20, %add3A_21 : i32
    %sub3A_23 = arith.constant 1023 : i32
    %sub3A_24 = arith.subi %sub3A_23, %add3A_22 : i32
    %add3A_25 = arith.constant 1024 : i32
    %add3A_26 = arith.addi %add3A_25, %add3A_22 : i32
    %dma_start3A_27 = arith.constant 0 : i32
    %dma_start3A_28 = arith.constant 0 : i32
    %dma_start3A_29 = tpu.memref_slice %arg3[%add3A_26, %dma_start3A_27, %dma_start3A_28] : memref<2048x2048x64xf32, #tpu.memory_space<hbm>> -> memref<1x2048x64xf32, #tpu.memory_space<hbm>>
    %dma_start3A_30 = tpu.memref_squeeze %dma_start3A_29 : memref<1x2048x64xf32, #tpu.memory_space<hbm>> -> memref<2048x64xf32, #tpu.memory_space<hbm>>
    %dma_start3A_31 = arith.constant 0 : i32
    %dma_start3A_32 = tpu.memref_slice %arg4[%sub3A_24, %dma_start3A_31] : memref<4095x64xf32, #tpu.memory_space<vmem_shared>> -> memref<2048x64xf32, #tpu.memory_space<vmem_shared>>
    tpu.enqueue_dma source(%dma_start3A_32 : memref<2048x64xf32, #tpu.memory_space<vmem_shared>>) target(%dma_start3A_30 : memref<2048x64xf32, #tpu.memory_space<hbm>>) target_semaphore(%arg5 : memref<!tpu.dma_semaphore, #tpu.memory_space<semaphore_mem>>)
    %mul3A_33 = arith.constant 32 : i32
    %mul3A_34 = arith.muli %add3A, %mul3A_33 : i32
    %add3A_35 = arith.constant 0 : i32
    %add3A_36 = arith.addi %mul3A_34, %add3A_35 : i32
    %add3A_37 = arith.constant 2 : i32
    %add3A_38 = arith.addi %add3A_36, %add3A_37 : i32
    %sub3A_39 = arith.constant 1023 : i32
    %sub3A_40 = arith.subi %sub3A_39, %add3A_38 : i32
    %add3A_41 = arith.constant 1024 : i32
    %add3A_42 = arith.addi %add3A_41, %add3A_38 : i32
    %dma_start3A_43 = arith.constant 0 : i32
    %dma_start3A_44 = arith.constant 0 : i32
    %dma_start3A_45 = tpu.memref_slice %arg3[%add3A_42, %dma_start3A_43, %dma_start3A_44] : memref<2048x2048x64xf32, #tpu.memory_space<hbm>> -> memref<1x2048x64xf32, #tpu.memory_space<hbm>>
    %dma_start3A_46 = tpu.memref_squeeze %dma_start3A_45 : memref<1x2048x64xf32, #tpu.memory_space<hbm>> -> memref<2048x64xf32, #tpu.memory_space<hbm>>
    %dma_start3A_47 = arith.constant 0 : i32
    %dma_start3A_48 = tpu.memref_slice %arg4[%sub3A_40, %dma_start3A_47] : memref<4095x64xf32, #tpu.memory_space<vmem_shared>> -> memref<2048x64xf32, #tpu.memory_space<vmem_shared>>
    tpu.enqueue_dma source(%dma_start3A_48 : memref<2048x64xf32, #tpu.memory_space<vmem_shared>>) target(%dma_start3A_46 : memref<2048x64xf32, #tpu.memory_space<hbm>>) target_semaphore(%arg5 : memref<!tpu.dma_semaphore, #tpu.memory_space<semaphore_mem>>)
    %mul3A_49 = arith.constant 32 : i32
    %mul3A_50 = arith.muli %add3A, %mul3A_49 : i32
    %add3A_51 = arith.constant 0 : i32
    %add3A_52 = arith.addi %mul3A_50, %add3A_51 : i32
    %add3A_53 = arith.constant 3 : i32
    %add3A_54 = arith.addi %add3A_52, %add3A_53 : i32
    %sub3A_55 = arith.constant 1023 : i32
    %sub3A_56 = arith.subi %sub3A_55, %add3A_54 : i32
    %add3A_57 = arith.constant 1024 : i32
    %add3A_58 = arith.addi %add3A_57, %add3A_54 : i32
    %dma_start3A_59 = arith.constant 0 : i32
    %dma_start3A_60 = arith.constant 0 : i32
    %dma_start3A_61 = tpu.memref_slice %arg3[%add3A_58, %dma_start3A_59, %dma_start3A_60] : memref<2048x2048x64xf32, #tpu.memory_space<hbm>> -> memref<1x2048x64xf32, #tpu.memory_space<hbm>>
    %dma_start3A_62 = tpu.memref_squeeze %dma_start3A_61 : memref<1x2048x64xf32, #tpu.memory_space<hbm>> -> memref<2048x64xf32, #tpu.memory_space<hbm>>
    %dma_start3A_63 = arith.constant 0 : i32
    %dma_start3A_64 = tpu.memref_slice %arg4[%sub3A_56, %dma_start3A_63] : memref<4095x64xf32, #tpu.memory_space<vmem_shared>> -> memref<2048x64xf32, #tpu.memory_space<vmem_shared>>
    tpu.enqueue_dma source(%dma_start3A_64 : memref<2048x64xf32, #tpu.memory_space<vmem_shared>>) target(%dma_start3A_62 : memref<2048x64xf32, #tpu.memory_space<hbm>>) target_semaphore(%arg5 : memref<!tpu.dma_semaphore, #tpu.memory_space<semaphore_mem>>)
    %dma_wait3A = arith.constant 0 : i32
    %dma_wait3A_65 = arith.constant 0 : i32
    %dma_wait3A_66 = tpu.memref_slice %arg3[%add3A_11, %dma_wait3A, %dma_wait3A_65] : memref<2048x2048x64xf32, #tpu.memory_space<hbm>> -> memref<1x2048x64xf32, #tpu.memory_space<hbm>>
    %dma_wait3A_67 = tpu.memref_squeeze %dma_wait3A_66 : memref<1x2048x64xf32, #tpu.memory_space<hbm>> -> memref<2048x64xf32, #tpu.memory_space<hbm>>
    %dma_wait3A_68 = arith.constant 0 : i32
    %dma_wait3A_69 = tpu.memref_slice %arg4[%sub3A_9, %dma_wait3A_68] : memref<4095x64xf32, #tpu.memory_space<vmem_shared>> -> memref<2048x64xf32, #tpu.memory_space<vmem_shared>>
    tpu.wait_dma2 semaphore(%arg5 : memref<!tpu.dma_semaphore, #tpu.memory_space<semaphore_mem>>) src(%dma_wait3A_69 : memref<2048x64xf32, #tpu.memory_space<vmem_shared>>) dst(%dma_wait3A_67 : memref<2048x64xf32, #tpu.memory_space<hbm>>)
    %dma_wait3A_70 = arith.constant 0 : i32
    %dma_wait3A_71 = arith.constant 0 : i32
    %dma_wait3A_72 = tpu.memref_slice %arg3[%add3A_26, %dma_wait3A_70, %dma_wait3A_71] : memref<2048x2048x64xf32, #tpu.memory_space<hbm>> -> memref<1x2048x64xf32, #tpu.memory_space<hbm>>
    %dma_wait3A_73 = tpu.memref_squeeze %dma_wait3A_72 : memref<1x2048x64xf32, #tpu.memory_space<hbm>> -> memref<2048x64xf32, #tpu.memory_space<hbm>>
    %dma_wait3A_74 = arith.constant 0 : i32
    %dma_wait3A_75 = tpu.memref_slice %arg4[%sub3A_24, %dma_wait3A_74] : memref<4095x64xf32, #tpu.memory_space<vmem_shared>> -> memref<2048x64xf32, #tpu.memory_space<vmem_shared>>
    tpu.wait_dma2 semaphore(%arg5 : memref<!tpu.dma_semaphore, #tpu.memory_space<semaphore_mem>>) src(%dma_wait3A_75 : memref<2048x64xf32, #tpu.memory_space<vmem_shared>>) dst(%dma_wait3A_73 : memref<2048x64xf32, #tpu.memory_space<hbm>>)
    %dma_wait3A_76 = arith.constant 0 : i32
    %dma_wait3A_77 = arith.constant 0 : i32
    %dma_wait3A_78 = tpu.memref_slice %arg3[%add3A_42, %dma_wait3A_76, %dma_wait3A_77] : memref<2048x2048x64xf32, #tpu.memory_space<hbm>> -> memref<1x2048x64xf32, #tpu.memory_space<hbm>>
    %dma_wait3A_79 = tpu.memref_squeeze %dma_wait3A_78 : memref<1x2048x64xf32, #tpu.memory_space<hbm>> -> memref<2048x64xf32, #tpu.memory_space<hbm>>
    %dma_wait3A_80 = arith.constant 0 : i32
    %dma_wait3A_81 = tpu.memref_slice %arg4[%sub3A_40, %dma_wait3A_80] : memref<4095x64xf32, #tpu.memory_space<vmem_shared>> -> memref<2048x64xf32, #tpu.memory_space<vmem_shared>>
    tpu.wait_dma2 semaphore(%arg5 : memref<!tpu.dma_semaphore, #tpu.memory_space<semaphore_mem>>) src(%dma_wait3A_81 : memref<2048x64xf32, #tpu.memory_space<vmem_shared>>) dst(%dma_wait3A_79 : memref<2048x64xf32, #tpu.memory_space<hbm>>)
    %dma_wait3A_82 = arith.constant 0 : i32
    %dma_wait3A_83 = arith.constant 0 : i32
    %dma_wait3A_84 = tpu.memref_slice %arg3[%add3A_58, %dma_wait3A_82, %dma_wait3A_83] : memref<2048x2048x64xf32, #tpu.memory_space<hbm>> -> memref<1x2048x64xf32, #tpu.memory_space<hbm>>
    %dma_wait3A_85 = tpu.memref_squeeze %dma_wait3A_84 : memref<1x2048x64xf32, #tpu.memory_space<hbm>> -> memref<2048x64xf32, #tpu.memory_space<hbm>>
    %dma_wait3A_86 = arith.constant 0 : i32
    %dma_wait3A_87 = tpu.memref_slice %arg4[%sub3A_56, %dma_wait3A_86] : memref<4095x64xf32, #tpu.memory_space<vmem_shared>> -> memref<2048x64xf32, #tpu.memory_space<vmem_shared>>
    tpu.wait_dma2 semaphore(%arg5 : memref<!tpu.dma_semaphore, #tpu.memory_space<semaphore_mem>>) src(%dma_wait3A_87 : memref<2048x64xf32, #tpu.memory_space<vmem_shared>>) dst(%dma_wait3A_85 : memref<2048x64xf32, #tpu.memory_space<hbm>>)
    %mul3A_88 = arith.constant 32 : i32
    %mul3A_89 = arith.muli %add3A, %mul3A_88 : i32
    %add3A_90 = arith.constant 4 : i32
    %add3A_91 = arith.addi %mul3A_89, %add3A_90 : i32
    %add3A_92 = arith.constant 0 : i32
    %add3A_93 = arith.addi %add3A_91, %add3A_92 : i32
    %sub3A_94 = arith.constant 1023 : i32
    %sub3A_95 = arith.subi %sub3A_94, %add3A_93 : i32
    %add3A_96 = arith.constant 1024 : i32
    %add3A_97 = arith.addi %add3A_96, %add3A_93 : i32
    %dma_start3A_98 = arith.constant 0 : i32
    %dma_start3A_99 = arith.constant 0 : i32
    %dma_start3A_100 = tpu.memref_slice %arg3[%add3A_97, %dma_start3A_98, %dma_start3A_99] : memref<2048x2048x64xf32, #tpu.memory_space<hbm>> -> memref<1x2048x64xf32, #tpu.memory_space<hbm>>
    %dma_start3A_101 = tpu.memref_squeeze %dma_start3A_100 : memref<1x2048x64xf32, #tpu.memory_space<hbm>> -> memref<2048x64xf32, #tpu.memory_space<hbm>>
    %dma_start3A_102 = arith.constant 0 : i32
    %dma_start3A_103 = tpu.memref_slice %arg4[%sub3A_95, %dma_start3A_102] : memref<4095x64xf32, #tpu.memory_space<vmem_shared>> -> memref<2048x64xf32, #tpu.memory_space<vmem_shared>>
    tpu.enqueue_dma source(%dma_start3A_103 : memref<2048x64xf32, #tpu.memory_space<vmem_shared>>) target(%dma_start3A_101 : memref<2048x64xf32, #tpu.memory_space<hbm>>) target_semaphore(%arg5 : memref<!tpu.dma_semaphore, #tpu.memory_space<semaphore_mem>>)
    %mul3A_104 = arith.constant 32 : i32
    %mul3A_105 = arith.muli %add3A, %mul3A_104 : i32
    %add3A_106 = arith.constant 4 : i32
    %add3A_107 = arith.addi %mul3A_105, %add3A_106 : i32
    %add3A_108 = arith.constant 1 : i32
    %add3A_109 = arith.addi %add3A_107, %add3A_108 : i32
    %sub3A_110 = arith.constant 1023 : i32
    %sub3A_111 = arith.subi %sub3A_110, %add3A_109 : i32
    %add3A_112 = arith.constant 1024 : i32
    %add3A_113 = arith.addi %add3A_112, %add3A_109 : i32
    %dma_start3A_114 = arith.constant 0 : i32
    %dma_start3A_115 = arith.constant 0 : i32
    %dma_start3A_116 = tpu.memref_slice %arg3[%add3A_113, %dma_start3A_114, %dma_start3A_115] : memref<2048x2048x64xf32, #tpu.memory_space<hbm>> -> memref<1x2048x64xf32, #tpu.memory_space<hbm>>
    %dma_start3A_117 = tpu.memref_squeeze %dma_start3A_116 : memref<1x2048x64xf32, #tpu.memory_space<hbm>> -> memref<2048x64xf32, #tpu.memory_space<hbm>>
    %dma_start3A_118 = arith.constant 0 : i32
    %dma_start3A_119 = tpu.memref_slice %arg4[%sub3A_111, %dma_start3A_118] : memref<4095x64xf32, #tpu.memory_space<vmem_shared>> -> memref<2048x64xf32, #tpu.memory_space<vmem_shared>>
    tpu.enqueue_dma source(%dma_start3A_119 : memref<2048x64xf32, #tpu.memory_space<vmem_shared>>) target(%dma_start3A_117 : memref<2048x64xf32, #tpu.memory_space<hbm>>) target_semaphore(%arg5 : memref<!tpu.dma_semaphore, #tpu.memory_space<semaphore_mem>>)
    %mul3A_120 = arith.constant 32 : i32
    %mul3A_121 = arith.muli %add3A, %mul3A_120 : i32
    %add3A_122 = arith.constant 4 : i32
    %add3A_123 = arith.addi %mul3A_121, %add3A_122 : i32
    %add3A_124 = arith.constant 2 : i32
    %add3A_125 = arith.addi %add3A_123, %add3A_124 : i32
    %sub3A_126 = arith.constant 1023 : i32
    %sub3A_127 = arith.subi %sub3A_126, %add3A_125 : i32
    %add3A_128 = arith.constant 1024 : i32
    %add3A_129 = arith.addi %add3A_128, %add3A_125 : i32
    %dma_start3A_130 = arith.constant 0 : i32
    %dma_start3A_131 = arith.constant 0 : i32
    %dma_start3A_132 = tpu.memref_slice %arg3[%add3A_129, %dma_start3A_130, %dma_start3A_131] : memref<2048x2048x64xf32, #tpu.memory_space<hbm>> -> memref<1x2048x64xf32, #tpu.memory_space<hbm>>
    %dma_start3A_133 = tpu.memref_squeeze %dma_start3A_132 : memref<1x2048x64xf32, #tpu.memory_space<hbm>> -> memref<2048x64xf32, #tpu.memory_space<hbm>>
    %dma_start3A_134 = arith.constant 0 : i32
    %dma_start3A_135 = tpu.memref_slice %arg4[%sub3A_127, %dma_start3A_134] : memref<4095x64xf32, #tpu.memory_space<vmem_shared>> -> memref<2048x64xf32, #tpu.memory_space<vmem_shared>>
    tpu.enqueue_dma source(%dma_start3A_135 : memref<2048x64xf32, #tpu.memory_space<vmem_shared>>) target(%dma_start3A_133 : memref<2048x64xf32, #tpu.memory_space<hbm>>) target_semaphore(%arg5 : memref<!tpu.dma_semaphore, #tpu.memory_space<semaphore_mem>>)
    %mul3A_136 = arith.constant 32 : i32
    %mul3A_137 = arith.muli %add3A, %mul3A_136 : i32
    %add3A_138 = arith.constant 4 : i32
    %add3A_139 = arith.addi %mul3A_137, %add3A_138 : i32
    %add3A_140 = arith.constant 3 : i32
    %add3A_141 = arith.addi %add3A_139, %add3A_140 : i32
    %sub3A_142 = arith.constant 1023 : i32
    %sub3A_143 = arith.subi %sub3A_142, %add3A_141 : i32
    %add3A_144 = arith.constant 1024 : i32
    %add3A_145 = arith.addi %add3A_144, %add3A_141 : i32
    %dma_start3A_146 = arith.constant 0 : i32
    %dma_start3A_147 = arith.constant 0 : i32
    %dma_start3A_148 = tpu.memref_slice %arg3[%add3A_145, %dma_start3A_146, %dma_start3A_147] : memref<2048x2048x64xf32, #tpu.memory_space<hbm>> -> memref<1x2048x64xf32, #tpu.memory_space<hbm>>
    %dma_start3A_149 = tpu.memref_squeeze %dma_start3A_148 : memref<1x2048x64xf32, #tpu.memory_space<hbm>> -> memref<2048x64xf32, #tpu.memory_space<hbm>>
    %dma_start3A_150 = arith.constant 0 : i32
    %dma_start3A_151 = tpu.memref_slice %arg4[%sub3A_143, %dma_start3A_150] : memref<4095x64xf32, #tpu.memory_space<vmem_shared>> -> memref<2048x64xf32, #tpu.memory_space<vmem_shared>>
    tpu.enqueue_dma source(%dma_start3A_151 : memref<2048x64xf32, #tpu.memory_space<vmem_shared>>) target(%dma_start3A_149 : memref<2048x64xf32, #tpu.memory_space<hbm>>) target_semaphore(%arg5 : memref<!tpu.dma_semaphore, #tpu.memory_space<semaphore_mem>>)
    %dma_wait3A_152 = arith.constant 0 : i32
    %dma_wait3A_153 = arith.constant 0 : i32
    %dma_wait3A_154 = tpu.memref_slice %arg3[%add3A_97, %dma_wait3A_152, %dma_wait3A_153] : memref<2048x2048x64xf32, #tpu.memory_space<hbm>> -> memref<1x2048x64xf32, #tpu.memory_space<hbm>>
    %dma_wait3A_155 = tpu.memref_squeeze %dma_wait3A_154 : memref<1x2048x64xf32, #tpu.memory_space<hbm>> -> memref<2048x64xf32, #tpu.memory_space<hbm>>
    %dma_wait3A_156 = arith.constant 0 : i32
    %dma_wait3A_157 = tpu.memref_slice %arg4[%sub3A_95, %dma_wait3A_156] : memref<4095x64xf32, #tpu.memory_space<vmem_shared>> -> memref<2048x64xf32, #tpu.memory_space<vmem_shared>>
    tpu.wait_dma2 semaphore(%arg5 : memref<!tpu.dma_semaphore, #tpu.memory_space<semaphore_mem>>) src(%dma_wait3A_157 : memref<2048x64xf32, #tpu.memory_space<vmem_shared>>) dst(%dma_wait3A_155 : memref<2048x64xf32, #tpu.memory_space<hbm>>)
    %dma_wait3A_158 = arith.constant 0 : i32
    %dma_wait3A_159 = arith.constant 0 : i32
    %dma_wait3A_160 = tpu.memref_slice %arg3[%add3A_113, %dma_wait3A_158, %dma_wait3A_159] : memref<2048x2048x64xf32, #tpu.memory_space<hbm>> -> memref<1x2048x64xf32, #tpu.memory_space<hbm>>
    %dma_wait3A_161 = tpu.memref_squeeze %dma_wait3A_160 : memref<1x2048x64xf32, #tpu.memory_space<hbm>> -> memref<2048x64xf32, #tpu.memory_space<hbm>>
    %dma_wait3A_162 = arith.constant 0 : i32
    %dma_wait3A_163 = tpu.memref_slice %arg4[%sub3A_111, %dma_wait3A_162] : memref<4095x64xf32, #tpu.memory_space<vmem_shared>> -> memref<2048x64xf32, #tpu.memory_space<vmem_shared>>
    tpu.wait_dma2 semaphore(%arg5 : memref<!tpu.dma_semaphore, #tpu.memory_space<semaphore_mem>>) src(%dma_wait3A_163 : memref<2048x64xf32, #tpu.memory_space<vmem_shared>>) dst(%dma_wait3A_161 : memref<2048x64xf32, #tpu.memory_space<hbm>>)
    %dma_wait3A_164 = arith.constant 0 : i32
    %dma_wait3A_165 = arith.constant 0 : i32
    %dma_wait3A_166 = tpu.memref_slice %arg3[%add3A_129, %dma_wait3A_164, %dma_wait3A_165] : memref<2048x2048x64xf32, #tpu.memory_space<hbm>> -> memref<1x2048x64xf32, #tpu.memory_space<hbm>>
    %dma_wait3A_167 = tpu.memref_squeeze %dma_wait3A_166 : memref<1x2048x64xf32, #tpu.memory_space<hbm>> -> memref<2048x64xf32, #tpu.memory_space<hbm>>
    %dma_wait3A_168 = arith.constant 0 : i32
    %dma_wait3A_169 = tpu.memref_slice %arg4[%sub3A_127, %dma_wait3A_168] : memref<4095x64xf32, #tpu.memory_space<vmem_shared>> -> memref<2048x64xf32, #tpu.memory_space<vmem_shared>>
    tpu.wait_dma2 semaphore(%arg5 : memref<!tpu.dma_semaphore, #tpu.memory_space<semaphore_mem>>) src(%dma_wait3A_169 : memref<2048x64xf32, #tpu.memory_space<vmem_shared>>) dst(%dma_wait3A_167 : memref<2048x64xf32, #tpu.memory_space<hbm>>)
    %dma_wait3A_170 = arith.constant 0 : i32
    %dma_wait3A_171 = arith.constant 0 : i32
    %dma_wait3A_172 = tpu.memref_slice %arg3[%add3A_145, %dma_wait3A_170, %dma_wait3A_171] : memref<2048x2048x64xf32, #tpu.memory_space<hbm>> -> memref<1x2048x64xf32, #tpu.memory_space<hbm>>
    %dma_wait3A_173 = tpu.memref_squeeze %dma_wait3A_172 : memref<1x2048x64xf32, #tpu.memory_space<hbm>> -> memref<2048x64xf32, #tpu.memory_space<hbm>>
    %dma_wait3A_174 = arith.constant 0 : i32
    %dma_wait3A_175 = tpu.memref_slice %arg4[%sub3A_143, %dma_wait3A_174] : memref<4095x64xf32, #tpu.memory_space<vmem_shared>> -> memref<2048x64xf32, #tpu.memory_space<vmem_shared>>
    tpu.wait_dma2 semaphore(%arg5 : memref<!tpu.dma_semaphore, #tpu.memory_space<semaphore_mem>>) src(%dma_wait3A_175 : memref<2048x64xf32, #tpu.memory_space<vmem_shared>>) dst(%dma_wait3A_173 : memref<2048x64xf32, #tpu.memory_space<hbm>>)
    %mul3A_176 = arith.constant 32 : i32
    %mul3A_177 = arith.muli %add3A, %mul3A_176 : i32
    %add3A_178 = arith.constant 8 : i32
    %add3A_179 = arith.addi %mul3A_177, %add3A_178 : i32
    %add3A_180 = arith.constant 0 : i32
    %add3A_181 = arith.addi %add3A_179, %add3A_180 : i32
    %sub3A_182 = arith.constant 1023 : i32
    %sub3A_183 = arith.subi %sub3A_182, %add3A_181 : i32
    %add3A_184 = arith.constant 1024 : i32
    %add3A_185 = arith.addi %add3A_184, %add3A_181 : i32
    %dma_start3A_186 = arith.constant 0 : i32
    %dma_start3A_187 = arith.constant 0 : i32
    %dma_start3A_188 = tpu.memref_slice %arg3[%add3A_185, %dma_start3A_186, %dma_start3A_187] : memref<2048x2048x64xf32, #tpu.memory_space<hbm>> -> memref<1x2048x64xf32, #tpu.memory_space<hbm>>
    %dma_start3A_189 = tpu.memref_squeeze %dma_start3A_188 : memref<1x2048x64xf32, #tpu.memory_space<hbm>> -> memref<2048x64xf32, #tpu.memory_space<hbm>>
    %dma_start3A_190 = arith.constant 0 : i32
    %dma_start3A_191 = tpu.memref_slice %arg4[%sub3A_183, %dma_start3A_190] : memref<4095x64xf32, #tpu.memory_space<vmem_shared>> -> memref<2048x64xf32, #tpu.memory_space<vmem_shared>>
    tpu.enqueue_dma source(%dma_start3A_191 : memref<2048x64xf32, #tpu.memory_space<vmem_shared>>) target(%dma_start3A_189 : memref<2048x64xf32, #tpu.memory_space<hbm>>) target_semaphore(%arg5 : memref<!tpu.dma_semaphore, #tpu.memory_space<semaphore_mem>>)
    %mul3A_192 = arith.constant 32 : i32
    %mul3A_193 = arith.muli %add3A, %mul3A_192 : i32
    %add3A_194 = arith.constant 8 : i32
    %add3A_195 = arith.addi %mul3A_193, %add3A_194 : i32
    %add3A_196 = arith.constant 1 : i32
    %add3A_197 = arith.addi %add3A_195, %add3A_196 : i32
    %sub3A_198 = arith.constant 1023 : i32
    %sub3A_199 = arith.subi %sub3A_198, %add3A_197 : i32
    %add3A_200 = arith.constant 1024 : i32
    %add3A_201 = arith.addi %add3A_200, %add3A_197 : i32
    %dma_start3A_202 = arith.constant 0 : i32
    %dma_start3A_203 = arith.constant 0 : i32
    %dma_start3A_204 = tpu.memref_slice %arg3[%add3A_201, %dma_start3A_202, %dma_start3A_203] : memref<2048x2048x64xf32, #tpu.memory_space<hbm>> -> memref<1x2048x64xf32, #tpu.memory_space<hbm>>
    %dma_start3A_205 = tpu.memref_squeeze %dma_start3A_204 : memref<1x2048x64xf32, #tpu.memory_space<hbm>> -> memref<2048x64xf32, #tpu.memory_space<hbm>>
    %dma_start3A_206 = arith.constant 0 : i32
    %dma_start3A_207 = tpu.memref_slice %arg4[%sub3A_199, %dma_start3A_206] : memref<4095x64xf32, #tpu.memory_space<vmem_shared>> -> memref<2048x64xf32, #tpu.memory_space<vmem_shared>>
    tpu.enqueue_dma source(%dma_start3A_207 : memref<2048x64xf32, #tpu.memory_space<vmem_shared>>) target(%dma_start3A_205 : memref<2048x64xf32, #tpu.memory_space<hbm>>) target_semaphore(%arg5 : memref<!tpu.dma_semaphore, #tpu.memory_space<semaphore_mem>>)
    %mul3A_208 = arith.constant 32 : i32
    %mul3A_209 = arith.muli %add3A, %mul3A_208 : i32
    %add3A_210 = arith.constant 8 : i32
    %add3A_211 = arith.addi %mul3A_209, %add3A_210 : i32
    %add3A_212 = arith.constant 2 : i32
    %add3A_213 = arith.addi %add3A_211, %add3A_212 : i32
    %sub3A_214 = arith.constant 1023 : i32
    %sub3A_215 = arith.subi %sub3A_214, %add3A_213 : i32
    %add3A_216 = arith.constant 1024 : i32
    %add3A_217 = arith.addi %add3A_216, %add3A_213 : i32
    %dma_start3A_218 = arith.constant 0 : i32
    %dma_start3A_219 = arith.constant 0 : i32
    %dma_start3A_220 = tpu.memref_slice %arg3[%add3A_217, %dma_start3A_218, %dma_start3A_219] : memref<2048x2048x64xf32, #tpu.memory_space<hbm>> -> memref<1x2048x64xf32, #tpu.memory_space<hbm>>
    %dma_start3A_221 = tpu.memref_squeeze %dma_start3A_220 : memref<1x2048x64xf32, #tpu.memory_space<hbm>> -> memref<2048x64xf32, #tpu.memory_space<hbm>>
    %dma_start3A_222 = arith.constant 0 : i32
    %dma_start3A_223 = tpu.memref_slice %arg4[%sub3A_215, %dma_start3A_222] : memref<4095x64xf32, #tpu.memory_space<vmem_shared>> -> memref<2048x64xf32, #tpu.memory_space<vmem_shared>>
    tpu.enqueue_dma source(%dma_start3A_223 : memref<2048x64xf32, #tpu.memory_space<vmem_shared>>) target(%dma_start3A_221 : memref<2048x64xf32, #tpu.memory_space<hbm>>) target_semaphore(%arg5 : memref<!tpu.dma_semaphore, #tpu.memory_space<semaphore_mem>>)
    %mul3A_224 = arith.constant 32 : i32
    %mul3A_225 = arith.muli %add3A, %mul3A_224 : i32
    %add3A_226 = arith.constant 8 : i32
    %add3A_227 = arith.addi %mul3A_225, %add3A_226 : i32
    %add3A_228 = arith.constant 3 : i32
    %add3A_229 = arith.addi %add3A_227, %add3A_228 : i32
    %sub3A_230 = arith.constant 1023 : i32
    %sub3A_231 = arith.subi %sub3A_230, %add3A_229 : i32
    %add3A_232 = arith.constant 1024 : i32
    %add3A_233 = arith.addi %add3A_232, %add3A_229 : i32
    %dma_start3A_234 = arith.constant 0 : i32
    %dma_start3A_235 = arith.constant 0 : i32
    %dma_start3A_236 = tpu.memref_slice %arg3[%add3A_233, %dma_start3A_234, %dma_start3A_235] : memref<2048x2048x64xf32, #tpu.memory_space<hbm>> -> memref<1x2048x64xf32, #tpu.memory_space<hbm>>
    %dma_start3A_237 = tpu.memref_squeeze %dma_start3A_236 : memref<1x2048x64xf32, #tpu.memory_space<hbm>> -> memref<2048x64xf32, #tpu.memory_space<hbm>>
    %dma_start3A_238 = arith.constant 0 : i32
    %dma_start3A_239 = tpu.memref_slice %arg4[%sub3A_231, %dma_start3A_238] : memref<4095x64xf32, #tpu.memory_space<vmem_shared>> -> memref<2048x64xf32, #tpu.memory_space<vmem_shared>>
    tpu.enqueue_dma source(%dma_start3A_239 : memref<2048x64xf32, #tpu.memory_space<vmem_shared>>) target(%dma_start3A_237 : memref<2048x64xf32, #tpu.memory_space<hbm>>) target_semaphore(%arg5 : memref<!tpu.dma_semaphore, #tpu.memory_space<semaphore_mem>>)
    %dma_wait3A_240 = arith.constant 0 : i32
    %dma_wait3A_241 = arith.constant 0 : i32
    %dma_wait3A_242 = tpu.memref_slice %arg3[%add3A_185, %dma_wait3A_240, %dma_wait3A_241] : memref<2048x2048x64xf32, #tpu.memory_space<hbm>> -> memref<1x2048x64xf32, #tpu.memory_space<hbm>>
    %dma_wait3A_243 = tpu.memref_squeeze %dma_wait3A_242 : memref<1x2048x64xf32, #tpu.memory_space<hbm>> -> memref<2048x64xf32, #tpu.memory_space<hbm>>
    %dma_wait3A_244 = arith.constant 0 : i32
    %dma_wait3A_245 = tpu.memref_slice %arg4[%sub3A_183, %dma_wait3A_244] : memref<4095x64xf32, #tpu.memory_space<vmem_shared>> -> memref<2048x64xf32, #tpu.memory_space<vmem_shared>>
    tpu.wait_dma2 semaphore(%arg5 : memref<!tpu.dma_semaphore, #tpu.memory_space<semaphore_mem>>) src(%dma_wait3A_245 : memref<2048x64xf32, #tpu.memory_space<vmem_shared>>) dst(%dma_wait3A_243 : memref<2048x64xf32, #tpu.memory_space<hbm>>)
    %dma_wait3A_246 = arith.constant 0 : i32
    %dma_wait3A_247 = arith.constant 0 : i32
    %dma_wait3A_248 = tpu.memref_slice %arg3[%add3A_201, %dma_wait3A_246, %dma_wait3A_247] : memref<2048x2048x64xf32, #tpu.memory_space<hbm>> -> memref<1x2048x64xf32, #tpu.memory_space<hbm>>
    %dma_wait3A_249 = tpu.memref_squeeze %dma_wait3A_248 : memref<1x2048x64xf32, #tpu.memory_space<hbm>> -> memref<2048x64xf32, #tpu.memory_space<hbm>>
    %dma_wait3A_250 = arith.constant 0 : i32
    %dma_wait3A_251 = tpu.memref_slice %arg4[%sub3A_199, %dma_wait3A_250] : memref<4095x64xf32, #tpu.memory_space<vmem_shared>> -> memref<2048x64xf32, #tpu.memory_space<vmem_shared>>
    tpu.wait_dma2 semaphore(%arg5 : memref<!tpu.dma_semaphore, #tpu.memory_space<semaphore_mem>>) src(%dma_wait3A_251 : memref<2048x64xf32, #tpu.memory_space<vmem_shared>>) dst(%dma_wait3A_249 : memref<2048x64xf32, #tpu.memory_space<hbm>>)
    %dma_wait3A_252 = arith.constant 0 : i32
    %dma_wait3A_253 = arith.constant 0 : i32
    %dma_wait3A_254 = tpu.memref_slice %arg3[%add3A_217, %dma_wait3A_252, %dma_wait3A_253] : memref<2048x2048x64xf32, #tpu.memory_space<hbm>> -> memref<1x2048x64xf32, #tpu.memory_space<hbm>>
    %dma_wait3A_255 = tpu.memref_squeeze %dma_wait3A_254 : memref<1x2048x64xf32, #tpu.memory_space<hbm>> -> memref<2048x64xf32, #tpu.memory_space<hbm>>
    %dma_wait3A_256 = arith.constant 0 : i32
    %dma_wait3A_257 = tpu.memref_slice %arg4[%sub3A_215, %dma_wait3A_256] : memref<4095x64xf32, #tpu.memory_space<vmem_shared>> -> memref<2048x64xf32, #tpu.memory_space<vmem_shared>>
    tpu.wait_dma2 semaphore(%arg5 : memref<!tpu.dma_semaphore, #tpu.memory_space<semaphore_mem>>) src(%dma_wait3A_257 : memref<2048x64xf32, #tpu.memory_space<vmem_shared>>) dst(%dma_wait3A_255 : memref<2048x64xf32, #tpu.memory_space<hbm>>)
    %dma_wait3A_258 = arith.constant 0 : i32
    %dma_wait3A_259 = arith.constant 0 : i32
    %dma_wait3A_260 = tpu.memref_slice %arg3[%add3A_233, %dma_wait3A_258, %dma_wait3A_259] : memref<2048x2048x64xf32, #tpu.memory_space<hbm>> -> memref<1x2048x64xf32, #tpu.memory_space<hbm>>
    %dma_wait3A_261 = tpu.memref_squeeze %dma_wait3A_260 : memref<1x2048x64xf32, #tpu.memory_space<hbm>> -> memref<2048x64xf32, #tpu.memory_space<hbm>>
    %dma_wait3A_262 = arith.constant 0 : i32
    %dma_wait3A_263 = tpu.memref_slice %arg4[%sub3A_231, %dma_wait3A_262] : memref<4095x64xf32, #tpu.memory_space<vmem_shared>> -> memref<2048x64xf32, #tpu.memory_space<vmem_shared>>
    tpu.wait_dma2 semaphore(%arg5 : memref<!tpu.dma_semaphore, #tpu.memory_space<semaphore_mem>>) src(%dma_wait3A_263 : memref<2048x64xf32, #tpu.memory_space<vmem_shared>>) dst(%dma_wait3A_261 : memref<2048x64xf32, #tpu.memory_space<hbm>>)
    %mul3A_264 = arith.constant 32 : i32
    %mul3A_265 = arith.muli %add3A, %mul3A_264 : i32
    %add3A_266 = arith.constant 12 : i32
    %add3A_267 = arith.addi %mul3A_265, %add3A_266 : i32
    %add3A_268 = arith.constant 0 : i32
    %add3A_269 = arith.addi %add3A_267, %add3A_268 : i32
    %sub3A_270 = arith.constant 1023 : i32
    %sub3A_271 = arith.subi %sub3A_270, %add3A_269 : i32
    %add3A_272 = arith.constant 1024 : i32
    %add3A_273 = arith.addi %add3A_272, %add3A_269 : i32
    %dma_start3A_274 = arith.constant 0 : i32
    %dma_start3A_275 = arith.constant 0 : i32
    %dma_start3A_276 = tpu.memref_slice %arg3[%add3A_273, %dma_start3A_274, %dma_start3A_275] : memref<2048x2048x64xf32, #tpu.memory_space<hbm>> -> memref<1x2048x64xf32, #tpu.memory_space<hbm>>
    %dma_start3A_277 = tpu.memref_squeeze %dma_start3A_276 : memref<1x2048x64xf32, #tpu.memory_space<hbm>> -> memref<2048x64xf32, #tpu.memory_space<hbm>>
    %dma_start3A_278 = arith.constant 0 : i32
    %dma_start3A_279 = tpu.memref_slice %arg4[%sub3A_271, %dma_start3A_278] : memref<4095x64xf32, #tpu.memory_space<vmem_shared>> -> memref<2048x64xf32, #tpu.memory_space<vmem_shared>>
    tpu.enqueue_dma source(%dma_start3A_279 : memref<2048x64xf32, #tpu.memory_space<vmem_shared>>) target(%dma_start3A_277 : memref<2048x64xf32, #tpu.memory_space<hbm>>) target_semaphore(%arg5 : memref<!tpu.dma_semaphore, #tpu.memory_space<semaphore_mem>>)
    %mul3A_280 = arith.constant 32 : i32
    %mul3A_281 = arith.muli %add3A, %mul3A_280 : i32
    %add3A_282 = arith.constant 12 : i32
    %add3A_283 = arith.addi %mul3A_281, %add3A_282 : i32
    %add3A_284 = arith.constant 1 : i32
    %add3A_285 = arith.addi %add3A_283, %add3A_284 : i32
    %sub3A_286 = arith.constant 1023 : i32
    %sub3A_287 = arith.subi %sub3A_286, %add3A_285 : i32
    %add3A_288 = arith.constant 1024 : i32
    %add3A_289 = arith.addi %add3A_288, %add3A_285 : i32
    %dma_start3A_290 = arith.constant 0 : i32
    %dma_start3A_291 = arith.constant 0 : i32
    %dma_start3A_292 = tpu.memref_slice %arg3[%add3A_289, %dma_start3A_290, %dma_start3A_291] : memref<2048x2048x64xf32, #tpu.memory_space<hbm>> -> memref<1x2048x64xf32, #tpu.memory_space<hbm>>
    %dma_start3A_293 = tpu.memref_squeeze %dma_start3A_292 : memref<1x2048x64xf32, #tpu.memory_space<hbm>> -> memref<2048x64xf32, #tpu.memory_space<hbm>>
    %dma_start3A_294 = arith.constant 0 : i32
    %dma_start3A_295 = tpu.memref_slice %arg4[%sub3A_287, %dma_start3A_294] : memref<4095x64xf32, #tpu.memory_space<vmem_shared>> -> memref<2048x64xf32, #tpu.memory_space<vmem_shared>>
    tpu.enqueue_dma source(%dma_start3A_295 : memref<2048x64xf32, #tpu.memory_space<vmem_shared>>) target(%dma_start3A_293 : memref<2048x64xf32, #tpu.memory_space<hbm>>) target_semaphore(%arg5 : memref<!tpu.dma_semaphore, #tpu.memory_space<semaphore_mem>>)
    %mul3A_296 = arith.constant 32 : i32
    %mul3A_297 = arith.muli %add3A, %mul3A_296 : i32
    %add3A_298 = arith.constant 12 : i32
    %add3A_299 = arith.addi %mul3A_297, %add3A_298 : i32
    %add3A_300 = arith.constant 2 : i32
    %add3A_301 = arith.addi %add3A_299, %add3A_300 : i32
    %sub3A_302 = arith.constant 1023 : i32
    %sub3A_303 = arith.subi %sub3A_302, %add3A_301 : i32
    %add3A_304 = arith.constant 1024 : i32
    %add3A_305 = arith.addi %add3A_304, %add3A_301 : i32
    %dma_start3A_306 = arith.constant 0 : i32
    %dma_start3A_307 = arith.constant 0 : i32
    %dma_start3A_308 = tpu.memref_slice %arg3[%add3A_305, %dma_start3A_306, %dma_start3A_307] : memref<2048x2048x64xf32, #tpu.memory_space<hbm>> -> memref<1x2048x64xf32, #tpu.memory_space<hbm>>
    %dma_start3A_309 = tpu.memref_squeeze %dma_start3A_308 : memref<1x2048x64xf32, #tpu.memory_space<hbm>> -> memref<2048x64xf32, #tpu.memory_space<hbm>>
    %dma_start3A_310 = arith.constant 0 : i32
    %dma_start3A_311 = tpu.memref_slice %arg4[%sub3A_303, %dma_start3A_310] : memref<4095x64xf32, #tpu.memory_space<vmem_shared>> -> memref<2048x64xf32, #tpu.memory_space<vmem_shared>>
    tpu.enqueue_dma source(%dma_start3A_311 : memref<2048x64xf32, #tpu.memory_space<vmem_shared>>) target(%dma_start3A_309 : memref<2048x64xf32, #tpu.memory_space<hbm>>) target_semaphore(%arg5 : memref<!tpu.dma_semaphore, #tpu.memory_space<semaphore_mem>>)
    %mul3A_312 = arith.constant 32 : i32
    %mul3A_313 = arith.muli %add3A, %mul3A_312 : i32
    %add3A_314 = arith.constant 12 : i32
    %add3A_315 = arith.addi %mul3A_313, %add3A_314 : i32
    %add3A_316 = arith.constant 3 : i32
    %add3A_317 = arith.addi %add3A_315, %add3A_316 : i32
    %sub3A_318 = arith.constant 1023 : i32
    %sub3A_319 = arith.subi %sub3A_318, %add3A_317 : i32
    %add3A_320 = arith.constant 1024 : i32
    %add3A_321 = arith.addi %add3A_320, %add3A_317 : i32
    %dma_start3A_322 = arith.constant 0 : i32
    %dma_start3A_323 = arith.constant 0 : i32
    %dma_start3A_324 = tpu.memref_slice %arg3[%add3A_321, %dma_start3A_322, %dma_start3A_323] : memref<2048x2048x64xf32, #tpu.memory_space<hbm>> -> memref<1x2048x64xf32, #tpu.memory_space<hbm>>
    %dma_start3A_325 = tpu.memref_squeeze %dma_start3A_324 : memref<1x2048x64xf32, #tpu.memory_space<hbm>> -> memref<2048x64xf32, #tpu.memory_space<hbm>>
    %dma_start3A_326 = arith.constant 0 : i32
    %dma_start3A_327 = tpu.memref_slice %arg4[%sub3A_319, %dma_start3A_326] : memref<4095x64xf32, #tpu.memory_space<vmem_shared>> -> memref<2048x64xf32, #tpu.memory_space<vmem_shared>>
    tpu.enqueue_dma source(%dma_start3A_327 : memref<2048x64xf32, #tpu.memory_space<vmem_shared>>) target(%dma_start3A_325 : memref<2048x64xf32, #tpu.memory_space<hbm>>) target_semaphore(%arg5 : memref<!tpu.dma_semaphore, #tpu.memory_space<semaphore_mem>>)
    %dma_wait3A_328 = arith.constant 0 : i32
    %dma_wait3A_329 = arith.constant 0 : i32
    %dma_wait3A_330 = tpu.memref_slice %arg3[%add3A_273, %dma_wait3A_328, %dma_wait3A_329] : memref<2048x2048x64xf32, #tpu.memory_space<hbm>> -> memref<1x2048x64xf32, #tpu.memory_space<hbm>>
    %dma_wait3A_331 = tpu.memref_squeeze %dma_wait3A_330 : memref<1x2048x64xf32, #tpu.memory_space<hbm>> -> memref<2048x64xf32, #tpu.memory_space<hbm>>
    %dma_wait3A_332 = arith.constant 0 : i32
    %dma_wait3A_333 = tpu.memref_slice %arg4[%sub3A_271, %dma_wait3A_332] : memref<4095x64xf32, #tpu.memory_space<vmem_shared>> -> memref<2048x64xf32, #tpu.memory_space<vmem_shared>>
    tpu.wait_dma2 semaphore(%arg5 : memref<!tpu.dma_semaphore, #tpu.memory_space<semaphore_mem>>) src(%dma_wait3A_333 : memref<2048x64xf32, #tpu.memory_space<vmem_shared>>) dst(%dma_wait3A_331 : memref<2048x64xf32, #tpu.memory_space<hbm>>)
    %dma_wait3A_334 = arith.constant 0 : i32
    %dma_wait3A_335 = arith.constant 0 : i32
    %dma_wait3A_336 = tpu.memref_slice %arg3[%add3A_289, %dma_wait3A_334, %dma_wait3A_335] : memref<2048x2048x64xf32, #tpu.memory_space<hbm>> -> memref<1x2048x64xf32, #tpu.memory_space<hbm>>
    %dma_wait3A_337 = tpu.memref_squeeze %dma_wait3A_336 : memref<1x2048x64xf32, #tpu.memory_space<hbm>> -> memref<2048x64xf32, #tpu.memory_space<hbm>>
    %dma_wait3A_338 = arith.constant 0 : i32
    %dma_wait3A_339 = tpu.memref_slice %arg4[%sub3A_287, %dma_wait3A_338] : memref<4095x64xf32, #tpu.memory_space<vmem_shared>> -> memref<2048x64xf32, #tpu.memory_space<vmem_shared>>
    tpu.wait_dma2 semaphore(%arg5 : memref<!tpu.dma_semaphore, #tpu.memory_space<semaphore_mem>>) src(%dma_wait3A_339 : memref<2048x64xf32, #tpu.memory_space<vmem_shared>>) dst(%dma_wait3A_337 : memref<2048x64xf32, #tpu.memory_space<hbm>>)
    %dma_wait3A_340 = arith.constant 0 : i32
    %dma_wait3A_341 = arith.constant 0 : i32
    %dma_wait3A_342 = tpu.memref_slice %arg3[%add3A_305, %dma_wait3A_340, %dma_wait3A_341] : memref<2048x2048x64xf32, #tpu.memory_space<hbm>> -> memref<1x2048x64xf32, #tpu.memory_space<hbm>>
    %dma_wait3A_343 = tpu.memref_squeeze %dma_wait3A_342 : memref<1x2048x64xf32, #tpu.memory_space<hbm>> -> memref<2048x64xf32, #tpu.memory_space<hbm>>
    %dma_wait3A_344 = arith.constant 0 : i32
    %dma_wait3A_345 = tpu.memref_slice %arg4[%sub3A_303, %dma_wait3A_344] : memref<4095x64xf32, #tpu.memory_space<vmem_shared>> -> memref<2048x64xf32, #tpu.memory_space<vmem_shared>>
    tpu.wait_dma2 semaphore(%arg5 : memref<!tpu.dma_semaphore, #tpu.memory_space<semaphore_mem>>) src(%dma_wait3A_345 : memref<2048x64xf32, #tpu.memory_space<vmem_shared>>) dst(%dma_wait3A_343 : memref<2048x64xf32, #tpu.memory_space<hbm>>)
    %dma_wait3A_346 = arith.constant 0 : i32
    %dma_wait3A_347 = arith.constant 0 : i32
    %dma_wait3A_348 = tpu.memref_slice %arg3[%add3A_321, %dma_wait3A_346, %dma_wait3A_347] : memref<2048x2048x64xf32, #tpu.memory_space<hbm>> -> memref<1x2048x64xf32, #tpu.memory_space<hbm>>
    %dma_wait3A_349 = tpu.memref_squeeze %dma_wait3A_348 : memref<1x2048x64xf32, #tpu.memory_space<hbm>> -> memref<2048x64xf32, #tpu.memory_space<hbm>>
    %dma_wait3A_350 = arith.constant 0 : i32
    %dma_wait3A_351 = tpu.memref_slice %arg4[%sub3A_319, %dma_wait3A_350] : memref<4095x64xf32, #tpu.memory_space<vmem_shared>> -> memref<2048x64xf32, #tpu.memory_space<vmem_shared>>
    tpu.wait_dma2 semaphore(%arg5 : memref<!tpu.dma_semaphore, #tpu.memory_space<semaphore_mem>>) src(%dma_wait3A_351 : memref<2048x64xf32, #tpu.memory_space<vmem_shared>>) dst(%dma_wait3A_349 : memref<2048x64xf32, #tpu.memory_space<hbm>>)
    %mul3A_352 = arith.constant 32 : i32
    %mul3A_353 = arith.muli %add3A, %mul3A_352 : i32
    %add3A_354 = arith.constant 16 : i32
    %add3A_355 = arith.addi %mul3A_353, %add3A_354 : i32
    %add3A_356 = arith.constant 0 : i32
    %add3A_357 = arith.addi %add3A_355, %add3A_356 : i32
    %sub3A_358 = arith.constant 1023 : i32
    %sub3A_359 = arith.subi %sub3A_358, %add3A_357 : i32
    %add3A_360 = arith.constant 1024 : i32
    %add3A_361 = arith.addi %add3A_360, %add3A_357 : i32
    %dma_start3A_362 = arith.constant 0 : i32
    %dma_start3A_363 = arith.constant 0 : i32
    %dma_start3A_364 = tpu.memref_slice %arg3[%add3A_361, %dma_start3A_362, %dma_start3A_363] : memref<2048x2048x64xf32, #tpu.memory_space<hbm>> -> memref<1x2048x64xf32, #tpu.memory_space<hbm>>
    %dma_start3A_365 = tpu.memref_squeeze %dma_start3A_364 : memref<1x2048x64xf32, #tpu.memory_space<hbm>> -> memref<2048x64xf32, #tpu.memory_space<hbm>>
    %dma_start3A_366 = arith.constant 0 : i32
    %dma_start3A_367 = tpu.memref_slice %arg4[%sub3A_359, %dma_start3A_366] : memref<4095x64xf32, #tpu.memory_space<vmem_shared>> -> memref<2048x64xf32, #tpu.memory_space<vmem_shared>>
    tpu.enqueue_dma source(%dma_start3A_367 : memref<2048x64xf32, #tpu.memory_space<vmem_shared>>) target(%dma_start3A_365 : memref<2048x64xf32, #tpu.memory_space<hbm>>) target_semaphore(%arg5 : memref<!tpu.dma_semaphore, #tpu.memory_space<semaphore_mem>>)
    %mul3A_368 = arith.constant 32 : i32
    %mul3A_369 = arith.muli %add3A, %mul3A_368 : i32
    %add3A_370 = arith.constant 16 : i32
    %add3A_371 = arith.addi %mul3A_369, %add3A_370 : i32
    %add3A_372 = arith.constant 1 : i32
    %add3A_373 = arith.addi %add3A_371, %add3A_372 : i32
    %sub3A_374 = arith.constant 1023 : i32
    %sub3A_375 = arith.subi %sub3A_374, %add3A_373 : i32
    %add3A_376 = arith.constant 1024 : i32
    %add3A_377 = arith.addi %add3A_376, %add3A_373 : i32
    %dma_start3A_378 = arith.constant 0 : i32
    %dma_start3A_379 = arith.constant 0 : i32
    %dma_start3A_380 = tpu.memref_slice %arg3[%add3A_377, %dma_start3A_378, %dma_start3A_379] : memref<2048x2048x64xf32, #tpu.memory_space<hbm>> -> memref<1x2048x64xf32, #tpu.memory_space<hbm>>
    %dma_start3A_381 = tpu.memref_squeeze %dma_start3A_380 : memref<1x2048x64xf32, #tpu.memory_space<hbm>> -> memref<2048x64xf32, #tpu.memory_space<hbm>>
    %dma_start3A_382 = arith.constant 0 : i32
    %dma_start3A_383 = tpu.memref_slice %arg4[%sub3A_375, %dma_start3A_382] : memref<4095x64xf32, #tpu.memory_space<vmem_shared>> -> memref<2048x64xf32, #tpu.memory_space<vmem_shared>>
    tpu.enqueue_dma source(%dma_start3A_383 : memref<2048x64xf32, #tpu.memory_space<vmem_shared>>) target(%dma_start3A_381 : memref<2048x64xf32, #tpu.memory_space<hbm>>) target_semaphore(%arg5 : memref<!tpu.dma_semaphore, #tpu.memory_space<semaphore_mem>>)
    %mul3A_384 = arith.constant 32 : i32
    %mul3A_385 = arith.muli %add3A, %mul3A_384 : i32
    %add3A_386 = arith.constant 16 : i32
    %add3A_387 = arith.addi %mul3A_385, %add3A_386 : i32
    %add3A_388 = arith.constant 2 : i32
    %add3A_389 = arith.addi %add3A_387, %add3A_388 : i32
    %sub3A_390 = arith.constant 1023 : i32
    %sub3A_391 = arith.subi %sub3A_390, %add3A_389 : i32
    %add3A_392 = arith.constant 1024 : i32
    %add3A_393 = arith.addi %add3A_392, %add3A_389 : i32
    %dma_start3A_394 = arith.constant 0 : i32
    %dma_start3A_395 = arith.constant 0 : i32
    %dma_start3A_396 = tpu.memref_slice %arg3[%add3A_393, %dma_start3A_394, %dma_start3A_395] : memref<2048x2048x64xf32, #tpu.memory_space<hbm>> -> memref<1x2048x64xf32, #tpu.memory_space<hbm>>
    %dma_start3A_397 = tpu.memref_squeeze %dma_start3A_396 : memref<1x2048x64xf32, #tpu.memory_space<hbm>> -> memref<2048x64xf32, #tpu.memory_space<hbm>>
    %dma_start3A_398 = arith.constant 0 : i32
    %dma_start3A_399 = tpu.memref_slice %arg4[%sub3A_391, %dma_start3A_398] : memref<4095x64xf32, #tpu.memory_space<vmem_shared>> -> memref<2048x64xf32, #tpu.memory_space<vmem_shared>>
    tpu.enqueue_dma source(%dma_start3A_399 : memref<2048x64xf32, #tpu.memory_space<vmem_shared>>) target(%dma_start3A_397 : memref<2048x64xf32, #tpu.memory_space<hbm>>) target_semaphore(%arg5 : memref<!tpu.dma_semaphore, #tpu.memory_space<semaphore_mem>>)
    %mul3A_400 = arith.constant 32 : i32
    %mul3A_401 = arith.muli %add3A, %mul3A_400 : i32
    %add3A_402 = arith.constant 16 : i32
    %add3A_403 = arith.addi %mul3A_401, %add3A_402 : i32
    %add3A_404 = arith.constant 3 : i32
    %add3A_405 = arith.addi %add3A_403, %add3A_404 : i32
    %sub3A_406 = arith.constant 1023 : i32
    %sub3A_407 = arith.subi %sub3A_406, %add3A_405 : i32
    %add3A_408 = arith.constant 1024 : i32
    %add3A_409 = arith.addi %add3A_408, %add3A_405 : i32
    %dma_start3A_410 = arith.constant 0 : i32
    %dma_start3A_411 = arith.constant 0 : i32
    %dma_start3A_412 = tpu.memref_slice %arg3[%add3A_409, %dma_start3A_410, %dma_start3A_411] : memref<2048x2048x64xf32, #tpu.memory_space<hbm>> -> memref<1x2048x64xf32, #tpu.memory_space<hbm>>
    %dma_start3A_413 = tpu.memref_squeeze %dma_start3A_412 : memref<1x2048x64xf32, #tpu.memory_space<hbm>> -> memref<2048x64xf32, #tpu.memory_space<hbm>>
    %dma_start3A_414 = arith.constant 0 : i32
    %dma_start3A_415 = tpu.memref_slice %arg4[%sub3A_407, %dma_start3A_414] : memref<4095x64xf32, #tpu.memory_space<vmem_shared>> -> memref<2048x64xf32, #tpu.memory_space<vmem_shared>>
    tpu.enqueue_dma source(%dma_start3A_415 : memref<2048x64xf32, #tpu.memory_space<vmem_shared>>) target(%dma_start3A_413 : memref<2048x64xf32, #tpu.memory_space<hbm>>) target_semaphore(%arg5 : memref<!tpu.dma_semaphore, #tpu.memory_space<semaphore_mem>>)
    %dma_wait3A_416 = arith.constant 0 : i32
    %dma_wait3A_417 = arith.constant 0 : i32
    %dma_wait3A_418 = tpu.memref_slice %arg3[%add3A_361, %dma_wait3A_416, %dma_wait3A_417] : memref<2048x2048x64xf32, #tpu.memory_space<hbm>> -> memref<1x2048x64xf32, #tpu.memory_space<hbm>>
    %dma_wait3A_419 = tpu.memref_squeeze %dma_wait3A_418 : memref<1x2048x64xf32, #tpu.memory_space<hbm>> -> memref<2048x64xf32, #tpu.memory_space<hbm>>
    %dma_wait3A_420 = arith.constant 0 : i32
    %dma_wait3A_421 = tpu.memref_slice %arg4[%sub3A_359, %dma_wait3A_420] : memref<4095x64xf32, #tpu.memory_space<vmem_shared>> -> memref<2048x64xf32, #tpu.memory_space<vmem_shared>>
    tpu.wait_dma2 semaphore(%arg5 : memref<!tpu.dma_semaphore, #tpu.memory_space<semaphore_mem>>) src(%dma_wait3A_421 : memref<2048x64xf32, #tpu.memory_space<vmem_shared>>) dst(%dma_wait3A_419 : memref<2048x64xf32, #tpu.memory_space<hbm>>)
    %dma_wait3A_422 = arith.constant 0 : i32
    %dma_wait3A_423 = arith.constant 0 : i32
    %dma_wait3A_424 = tpu.memref_slice %arg3[%add3A_377, %dma_wait3A_422, %dma_wait3A_423] : memref<2048x2048x64xf32, #tpu.memory_space<hbm>> -> memref<1x2048x64xf32, #tpu.memory_space<hbm>>
    %dma_wait3A_425 = tpu.memref_squeeze %dma_wait3A_424 : memref<1x2048x64xf32, #tpu.memory_space<hbm>> -> memref<2048x64xf32, #tpu.memory_space<hbm>>
    %dma_wait3A_426 = arith.constant 0 : i32
    %dma_wait3A_427 = tpu.memref_slice %arg4[%sub3A_375, %dma_wait3A_426] : memref<4095x64xf32, #tpu.memory_space<vmem_shared>> -> memref<2048x64xf32, #tpu.memory_space<vmem_shared>>
    tpu.wait_dma2 semaphore(%arg5 : memref<!tpu.dma_semaphore, #tpu.memory_space<semaphore_mem>>) src(%dma_wait3A_427 : memref<2048x64xf32, #tpu.memory_space<vmem_shared>>) dst(%dma_wait3A_425 : memref<2048x64xf32, #tpu.memory_space<hbm>>)
    %dma_wait3A_428 = arith.constant 0 : i32
    %dma_wait3A_429 = arith.constant 0 : i32
    %dma_wait3A_430 = tpu.memref_slice %arg3[%add3A_393, %dma_wait3A_428, %dma_wait3A_429] : memref<2048x2048x64xf32, #tpu.memory_space<hbm>> -> memref<1x2048x64xf32, #tpu.memory_space<hbm>>
    %dma_wait3A_431 = tpu.memref_squeeze %dma_wait3A_430 : memref<1x2048x64xf32, #tpu.memory_space<hbm>> -> memref<2048x64xf32, #tpu.memory_space<hbm>>
    %dma_wait3A_432 = arith.constant 0 : i32
    %dma_wait3A_433 = tpu.memref_slice %arg4[%sub3A_391, %dma_wait3A_432] : memref<4095x64xf32, #tpu.memory_space<vmem_shared>> -> memref<2048x64xf32, #tpu.memory_space<vmem_shared>>
    tpu.wait_dma2 semaphore(%arg5 : memref<!tpu.dma_semaphore, #tpu.memory_space<semaphore_mem>>) src(%dma_wait3A_433 : memref<2048x64xf32, #tpu.memory_space<vmem_shared>>) dst(%dma_wait3A_431 : memref<2048x64xf32, #tpu.memory_space<hbm>>)
    %dma_wait3A_434 = arith.constant 0 : i32
    %dma_wait3A_435 = arith.constant 0 : i32
    %dma_wait3A_436 = tpu.memref_slice %arg3[%add3A_409, %dma_wait3A_434, %dma_wait3A_435] : memref<2048x2048x64xf32, #tpu.memory_space<hbm>> -> memref<1x2048x64xf32, #tpu.memory_space<hbm>>
    %dma_wait3A_437 = tpu.memref_squeeze %dma_wait3A_436 : memref<1x2048x64xf32, #tpu.memory_space<hbm>> -> memref<2048x64xf32, #tpu.memory_space<hbm>>
    %dma_wait3A_438 = arith.constant 0 : i32
    %dma_wait3A_439 = tpu.memref_slice %arg4[%sub3A_407, %dma_wait3A_438] : memref<4095x64xf32, #tpu.memory_space<vmem_shared>> -> memref<2048x64xf32, #tpu.memory_space<vmem_shared>>
    tpu.wait_dma2 semaphore(%arg5 : memref<!tpu.dma_semaphore, #tpu.memory_space<semaphore_mem>>) src(%dma_wait3A_439 : memref<2048x64xf32, #tpu.memory_space<vmem_shared>>) dst(%dma_wait3A_437 : memref<2048x64xf32, #tpu.memory_space<hbm>>)
    %mul3A_440 = arith.constant 32 : i32
    %mul3A_441 = arith.muli %add3A, %mul3A_440 : i32
    %add3A_442 = arith.constant 20 : i32
    %add3A_443 = arith.addi %mul3A_441, %add3A_442 : i32
    %add3A_444 = arith.constant 0 : i32
    %add3A_445 = arith.addi %add3A_443, %add3A_444 : i32
    %sub3A_446 = arith.constant 1023 : i32
    %sub3A_447 = arith.subi %sub3A_446, %add3A_445 : i32
    %add3A_448 = arith.constant 1024 : i32
    %add3A_449 = arith.addi %add3A_448, %add3A_445 : i32
    %dma_start3A_450 = arith.constant 0 : i32
    %dma_start3A_451 = arith.constant 0 : i32
    %dma_start3A_452 = tpu.memref_slice %arg3[%add3A_449, %dma_start3A_450, %dma_start3A_451] : memref<2048x2048x64xf32, #tpu.memory_space<hbm>> -> memref<1x2048x64xf32, #tpu.memory_space<hbm>>
    %dma_start3A_453 = tpu.memref_squeeze %dma_start3A_452 : memref<1x2048x64xf32, #tpu.memory_space<hbm>> -> memref<2048x64xf32, #tpu.memory_space<hbm>>
    %dma_start3A_454 = arith.constant 0 : i32
    %dma_start3A_455 = tpu.memref_slice %arg4[%sub3A_447, %dma_start3A_454] : memref<4095x64xf32, #tpu.memory_space<vmem_shared>> -> memref<2048x64xf32, #tpu.memory_space<vmem_shared>>
    tpu.enqueue_dma source(%dma_start3A_455 : memref<2048x64xf32, #tpu.memory_space<vmem_shared>>) target(%dma_start3A_453 : memref<2048x64xf32, #tpu.memory_space<hbm>>) target_semaphore(%arg5 : memref<!tpu.dma_semaphore, #tpu.memory_space<semaphore_mem>>)
    %mul3A_456 = arith.constant 32 : i32
    %mul3A_457 = arith.muli %add3A, %mul3A_456 : i32
    %add3A_458 = arith.constant 20 : i32
    %add3A_459 = arith.addi %mul3A_457, %add3A_458 : i32
    %add3A_460 = arith.constant 1 : i32
    %add3A_461 = arith.addi %add3A_459, %add3A_460 : i32
    %sub3A_462 = arith.constant 1023 : i32
    %sub3A_463 = arith.subi %sub3A_462, %add3A_461 : i32
    %add3A_464 = arith.constant 1024 : i32
    %add3A_465 = arith.addi %add3A_464, %add3A_461 : i32
    %dma_start3A_466 = arith.constant 0 : i32
    %dma_start3A_467 = arith.constant 0 : i32
    %dma_start3A_468 = tpu.memref_slice %arg3[%add3A_465, %dma_start3A_466, %dma_start3A_467] : memref<2048x2048x64xf32, #tpu.memory_space<hbm>> -> memref<1x2048x64xf32, #tpu.memory_space<hbm>>
    %dma_start3A_469 = tpu.memref_squeeze %dma_start3A_468 : memref<1x2048x64xf32, #tpu.memory_space<hbm>> -> memref<2048x64xf32, #tpu.memory_space<hbm>>
    %dma_start3A_470 = arith.constant 0 : i32
    %dma_start3A_471 = tpu.memref_slice %arg4[%sub3A_463, %dma_start3A_470] : memref<4095x64xf32, #tpu.memory_space<vmem_shared>> -> memref<2048x64xf32, #tpu.memory_space<vmem_shared>>
    tpu.enqueue_dma source(%dma_start3A_471 : memref<2048x64xf32, #tpu.memory_space<vmem_shared>>) target(%dma_start3A_469 : memref<2048x64xf32, #tpu.memory_space<hbm>>) target_semaphore(%arg5 : memref<!tpu.dma_semaphore, #tpu.memory_space<semaphore_mem>>)
    %mul3A_472 = arith.constant 32 : i32
    %mul3A_473 = arith.muli %add3A, %mul3A_472 : i32
    %add3A_474 = arith.constant 20 : i32
    %add3A_475 = arith.addi %mul3A_473, %add3A_474 : i32
    %add3A_476 = arith.constant 2 : i32
    %add3A_477 = arith.addi %add3A_475, %add3A_476 : i32
    %sub3A_478 = arith.constant 1023 : i32
    %sub3A_479 = arith.subi %sub3A_478, %add3A_477 : i32
    %add3A_480 = arith.constant 1024 : i32
    %add3A_481 = arith.addi %add3A_480, %add3A_477 : i32
    %dma_start3A_482 = arith.constant 0 : i32
    %dma_start3A_483 = arith.constant 0 : i32
    %dma_start3A_484 = tpu.memref_slice %arg3[%add3A_481, %dma_start3A_482, %dma_start3A_483] : memref<2048x2048x64xf32, #tpu.memory_space<hbm>> -> memref<1x2048x64xf32, #tpu.memory_space<hbm>>
    %dma_start3A_485 = tpu.memref_squeeze %dma_start3A_484 : memref<1x2048x64xf32, #tpu.memory_space<hbm>> -> memref<2048x64xf32, #tpu.memory_space<hbm>>
    %dma_start3A_486 = arith.constant 0 : i32
    %dma_start3A_487 = tpu.memref_slice %arg4[%sub3A_479, %dma_start3A_486] : memref<4095x64xf32, #tpu.memory_space<vmem_shared>> -> memref<2048x64xf32, #tpu.memory_space<vmem_shared>>
    tpu.enqueue_dma source(%dma_start3A_487 : memref<2048x64xf32, #tpu.memory_space<vmem_shared>>) target(%dma_start3A_485 : memref<2048x64xf32, #tpu.memory_space<hbm>>) target_semaphore(%arg5 : memref<!tpu.dma_semaphore, #tpu.memory_space<semaphore_mem>>)
    %mul3A_488 = arith.constant 32 : i32
    %mul3A_489 = arith.muli %add3A, %mul3A_488 : i32
    %add3A_490 = arith.constant 20 : i32
    %add3A_491 = arith.addi %mul3A_489, %add3A_490 : i32
    %add3A_492 = arith.constant 3 : i32
    %add3A_493 = arith.addi %add3A_491, %add3A_492 : i32
    %sub3A_494 = arith.constant 1023 : i32
    %sub3A_495 = arith.subi %sub3A_494, %add3A_493 : i32
    %add3A_496 = arith.constant 1024 : i32
    %add3A_497 = arith.addi %add3A_496, %add3A_493 : i32
    %dma_start3A_498 = arith.constant 0 : i32
    %dma_start3A_499 = arith.constant 0 : i32
    %dma_start3A_500 = tpu.memref_slice %arg3[%add3A_497, %dma_start3A_498, %dma_start3A_499] : memref<2048x2048x64xf32, #tpu.memory_space<hbm>> -> memref<1x2048x64xf32, #tpu.memory_space<hbm>>
    %dma_start3A_501 = tpu.memref_squeeze %dma_start3A_500 : memref<1x2048x64xf32, #tpu.memory_space<hbm>> -> memref<2048x64xf32, #tpu.memory_space<hbm>>
    %dma_start3A_502 = arith.constant 0 : i32
    %dma_start3A_503 = tpu.memref_slice %arg4[%sub3A_495, %dma_start3A_502] : memref<4095x64xf32, #tpu.memory_space<vmem_shared>> -> memref<2048x64xf32, #tpu.memory_space<vmem_shared>>
    tpu.enqueue_dma source(%dma_start3A_503 : memref<2048x64xf32, #tpu.memory_space<vmem_shared>>) target(%dma_start3A_501 : memref<2048x64xf32, #tpu.memory_space<hbm>>) target_semaphore(%arg5 : memref<!tpu.dma_semaphore, #tpu.memory_space<semaphore_mem>>)
    %dma_wait3A_504 = arith.constant 0 : i32
    %dma_wait3A_505 = arith.constant 0 : i32
    %dma_wait3A_506 = tpu.memref_slice %arg3[%add3A_449, %dma_wait3A_504, %dma_wait3A_505] : memref<2048x2048x64xf32, #tpu.memory_space<hbm>> -> memref<1x2048x64xf32, #tpu.memory_space<hbm>>
    %dma_wait3A_507 = tpu.memref_squeeze %dma_wait3A_506 : memref<1x2048x64xf32, #tpu.memory_space<hbm>> -> memref<2048x64xf32, #tpu.memory_space<hbm>>
    %dma_wait3A_508 = arith.constant 0 : i32
    %dma_wait3A_509 = tpu.memref_slice %arg4[%sub3A_447, %dma_wait3A_508] : memref<4095x64xf32, #tpu.memory_space<vmem_shared>> -> memref<2048x64xf32, #tpu.memory_space<vmem_shared>>
    tpu.wait_dma2 semaphore(%arg5 : memref<!tpu.dma_semaphore, #tpu.memory_space<semaphore_mem>>) src(%dma_wait3A_509 : memref<2048x64xf32, #tpu.memory_space<vmem_shared>>) dst(%dma_wait3A_507 : memref<2048x64xf32, #tpu.memory_space<hbm>>)
    %dma_wait3A_510 = arith.constant 0 : i32
    %dma_wait3A_511 = arith.constant 0 : i32
    %dma_wait3A_512 = tpu.memref_slice %arg3[%add3A_465, %dma_wait3A_510, %dma_wait3A_511] : memref<2048x2048x64xf32, #tpu.memory_space<hbm>> -> memref<1x2048x64xf32, #tpu.memory_space<hbm>>
    %dma_wait3A_513 = tpu.memref_squeeze %dma_wait3A_512 : memref<1x2048x64xf32, #tpu.memory_space<hbm>> -> memref<2048x64xf32, #tpu.memory_space<hbm>>
    %dma_wait3A_514 = arith.constant 0 : i32
    %dma_wait3A_515 = tpu.memref_slice %arg4[%sub3A_463, %dma_wait3A_514] : memref<4095x64xf32, #tpu.memory_space<vmem_shared>> -> memref<2048x64xf32, #tpu.memory_space<vmem_shared>>
    tpu.wait_dma2 semaphore(%arg5 : memref<!tpu.dma_semaphore, #tpu.memory_space<semaphore_mem>>) src(%dma_wait3A_515 : memref<2048x64xf32, #tpu.memory_space<vmem_shared>>) dst(%dma_wait3A_513 : memref<2048x64xf32, #tpu.memory_space<hbm>>)
    %dma_wait3A_516 = arith.constant 0 : i32
    %dma_wait3A_517 = arith.constant 0 : i32
    %dma_wait3A_518 = tpu.memref_slice %arg3[%add3A_481, %dma_wait3A_516, %dma_wait3A_517] : memref<2048x2048x64xf32, #tpu.memory_space<hbm>> -> memref<1x2048x64xf32, #tpu.memory_space<hbm>>
    %dma_wait3A_519 = tpu.memref_squeeze %dma_wait3A_518 : memref<1x2048x64xf32, #tpu.memory_space<hbm>> -> memref<2048x64xf32, #tpu.memory_space<hbm>>
    %dma_wait3A_520 = arith.constant 0 : i32
    %dma_wait3A_521 = tpu.memref_slice %arg4[%sub3A_479, %dma_wait3A_520] : memref<4095x64xf32, #tpu.memory_space<vmem_shared>> -> memref<2048x64xf32, #tpu.memory_space<vmem_shared>>
    tpu.wait_dma2 semaphore(%arg5 : memref<!tpu.dma_semaphore, #tpu.memory_space<semaphore_mem>>) src(%dma_wait3A_521 : memref<2048x64xf32, #tpu.memory_space<vmem_shared>>) dst(%dma_wait3A_519 : memref<2048x64xf32, #tpu.memory_space<hbm>>)
    %dma_wait3A_522 = arith.constant 0 : i32
    %dma_wait3A_523 = arith.constant 0 : i32
    %dma_wait3A_524 = tpu.memref_slice %arg3[%add3A_497, %dma_wait3A_522, %dma_wait3A_523] : memref<2048x2048x64xf32, #tpu.memory_space<hbm>> -> memref<1x2048x64xf32, #tpu.memory_space<hbm>>
    %dma_wait3A_525 = tpu.memref_squeeze %dma_wait3A_524 : memref<1x2048x64xf32, #tpu.memory_space<hbm>> -> memref<2048x64xf32, #tpu.memory_space<hbm>>
    %dma_wait3A_526 = arith.constant 0 : i32
    %dma_wait3A_527 = tpu.memref_slice %arg4[%sub3A_495, %dma_wait3A_526] : memref<4095x64xf32, #tpu.memory_space<vmem_shared>> -> memref<2048x64xf32, #tpu.memory_space<vmem_shared>>
    tpu.wait_dma2 semaphore(%arg5 : memref<!tpu.dma_semaphore, #tpu.memory_space<semaphore_mem>>) src(%dma_wait3A_527 : memref<2048x64xf32, #tpu.memory_space<vmem_shared>>) dst(%dma_wait3A_525 : memref<2048x64xf32, #tpu.memory_space<hbm>>)
    %mul3A_528 = arith.constant 32 : i32
    %mul3A_529 = arith.muli %add3A, %mul3A_528 : i32
    %add3A_530 = arith.constant 24 : i32
    %add3A_531 = arith.addi %mul3A_529, %add3A_530 : i32
    %add3A_532 = arith.constant 0 : i32
    %add3A_533 = arith.addi %add3A_531, %add3A_532 : i32
    %sub3A_534 = arith.constant 1023 : i32
    %sub3A_535 = arith.subi %sub3A_534, %add3A_533 : i32
    %add3A_536 = arith.constant 1024 : i32
    %add3A_537 = arith.addi %add3A_536, %add3A_533 : i32
    %dma_start3A_538 = arith.constant 0 : i32
    %dma_start3A_539 = arith.constant 0 : i32
    %dma_start3A_540 = tpu.memref_slice %arg3[%add3A_537, %dma_start3A_538, %dma_start3A_539] : memref<2048x2048x64xf32, #tpu.memory_space<hbm>> -> memref<1x2048x64xf32, #tpu.memory_space<hbm>>
    %dma_start3A_541 = tpu.memref_squeeze %dma_start3A_540 : memref<1x2048x64xf32, #tpu.memory_space<hbm>> -> memref<2048x64xf32, #tpu.memory_space<hbm>>
    %dma_start3A_542 = arith.constant 0 : i32
    %dma_start3A_543 = tpu.memref_slice %arg4[%sub3A_535, %dma_start3A_542] : memref<4095x64xf32, #tpu.memory_space<vmem_shared>> -> memref<2048x64xf32, #tpu.memory_space<vmem_shared>>
    tpu.enqueue_dma source(%dma_start3A_543 : memref<2048x64xf32, #tpu.memory_space<vmem_shared>>) target(%dma_start3A_541 : memref<2048x64xf32, #tpu.memory_space<hbm>>) target_semaphore(%arg5 : memref<!tpu.dma_semaphore, #tpu.memory_space<semaphore_mem>>)
    %mul3A_544 = arith.constant 32 : i32
    %mul3A_545 = arith.muli %add3A, %mul3A_544 : i32
    %add3A_546 = arith.constant 24 : i32
    %add3A_547 = arith.addi %mul3A_545, %add3A_546 : i32
    %add3A_548 = arith.constant 1 : i32
    %add3A_549 = arith.addi %add3A_547, %add3A_548 : i32
    %sub3A_550 = arith.constant 1023 : i32
    %sub3A_551 = arith.subi %sub3A_550, %add3A_549 : i32
    %add3A_552 = arith.constant 1024 : i32
    %add3A_553 = arith.addi %add3A_552, %add3A_549 : i32
    %dma_start3A_554 = arith.constant 0 : i32
    %dma_start3A_555 = arith.constant 0 : i32
    %dma_start3A_556 = tpu.memref_slice %arg3[%add3A_553, %dma_start3A_554, %dma_start3A_555] : memref<2048x2048x64xf32, #tpu.memory_space<hbm>> -> memref<1x2048x64xf32, #tpu.memory_space<hbm>>
    %dma_start3A_557 = tpu.memref_squeeze %dma_start3A_556 : memref<1x2048x64xf32, #tpu.memory_space<hbm>> -> memref<2048x64xf32, #tpu.memory_space<hbm>>
    %dma_start3A_558 = arith.constant 0 : i32
    %dma_start3A_559 = tpu.memref_slice %arg4[%sub3A_551, %dma_start3A_558] : memref<4095x64xf32, #tpu.memory_space<vmem_shared>> -> memref<2048x64xf32, #tpu.memory_space<vmem_shared>>
    tpu.enqueue_dma source(%dma_start3A_559 : memref<2048x64xf32, #tpu.memory_space<vmem_shared>>) target(%dma_start3A_557 : memref<2048x64xf32, #tpu.memory_space<hbm>>) target_semaphore(%arg5 : memref<!tpu.dma_semaphore, #tpu.memory_space<semaphore_mem>>)
    %mul3A_560 = arith.constant 32 : i32
    %mul3A_561 = arith.muli %add3A, %mul3A_560 : i32
    %add3A_562 = arith.constant 24 : i32
    %add3A_563 = arith.addi %mul3A_561, %add3A_562 : i32
    %add3A_564 = arith.constant 2 : i32
    %add3A_565 = arith.addi %add3A_563, %add3A_564 : i32
    %sub3A_566 = arith.constant 1023 : i32
    %sub3A_567 = arith.subi %sub3A_566, %add3A_565 : i32
    %add3A_568 = arith.constant 1024 : i32
    %add3A_569 = arith.addi %add3A_568, %add3A_565 : i32
    %dma_start3A_570 = arith.constant 0 : i32
    %dma_start3A_571 = arith.constant 0 : i32
    %dma_start3A_572 = tpu.memref_slice %arg3[%add3A_569, %dma_start3A_570, %dma_start3A_571] : memref<2048x2048x64xf32, #tpu.memory_space<hbm>> -> memref<1x2048x64xf32, #tpu.memory_space<hbm>>
    %dma_start3A_573 = tpu.memref_squeeze %dma_start3A_572 : memref<1x2048x64xf32, #tpu.memory_space<hbm>> -> memref<2048x64xf32, #tpu.memory_space<hbm>>
    %dma_start3A_574 = arith.constant 0 : i32
    %dma_start3A_575 = tpu.memref_slice %arg4[%sub3A_567, %dma_start3A_574] : memref<4095x64xf32, #tpu.memory_space<vmem_shared>> -> memref<2048x64xf32, #tpu.memory_space<vmem_shared>>
    tpu.enqueue_dma source(%dma_start3A_575 : memref<2048x64xf32, #tpu.memory_space<vmem_shared>>) target(%dma_start3A_573 : memref<2048x64xf32, #tpu.memory_space<hbm>>) target_semaphore(%arg5 : memref<!tpu.dma_semaphore, #tpu.memory_space<semaphore_mem>>)
    %mul3A_576 = arith.constant 32 : i32
    %mul3A_577 = arith.muli %add3A, %mul3A_576 : i32
    %add3A_578 = arith.constant 24 : i32
    %add3A_579 = arith.addi %mul3A_577, %add3A_578 : i32
    %add3A_580 = arith.constant 3 : i32
    %add3A_581 = arith.addi %add3A_579, %add3A_580 : i32
    %sub3A_582 = arith.constant 1023 : i32
    %sub3A_583 = arith.subi %sub3A_582, %add3A_581 : i32
    %add3A_584 = arith.constant 1024 : i32
    %add3A_585 = arith.addi %add3A_584, %add3A_581 : i32
    %dma_start3A_586 = arith.constant 0 : i32
    %dma_start3A_587 = arith.constant 0 : i32
    %dma_start3A_588 = tpu.memref_slice %arg3[%add3A_585, %dma_start3A_586, %dma_start3A_587] : memref<2048x2048x64xf32, #tpu.memory_space<hbm>> -> memref<1x2048x64xf32, #tpu.memory_space<hbm>>
    %dma_start3A_589 = tpu.memref_squeeze %dma_start3A_588 : memref<1x2048x64xf32, #tpu.memory_space<hbm>> -> memref<2048x64xf32, #tpu.memory_space<hbm>>
    %dma_start3A_590 = arith.constant 0 : i32
    %dma_start3A_591 = tpu.memref_slice %arg4[%sub3A_583, %dma_start3A_590] : memref<4095x64xf32, #tpu.memory_space<vmem_shared>> -> memref<2048x64xf32, #tpu.memory_space<vmem_shared>>
    tpu.enqueue_dma source(%dma_start3A_591 : memref<2048x64xf32, #tpu.memory_space<vmem_shared>>) target(%dma_start3A_589 : memref<2048x64xf32, #tpu.memory_space<hbm>>) target_semaphore(%arg5 : memref<!tpu.dma_semaphore, #tpu.memory_space<semaphore_mem>>)
    %dma_wait3A_592 = arith.constant 0 : i32
    %dma_wait3A_593 = arith.constant 0 : i32
    %dma_wait3A_594 = tpu.memref_slice %arg3[%add3A_537, %dma_wait3A_592, %dma_wait3A_593] : memref<2048x2048x64xf32, #tpu.memory_space<hbm>> -> memref<1x2048x64xf32, #tpu.memory_space<hbm>>
    %dma_wait3A_595 = tpu.memref_squeeze %dma_wait3A_594 : memref<1x2048x64xf32, #tpu.memory_space<hbm>> -> memref<2048x64xf32, #tpu.memory_space<hbm>>
    %dma_wait3A_596 = arith.constant 0 : i32
    %dma_wait3A_597 = tpu.memref_slice %arg4[%sub3A_535, %dma_wait3A_596] : memref<4095x64xf32, #tpu.memory_space<vmem_shared>> -> memref<2048x64xf32, #tpu.memory_space<vmem_shared>>
    tpu.wait_dma2 semaphore(%arg5 : memref<!tpu.dma_semaphore, #tpu.memory_space<semaphore_mem>>) src(%dma_wait3A_597 : memref<2048x64xf32, #tpu.memory_space<vmem_shared>>) dst(%dma_wait3A_595 : memref<2048x64xf32, #tpu.memory_space<hbm>>)
    %dma_wait3A_598 = arith.constant 0 : i32
    %dma_wait3A_599 = arith.constant 0 : i32
    %dma_wait3A_600 = tpu.memref_slice %arg3[%add3A_553, %dma_wait3A_598, %dma_wait3A_599] : memref<2048x2048x64xf32, #tpu.memory_space<hbm>> -> memref<1x2048x64xf32, #tpu.memory_space<hbm>>
    %dma_wait3A_601 = tpu.memref_squeeze %dma_wait3A_600 : memref<1x2048x64xf32, #tpu.memory_space<hbm>> -> memref<2048x64xf32, #tpu.memory_space<hbm>>
    %dma_wait3A_602 = arith.constant 0 : i32
    %dma_wait3A_603 = tpu.memref_slice %arg4[%sub3A_551, %dma_wait3A_602] : memref<4095x64xf32, #tpu.memory_space<vmem_shared>> -> memref<2048x64xf32, #tpu.memory_space<vmem_shared>>
    tpu.wait_dma2 semaphore(%arg5 : memref<!tpu.dma_semaphore, #tpu.memory_space<semaphore_mem>>) src(%dma_wait3A_603 : memref<2048x64xf32, #tpu.memory_space<vmem_shared>>) dst(%dma_wait3A_601 : memref<2048x64xf32, #tpu.memory_space<hbm>>)
    %dma_wait3A_604 = arith.constant 0 : i32
    %dma_wait3A_605 = arith.constant 0 : i32
    %dma_wait3A_606 = tpu.memref_slice %arg3[%add3A_569, %dma_wait3A_604, %dma_wait3A_605] : memref<2048x2048x64xf32, #tpu.memory_space<hbm>> -> memref<1x2048x64xf32, #tpu.memory_space<hbm>>
    %dma_wait3A_607 = tpu.memref_squeeze %dma_wait3A_606 : memref<1x2048x64xf32, #tpu.memory_space<hbm>> -> memref<2048x64xf32, #tpu.memory_space<hbm>>
    %dma_wait3A_608 = arith.constant 0 : i32
    %dma_wait3A_609 = tpu.memref_slice %arg4[%sub3A_567, %dma_wait3A_608] : memref<4095x64xf32, #tpu.memory_space<vmem_shared>> -> memref<2048x64xf32, #tpu.memory_space<vmem_shared>>
    tpu.wait_dma2 semaphore(%arg5 : memref<!tpu.dma_semaphore, #tpu.memory_space<semaphore_mem>>) src(%dma_wait3A_609 : memref<2048x64xf32, #tpu.memory_space<vmem_shared>>) dst(%dma_wait3A_607 : memref<2048x64xf32, #tpu.memory_space<hbm>>)
    %dma_wait3A_610 = arith.constant 0 : i32
    %dma_wait3A_611 = arith.constant 0 : i32
    %dma_wait3A_612 = tpu.memref_slice %arg3[%add3A_585, %dma_wait3A_610, %dma_wait3A_611] : memref<2048x2048x64xf32, #tpu.memory_space<hbm>> -> memref<1x2048x64xf32, #tpu.memory_space<hbm>>
    %dma_wait3A_613 = tpu.memref_squeeze %dma_wait3A_612 : memref<1x2048x64xf32, #tpu.memory_space<hbm>> -> memref<2048x64xf32, #tpu.memory_space<hbm>>
    %dma_wait3A_614 = arith.constant 0 : i32
    %dma_wait3A_615 = tpu.memref_slice %arg4[%sub3A_583, %dma_wait3A_614] : memref<4095x64xf32, #tpu.memory_space<vmem_shared>> -> memref<2048x64xf32, #tpu.memory_space<vmem_shared>>
    tpu.wait_dma2 semaphore(%arg5 : memref<!tpu.dma_semaphore, #tpu.memory_space<semaphore_mem>>) src(%dma_wait3A_615 : memref<2048x64xf32, #tpu.memory_space<vmem_shared>>) dst(%dma_wait3A_613 : memref<2048x64xf32, #tpu.memory_space<hbm>>)
    %mul3A_616 = arith.constant 32 : i32
    %mul3A_617 = arith.muli %add3A, %mul3A_616 : i32
    %add3A_618 = arith.constant 28 : i32
    %add3A_619 = arith.addi %mul3A_617, %add3A_618 : i32
    %add3A_620 = arith.constant 0 : i32
    %add3A_621 = arith.addi %add3A_619, %add3A_620 : i32
    %sub3A_622 = arith.constant 1023 : i32
    %sub3A_623 = arith.subi %sub3A_622, %add3A_621 : i32
    %add3A_624 = arith.constant 1024 : i32
    %add3A_625 = arith.addi %add3A_624, %add3A_621 : i32
    %dma_start3A_626 = arith.constant 0 : i32
    %dma_start3A_627 = arith.constant 0 : i32
    %dma_start3A_628 = tpu.memref_slice %arg3[%add3A_625, %dma_start3A_626, %dma_start3A_627] : memref<2048x2048x64xf32, #tpu.memory_space<hbm>> -> memref<1x2048x64xf32, #tpu.memory_space<hbm>>
    %dma_start3A_629 = tpu.memref_squeeze %dma_start3A_628 : memref<1x2048x64xf32, #tpu.memory_space<hbm>> -> memref<2048x64xf32, #tpu.memory_space<hbm>>
    %dma_start3A_630 = arith.constant 0 : i32
    %dma_start3A_631 = tpu.memref_slice %arg4[%sub3A_623, %dma_start3A_630] : memref<4095x64xf32, #tpu.memory_space<vmem_shared>> -> memref<2048x64xf32, #tpu.memory_space<vmem_shared>>
    tpu.enqueue_dma source(%dma_start3A_631 : memref<2048x64xf32, #tpu.memory_space<vmem_shared>>) target(%dma_start3A_629 : memref<2048x64xf32, #tpu.memory_space<hbm>>) target_semaphore(%arg5 : memref<!tpu.dma_semaphore, #tpu.memory_space<semaphore_mem>>)
    %mul3A_632 = arith.constant 32 : i32
    %mul3A_633 = arith.muli %add3A, %mul3A_632 : i32
    %add3A_634 = arith.constant 28 : i32
    %add3A_635 = arith.addi %mul3A_633, %add3A_634 : i32
    %add3A_636 = arith.constant 1 : i32
    %add3A_637 = arith.addi %add3A_635, %add3A_636 : i32
    %sub3A_638 = arith.constant 1023 : i32
    %sub3A_639 = arith.subi %sub3A_638, %add3A_637 : i32
    %add3A_640 = arith.constant 1024 : i32
    %add3A_641 = arith.addi %add3A_640, %add3A_637 : i32
    %dma_start3A_642 = arith.constant 0 : i32
    %dma_start3A_643 = arith.constant 0 : i32
    %dma_start3A_644 = tpu.memref_slice %arg3[%add3A_641, %dma_start3A_642, %dma_start3A_643] : memref<2048x2048x64xf32, #tpu.memory_space<hbm>> -> memref<1x2048x64xf32, #tpu.memory_space<hbm>>
    %dma_start3A_645 = tpu.memref_squeeze %dma_start3A_644 : memref<1x2048x64xf32, #tpu.memory_space<hbm>> -> memref<2048x64xf32, #tpu.memory_space<hbm>>
    %dma_start3A_646 = arith.constant 0 : i32
    %dma_start3A_647 = tpu.memref_slice %arg4[%sub3A_639, %dma_start3A_646] : memref<4095x64xf32, #tpu.memory_space<vmem_shared>> -> memref<2048x64xf32, #tpu.memory_space<vmem_shared>>
    tpu.enqueue_dma source(%dma_start3A_647 : memref<2048x64xf32, #tpu.memory_space<vmem_shared>>) target(%dma_start3A_645 : memref<2048x64xf32, #tpu.memory_space<hbm>>) target_semaphore(%arg5 : memref<!tpu.dma_semaphore, #tpu.memory_space<semaphore_mem>>)
    %mul3A_648 = arith.constant 32 : i32
    %mul3A_649 = arith.muli %add3A, %mul3A_648 : i32
    %add3A_650 = arith.constant 28 : i32
    %add3A_651 = arith.addi %mul3A_649, %add3A_650 : i32
    %add3A_652 = arith.constant 2 : i32
    %add3A_653 = arith.addi %add3A_651, %add3A_652 : i32
    %sub3A_654 = arith.constant 1023 : i32
    %sub3A_655 = arith.subi %sub3A_654, %add3A_653 : i32
    %add3A_656 = arith.constant 1024 : i32
    %add3A_657 = arith.addi %add3A_656, %add3A_653 : i32
    %dma_start3A_658 = arith.constant 0 : i32
    %dma_start3A_659 = arith.constant 0 : i32
    %dma_start3A_660 = tpu.memref_slice %arg3[%add3A_657, %dma_start3A_658, %dma_start3A_659] : memref<2048x2048x64xf32, #tpu.memory_space<hbm>> -> memref<1x2048x64xf32, #tpu.memory_space<hbm>>
    %dma_start3A_661 = tpu.memref_squeeze %dma_start3A_660 : memref<1x2048x64xf32, #tpu.memory_space<hbm>> -> memref<2048x64xf32, #tpu.memory_space<hbm>>
    %dma_start3A_662 = arith.constant 0 : i32
    %dma_start3A_663 = tpu.memref_slice %arg4[%sub3A_655, %dma_start3A_662] : memref<4095x64xf32, #tpu.memory_space<vmem_shared>> -> memref<2048x64xf32, #tpu.memory_space<vmem_shared>>
    tpu.enqueue_dma source(%dma_start3A_663 : memref<2048x64xf32, #tpu.memory_space<vmem_shared>>) target(%dma_start3A_661 : memref<2048x64xf32, #tpu.memory_space<hbm>>) target_semaphore(%arg5 : memref<!tpu.dma_semaphore, #tpu.memory_space<semaphore_mem>>)
    %mul3A_664 = arith.constant 32 : i32
    %mul3A_665 = arith.muli %add3A, %mul3A_664 : i32
    %add3A_666 = arith.constant 28 : i32
    %add3A_667 = arith.addi %mul3A_665, %add3A_666 : i32
    %add3A_668 = arith.constant 3 : i32
    %add3A_669 = arith.addi %add3A_667, %add3A_668 : i32
    %sub3A_670 = arith.constant 1023 : i32
    %sub3A_671 = arith.subi %sub3A_670, %add3A_669 : i32
    %add3A_672 = arith.constant 1024 : i32
    %add3A_673 = arith.addi %add3A_672, %add3A_669 : i32
    %dma_start3A_674 = arith.constant 0 : i32
    %dma_start3A_675 = arith.constant 0 : i32
    %dma_start3A_676 = tpu.memref_slice %arg3[%add3A_673, %dma_start3A_674, %dma_start3A_675] : memref<2048x2048x64xf32, #tpu.memory_space<hbm>> -> memref<1x2048x64xf32, #tpu.memory_space<hbm>>
    %dma_start3A_677 = tpu.memref_squeeze %dma_start3A_676 : memref<1x2048x64xf32, #tpu.memory_space<hbm>> -> memref<2048x64xf32, #tpu.memory_space<hbm>>
    %dma_start3A_678 = arith.constant 0 : i32
    %dma_start3A_679 = tpu.memref_slice %arg4[%sub3A_671, %dma_start3A_678] : memref<4095x64xf32, #tpu.memory_space<vmem_shared>> -> memref<2048x64xf32, #tpu.memory_space<vmem_shared>>
    tpu.enqueue_dma source(%dma_start3A_679 : memref<2048x64xf32, #tpu.memory_space<vmem_shared>>) target(%dma_start3A_677 : memref<2048x64xf32, #tpu.memory_space<hbm>>) target_semaphore(%arg5 : memref<!tpu.dma_semaphore, #tpu.memory_space<semaphore_mem>>)
    %dma_wait3A_680 = arith.constant 0 : i32
    %dma_wait3A_681 = arith.constant 0 : i32
    %dma_wait3A_682 = tpu.memref_slice %arg3[%add3A_625, %dma_wait3A_680, %dma_wait3A_681] : memref<2048x2048x64xf32, #tpu.memory_space<hbm>> -> memref<1x2048x64xf32, #tpu.memory_space<hbm>>
    %dma_wait3A_683 = tpu.memref_squeeze %dma_wait3A_682 : memref<1x2048x64xf32, #tpu.memory_space<hbm>> -> memref<2048x64xf32, #tpu.memory_space<hbm>>
    %dma_wait3A_684 = arith.constant 0 : i32
    %dma_wait3A_685 = tpu.memref_slice %arg4[%sub3A_623, %dma_wait3A_684] : memref<4095x64xf32, #tpu.memory_space<vmem_shared>> -> memref<2048x64xf32, #tpu.memory_space<vmem_shared>>
    tpu.wait_dma2 semaphore(%arg5 : memref<!tpu.dma_semaphore, #tpu.memory_space<semaphore_mem>>) src(%dma_wait3A_685 : memref<2048x64xf32, #tpu.memory_space<vmem_shared>>) dst(%dma_wait3A_683 : memref<2048x64xf32, #tpu.memory_space<hbm>>)
    %dma_wait3A_686 = arith.constant 0 : i32
    %dma_wait3A_687 = arith.constant 0 : i32
    %dma_wait3A_688 = tpu.memref_slice %arg3[%add3A_641, %dma_wait3A_686, %dma_wait3A_687] : memref<2048x2048x64xf32, #tpu.memory_space<hbm>> -> memref<1x2048x64xf32, #tpu.memory_space<hbm>>
    %dma_wait3A_689 = tpu.memref_squeeze %dma_wait3A_688 : memref<1x2048x64xf32, #tpu.memory_space<hbm>> -> memref<2048x64xf32, #tpu.memory_space<hbm>>
    %dma_wait3A_690 = arith.constant 0 : i32
    %dma_wait3A_691 = tpu.memref_slice %arg4[%sub3A_639, %dma_wait3A_690] : memref<4095x64xf32, #tpu.memory_space<vmem_shared>> -> memref<2048x64xf32, #tpu.memory_space<vmem_shared>>
    tpu.wait_dma2 semaphore(%arg5 : memref<!tpu.dma_semaphore, #tpu.memory_space<semaphore_mem>>) src(%dma_wait3A_691 : memref<2048x64xf32, #tpu.memory_space<vmem_shared>>) dst(%dma_wait3A_689 : memref<2048x64xf32, #tpu.memory_space<hbm>>)
    %dma_wait3A_692 = arith.constant 0 : i32
    %dma_wait3A_693 = arith.constant 0 : i32
    %dma_wait3A_694 = tpu.memref_slice %arg3[%add3A_657, %dma_wait3A_692, %dma_wait3A_693] : memref<2048x2048x64xf32, #tpu.memory_space<hbm>> -> memref<1x2048x64xf32, #tpu.memory_space<hbm>>
    %dma_wait3A_695 = tpu.memref_squeeze %dma_wait3A_694 : memref<1x2048x64xf32, #tpu.memory_space<hbm>> -> memref<2048x64xf32, #tpu.memory_space<hbm>>
    %dma_wait3A_696 = arith.constant 0 : i32
    %dma_wait3A_697 = tpu.memref_slice %arg4[%sub3A_655, %dma_wait3A_696] : memref<4095x64xf32, #tpu.memory_space<vmem_shared>> -> memref<2048x64xf32, #tpu.memory_space<vmem_shared>>
    tpu.wait_dma2 semaphore(%arg5 : memref<!tpu.dma_semaphore, #tpu.memory_space<semaphore_mem>>) src(%dma_wait3A_697 : memref<2048x64xf32, #tpu.memory_space<vmem_shared>>) dst(%dma_wait3A_695 : memref<2048x64xf32, #tpu.memory_space<hbm>>)
    %dma_wait3A_698 = arith.constant 0 : i32
    %dma_wait3A_699 = arith.constant 0 : i32
    %dma_wait3A_700 = tpu.memref_slice %arg3[%add3A_673, %dma_wait3A_698, %dma_wait3A_699] : memref<2048x2048x64xf32, #tpu.memory_space<hbm>> -> memref<1x2048x64xf32, #tpu.memory_space<hbm>>
    %dma_wait3A_701 = tpu.memref_squeeze %dma_wait3A_700 : memref<1x2048x64xf32, #tpu.memory_space<hbm>> -> memref<2048x64xf32, #tpu.memory_space<hbm>>
    %dma_wait3A_702 = arith.constant 0 : i32
    %dma_wait3A_703 = tpu.memref_slice %arg4[%sub3A_671, %dma_wait3A_702] : memref<4095x64xf32, #tpu.memory_space<vmem_shared>> -> memref<2048x64xf32, #tpu.memory_space<vmem_shared>>
    tpu.wait_dma2 semaphore(%arg5 : memref<!tpu.dma_semaphore, #tpu.memory_space<semaphore_mem>>) src(%dma_wait3A_703 : memref<2048x64xf32, #tpu.memory_space<vmem_shared>>) dst(%dma_wait3A_701 : memref<2048x64xf32, #tpu.memory_space<hbm>>)
    return
  }
}

module attributes {stable_mosaic.version = 14 : i64} {
  func.func @_tc_body(%arg0: i32, %arg1: memref<513x64xf32, #tpu.memory_space<vmem>>, %arg2: memref<2048x2048x64xf32, #tpu.memory_space<hbm>>, %arg3: memref<2048x2048x64xf32, #tpu.memory_space<hbm>>, %arg4: memref<4095x64xf32, #tpu.memory_space<vmem>>, %arg5: memref<!tpu.dma_semaphore, #tpu.memory_space<semaphore_mem>>) attributes {dimension_semantics = [#tpu.dimension_semantics<arbitrary>], iteration_bounds = array<i64: 16>, scalar_prefetch = 0 : i64, scratch_operands = 2 : i64, tpu.core_type = #tpu.core_type<tc>, window_params = [{pipeline_mode = #tpu.pipeline_mode<synchronous>, transform_indices = @transform_0, window_bounds = array<i64: 513, 64>}, {}, {}]} {
    %eq3A = arith.constant 0 : i32
    %eq3A_0 = arith.cmpi eq, %arg0, %eq3A : i32
    %convert_element_type3A = arith.extui %eq3A_0 : i1 to i32
    %cond3A = arith.constant 0 : i32
    %cond3A_1 = arith.cmpi ne, %convert_element_type3A, %cond3A : i32
    scf.if %cond3A_1 {
      %get3A = arith.constant 0 : index
      %get3A_1023 = arith.constant 0 : index
      %get3A_1024 = vector.load %arg1[%get3A, %get3A_1023] : memref<513x64xf32, #tpu.memory_space<vmem>>, vector<1x64xf32>
      %broadcast_in_dim3A = vector.shape_cast %get3A_1024 : vector<1x64xf32> to vector<1x64xf32>
      %broadcast_in_dim3A_1025 = vector.broadcast %broadcast_in_dim3A : vector<1x64xf32> to vector<1791x64xf32>
      %swap3A = arith.constant 0 : index
      %swap3A_1026 = arith.constant 0 : index
      %swap3A_1027 = vector.load %arg4[%swap3A, %swap3A_1026] : memref<4095x64xf32, #tpu.memory_space<vmem>>, vector<1791x64xf32>
      tpu.vector_store %arg4[%swap3A, %swap3A_1026], %broadcast_in_dim3A_1025 {strides = array<i32>} : memref<4095x64xf32, #tpu.memory_space<vmem>>, vector<1791x64xf32>,
      %get3A_1028 = arith.constant 0 : index
      %get3A_1029 = arith.constant 0 : index
      %get3A_1030 = vector.load %arg1[%get3A_1028, %get3A_1029] : memref<513x64xf32, #tpu.memory_space<vmem>>, vector<513x64xf32>
      %swap3A_1031 = arith.constant 1791 : index
      %swap3A_1032 = arith.constant 0 : index
      %swap3A_1033 = vector.load %arg4[%swap3A_1031, %swap3A_1032] : memref<4095x64xf32, #tpu.memory_space<vmem>>, vector<513x64xf32>
      tpu.vector_store %arg4[%swap3A_1031, %swap3A_1032], %get3A_1030 {strides = array<i32>} : memref<4095x64xf32, #tpu.memory_space<vmem>>, vector<513x64xf32>,
      %get3A_1034 = arith.constant 512 : index
      %get3A_1035 = arith.constant 0 : index
      %get3A_1036 = vector.load %arg1[%get3A_1034, %get3A_1035] : memref<513x64xf32, #tpu.memory_space<vmem>>, vector<1x64xf32>
      %broadcast_in_dim3A_1037 = vector.shape_cast %get3A_1036 : vector<1x64xf32> to vector<1x64xf32>
      %broadcast_in_dim3A_1038 = vector.broadcast %broadcast_in_dim3A_1037 : vector<1x64xf32> to vector<1791x64xf32>
      %swap3A_1039 = arith.constant 2304 : index
      %swap3A_1040 = arith.constant 0 : index
      %swap3A_1041 = vector.load %arg4[%swap3A_1039, %swap3A_1040] : memref<4095x64xf32, #tpu.memory_space<vmem>>, vector<1791x64xf32>
      tpu.vector_store %arg4[%swap3A_1039, %swap3A_1040], %broadcast_in_dim3A_1038 {strides = array<i32>} : memref<4095x64xf32, #tpu.memory_space<vmem>>, vector<1791x64xf32>,
    } else {
    }
    %mul3A = arith.constant 64 : i32
    %mul3A_2 = arith.muli %arg0, %mul3A : i32
    %add3A = arith.constant 0 : i32
    %add3A_3 = arith.addi %mul3A_2, %add3A : i32
    %sub3A = arith.constant 2047 : i32
    %sub3A_4 = arith.subi %sub3A, %add3A_3 : i32
    %dma_start3A = arith.constant 0 : i32
    %dma_start3A_5 = arith.constant 0 : i32
    %dma_start3A_6 = tpu.memref_slice %arg3[%add3A_3, %dma_start3A, %dma_start3A_5] : memref<2048x2048x64xf32, #tpu.memory_space<hbm>> -> memref<1x2048x64xf32, #tpu.memory_space<hbm>>
    %dma_start3A_7 = tpu.memref_squeeze %dma_start3A_6 : memref<1x2048x64xf32, #tpu.memory_space<hbm>> -> memref<2048x64xf32, #tpu.memory_space<hbm>>
    %dma_start3A_8 = arith.constant 0 : i32
    %dma_start3A_9 = tpu.memref_slice %arg4[%sub3A_4, %dma_start3A_8] : memref<4095x64xf32, #tpu.memory_space<vmem>> -> memref<2048x64xf32, #tpu.memory_space<vmem>>
    tpu.enqueue_dma source(%dma_start3A_9 : memref<2048x64xf32, #tpu.memory_space<vmem>>) target(%dma_start3A_7 : memref<2048x64xf32, #tpu.memory_space<hbm>>) target_semaphore(%arg5 : memref<!tpu.dma_semaphore, #tpu.memory_space<semaphore_mem>>)
    %add3A_10 = arith.constant 1 : i32
    %add3A_11 = arith.addi %mul3A_2, %add3A_10 : i32
    %sub3A_12 = arith.constant 2047 : i32
    %sub3A_13 = arith.subi %sub3A_12, %add3A_11 : i32
    %dma_start3A_14 = arith.constant 0 : i32
    %dma_start3A_15 = arith.constant 0 : i32
    %dma_start3A_16 = tpu.memref_slice %arg3[%add3A_11, %dma_start3A_14, %dma_start3A_15] : memref<2048x2048x64xf32, #tpu.memory_space<hbm>> -> memref<1x2048x64xf32, #tpu.memory_space<hbm>>
    %dma_start3A_17 = tpu.memref_squeeze %dma_start3A_16 : memref<1x2048x64xf32, #tpu.memory_space<hbm>> -> memref<2048x64xf32, #tpu.memory_space<hbm>>
    %dma_start3A_18 = arith.constant 0 : i32
    %dma_start3A_19 = tpu.memref_slice %arg4[%sub3A_13, %dma_start3A_18] : memref<4095x64xf32, #tpu.memory_space<vmem>> -> memref<2048x64xf32, #tpu.memory_space<vmem>>
    tpu.enqueue_dma source(%dma_start3A_19 : memref<2048x64xf32, #tpu.memory_space<vmem>>) target(%dma_start3A_17 : memref<2048x64xf32, #tpu.memory_space<hbm>>) target_semaphore(%arg5 : memref<!tpu.dma_semaphore, #tpu.memory_space<semaphore_mem>>)
    %add3A_20 = arith.constant 2 : i32
    %add3A_21 = arith.addi %mul3A_2, %add3A_20 : i32
    %sub3A_22 = arith.constant 2047 : i32
    %sub3A_23 = arith.subi %sub3A_22, %add3A_21 : i32
    %dma_start3A_24 = arith.constant 0 : i32
    %dma_start3A_25 = arith.constant 0 : i32
    %dma_start3A_26 = tpu.memref_slice %arg3[%add3A_21, %dma_start3A_24, %dma_start3A_25] : memref<2048x2048x64xf32, #tpu.memory_space<hbm>> -> memref<1x2048x64xf32, #tpu.memory_space<hbm>>
    %dma_start3A_27 = tpu.memref_squeeze %dma_start3A_26 : memref<1x2048x64xf32, #tpu.memory_space<hbm>> -> memref<2048x64xf32, #tpu.memory_space<hbm>>
    %dma_start3A_28 = arith.constant 0 : i32
    %dma_start3A_29 = tpu.memref_slice %arg4[%sub3A_23, %dma_start3A_28] : memref<4095x64xf32, #tpu.memory_space<vmem>> -> memref<2048x64xf32, #tpu.memory_space<vmem>>
    tpu.enqueue_dma source(%dma_start3A_29 : memref<2048x64xf32, #tpu.memory_space<vmem>>) target(%dma_start3A_27 : memref<2048x64xf32, #tpu.memory_space<hbm>>) target_semaphore(%arg5 : memref<!tpu.dma_semaphore, #tpu.memory_space<semaphore_mem>>)
    %add3A_30 = arith.constant 3 : i32
    %add3A_31 = arith.addi %mul3A_2, %add3A_30 : i32
    %sub3A_32 = arith.constant 2047 : i32
    %sub3A_33 = arith.subi %sub3A_32, %add3A_31 : i32
    %dma_start3A_34 = arith.constant 0 : i32
    %dma_start3A_35 = arith.constant 0 : i32
    %dma_start3A_36 = tpu.memref_slice %arg3[%add3A_31, %dma_start3A_34, %dma_start3A_35] : memref<2048x2048x64xf32, #tpu.memory_space<hbm>> -> memref<1x2048x64xf32, #tpu.memory_space<hbm>>
    %dma_start3A_37 = tpu.memref_squeeze %dma_start3A_36 : memref<1x2048x64xf32, #tpu.memory_space<hbm>> -> memref<2048x64xf32, #tpu.memory_space<hbm>>
    %dma_start3A_38 = arith.constant 0 : i32
    %dma_start3A_39 = tpu.memref_slice %arg4[%sub3A_33, %dma_start3A_38] : memref<4095x64xf32, #tpu.memory_space<vmem>> -> memref<2048x64xf32, #tpu.memory_space<vmem>>
    tpu.enqueue_dma source(%dma_start3A_39 : memref<2048x64xf32, #tpu.memory_space<vmem>>) target(%dma_start3A_37 : memref<2048x64xf32, #tpu.memory_space<hbm>>) target_semaphore(%arg5 : memref<!tpu.dma_semaphore, #tpu.memory_space<semaphore_mem>>)
    %add3A_40 = arith.constant 4 : i32
    %add3A_41 = arith.addi %mul3A_2, %add3A_40 : i32
    %sub3A_42 = arith.constant 2047 : i32
    %sub3A_43 = arith.subi %sub3A_42, %add3A_41 : i32
    %dma_start3A_44 = arith.constant 0 : i32
    %dma_start3A_45 = arith.constant 0 : i32
    %dma_start3A_46 = tpu.memref_slice %arg3[%add3A_41, %dma_start3A_44, %dma_start3A_45] : memref<2048x2048x64xf32, #tpu.memory_space<hbm>> -> memref<1x2048x64xf32, #tpu.memory_space<hbm>>
    %dma_start3A_47 = tpu.memref_squeeze %dma_start3A_46 : memref<1x2048x64xf32, #tpu.memory_space<hbm>> -> memref<2048x64xf32, #tpu.memory_space<hbm>>
    %dma_start3A_48 = arith.constant 0 : i32
    %dma_start3A_49 = tpu.memref_slice %arg4[%sub3A_43, %dma_start3A_48] : memref<4095x64xf32, #tpu.memory_space<vmem>> -> memref<2048x64xf32, #tpu.memory_space<vmem>>
    tpu.enqueue_dma source(%dma_start3A_49 : memref<2048x64xf32, #tpu.memory_space<vmem>>) target(%dma_start3A_47 : memref<2048x64xf32, #tpu.memory_space<hbm>>) target_semaphore(%arg5 : memref<!tpu.dma_semaphore, #tpu.memory_space<semaphore_mem>>)
    %add3A_50 = arith.constant 5 : i32
    %add3A_51 = arith.addi %mul3A_2, %add3A_50 : i32
    %sub3A_52 = arith.constant 2047 : i32
    %sub3A_53 = arith.subi %sub3A_52, %add3A_51 : i32
    %dma_start3A_54 = arith.constant 0 : i32
    %dma_start3A_55 = arith.constant 0 : i32
    %dma_start3A_56 = tpu.memref_slice %arg3[%add3A_51, %dma_start3A_54, %dma_start3A_55] : memref<2048x2048x64xf32, #tpu.memory_space<hbm>> -> memref<1x2048x64xf32, #tpu.memory_space<hbm>>
    %dma_start3A_57 = tpu.memref_squeeze %dma_start3A_56 : memref<1x2048x64xf32, #tpu.memory_space<hbm>> -> memref<2048x64xf32, #tpu.memory_space<hbm>>
    %dma_start3A_58 = arith.constant 0 : i32
    %dma_start3A_59 = tpu.memref_slice %arg4[%sub3A_53, %dma_start3A_58] : memref<4095x64xf32, #tpu.memory_space<vmem>> -> memref<2048x64xf32, #tpu.memory_space<vmem>>
    tpu.enqueue_dma source(%dma_start3A_59 : memref<2048x64xf32, #tpu.memory_space<vmem>>) target(%dma_start3A_57 : memref<2048x64xf32, #tpu.memory_space<hbm>>) target_semaphore(%arg5 : memref<!tpu.dma_semaphore, #tpu.memory_space<semaphore_mem>>)
    %add3A_60 = arith.constant 6 : i32
    %add3A_61 = arith.addi %mul3A_2, %add3A_60 : i32
    %sub3A_62 = arith.constant 2047 : i32
    %sub3A_63 = arith.subi %sub3A_62, %add3A_61 : i32
    %dma_start3A_64 = arith.constant 0 : i32
    %dma_start3A_65 = arith.constant 0 : i32
    %dma_start3A_66 = tpu.memref_slice %arg3[%add3A_61, %dma_start3A_64, %dma_start3A_65] : memref<2048x2048x64xf32, #tpu.memory_space<hbm>> -> memref<1x2048x64xf32, #tpu.memory_space<hbm>>
    %dma_start3A_67 = tpu.memref_squeeze %dma_start3A_66 : memref<1x2048x64xf32, #tpu.memory_space<hbm>> -> memref<2048x64xf32, #tpu.memory_space<hbm>>
    %dma_start3A_68 = arith.constant 0 : i32
    %dma_start3A_69 = tpu.memref_slice %arg4[%sub3A_63, %dma_start3A_68] : memref<4095x64xf32, #tpu.memory_space<vmem>> -> memref<2048x64xf32, #tpu.memory_space<vmem>>
    tpu.enqueue_dma source(%dma_start3A_69 : memref<2048x64xf32, #tpu.memory_space<vmem>>) target(%dma_start3A_67 : memref<2048x64xf32, #tpu.memory_space<hbm>>) target_semaphore(%arg5 : memref<!tpu.dma_semaphore, #tpu.memory_space<semaphore_mem>>)
    %add3A_70 = arith.constant 7 : i32
    %add3A_71 = arith.addi %mul3A_2, %add3A_70 : i32
    %sub3A_72 = arith.constant 2047 : i32
    %sub3A_73 = arith.subi %sub3A_72, %add3A_71 : i32
    %dma_start3A_74 = arith.constant 0 : i32
    %dma_start3A_75 = arith.constant 0 : i32
    %dma_start3A_76 = tpu.memref_slice %arg3[%add3A_71, %dma_start3A_74, %dma_start3A_75] : memref<2048x2048x64xf32, #tpu.memory_space<hbm>> -> memref<1x2048x64xf32, #tpu.memory_space<hbm>>
    %dma_start3A_77 = tpu.memref_squeeze %dma_start3A_76 : memref<1x2048x64xf32, #tpu.memory_space<hbm>> -> memref<2048x64xf32, #tpu.memory_space<hbm>>
    %dma_start3A_78 = arith.constant 0 : i32
    %dma_start3A_79 = tpu.memref_slice %arg4[%sub3A_73, %dma_start3A_78] : memref<4095x64xf32, #tpu.memory_space<vmem>> -> memref<2048x64xf32, #tpu.memory_space<vmem>>
    tpu.enqueue_dma source(%dma_start3A_79 : memref<2048x64xf32, #tpu.memory_space<vmem>>) target(%dma_start3A_77 : memref<2048x64xf32, #tpu.memory_space<hbm>>) target_semaphore(%arg5 : memref<!tpu.dma_semaphore, #tpu.memory_space<semaphore_mem>>)
    %add3A_80 = arith.constant 8 : i32
    %add3A_81 = arith.addi %mul3A_2, %add3A_80 : i32
    %sub3A_82 = arith.constant 2047 : i32
    %sub3A_83 = arith.subi %sub3A_82, %add3A_81 : i32
    %dma_start3A_84 = arith.constant 0 : i32
    %dma_start3A_85 = arith.constant 0 : i32
    %dma_start3A_86 = tpu.memref_slice %arg3[%add3A_81, %dma_start3A_84, %dma_start3A_85] : memref<2048x2048x64xf32, #tpu.memory_space<hbm>> -> memref<1x2048x64xf32, #tpu.memory_space<hbm>>
    %dma_start3A_87 = tpu.memref_squeeze %dma_start3A_86 : memref<1x2048x64xf32, #tpu.memory_space<hbm>> -> memref<2048x64xf32, #tpu.memory_space<hbm>>
    %dma_start3A_88 = arith.constant 0 : i32
    %dma_start3A_89 = tpu.memref_slice %arg4[%sub3A_83, %dma_start3A_88] : memref<4095x64xf32, #tpu.memory_space<vmem>> -> memref<2048x64xf32, #tpu.memory_space<vmem>>
    tpu.enqueue_dma source(%dma_start3A_89 : memref<2048x64xf32, #tpu.memory_space<vmem>>) target(%dma_start3A_87 : memref<2048x64xf32, #tpu.memory_space<hbm>>) target_semaphore(%arg5 : memref<!tpu.dma_semaphore, #tpu.memory_space<semaphore_mem>>)
    %add3A_90 = arith.constant 9 : i32
    %add3A_91 = arith.addi %mul3A_2, %add3A_90 : i32
    %sub3A_92 = arith.constant 2047 : i32
    %sub3A_93 = arith.subi %sub3A_92, %add3A_91 : i32
    %dma_start3A_94 = arith.constant 0 : i32
    %dma_start3A_95 = arith.constant 0 : i32
    %dma_start3A_96 = tpu.memref_slice %arg3[%add3A_91, %dma_start3A_94, %dma_start3A_95] : memref<2048x2048x64xf32, #tpu.memory_space<hbm>> -> memref<1x2048x64xf32, #tpu.memory_space<hbm>>
    %dma_start3A_97 = tpu.memref_squeeze %dma_start3A_96 : memref<1x2048x64xf32, #tpu.memory_space<hbm>> -> memref<2048x64xf32, #tpu.memory_space<hbm>>
    %dma_start3A_98 = arith.constant 0 : i32
    %dma_start3A_99 = tpu.memref_slice %arg4[%sub3A_93, %dma_start3A_98] : memref<4095x64xf32, #tpu.memory_space<vmem>> -> memref<2048x64xf32, #tpu.memory_space<vmem>>
    tpu.enqueue_dma source(%dma_start3A_99 : memref<2048x64xf32, #tpu.memory_space<vmem>>) target(%dma_start3A_97 : memref<2048x64xf32, #tpu.memory_space<hbm>>) target_semaphore(%arg5 : memref<!tpu.dma_semaphore, #tpu.memory_space<semaphore_mem>>)
    %add3A_100 = arith.constant 10 : i32
    %add3A_101 = arith.addi %mul3A_2, %add3A_100 : i32
    %sub3A_102 = arith.constant 2047 : i32
    %sub3A_103 = arith.subi %sub3A_102, %add3A_101 : i32
    %dma_start3A_104 = arith.constant 0 : i32
    %dma_start3A_105 = arith.constant 0 : i32
    %dma_start3A_106 = tpu.memref_slice %arg3[%add3A_101, %dma_start3A_104, %dma_start3A_105] : memref<2048x2048x64xf32, #tpu.memory_space<hbm>> -> memref<1x2048x64xf32, #tpu.memory_space<hbm>>
    %dma_start3A_107 = tpu.memref_squeeze %dma_start3A_106 : memref<1x2048x64xf32, #tpu.memory_space<hbm>> -> memref<2048x64xf32, #tpu.memory_space<hbm>>
    %dma_start3A_108 = arith.constant 0 : i32
    %dma_start3A_109 = tpu.memref_slice %arg4[%sub3A_103, %dma_start3A_108] : memref<4095x64xf32, #tpu.memory_space<vmem>> -> memref<2048x64xf32, #tpu.memory_space<vmem>>
    tpu.enqueue_dma source(%dma_start3A_109 : memref<2048x64xf32, #tpu.memory_space<vmem>>) target(%dma_start3A_107 : memref<2048x64xf32, #tpu.memory_space<hbm>>) target_semaphore(%arg5 : memref<!tpu.dma_semaphore, #tpu.memory_space<semaphore_mem>>)
    %add3A_110 = arith.constant 11 : i32
    %add3A_111 = arith.addi %mul3A_2, %add3A_110 : i32
    %sub3A_112 = arith.constant 2047 : i32
    %sub3A_113 = arith.subi %sub3A_112, %add3A_111 : i32
    %dma_start3A_114 = arith.constant 0 : i32
    %dma_start3A_115 = arith.constant 0 : i32
    %dma_start3A_116 = tpu.memref_slice %arg3[%add3A_111, %dma_start3A_114, %dma_start3A_115] : memref<2048x2048x64xf32, #tpu.memory_space<hbm>> -> memref<1x2048x64xf32, #tpu.memory_space<hbm>>
    %dma_start3A_117 = tpu.memref_squeeze %dma_start3A_116 : memref<1x2048x64xf32, #tpu.memory_space<hbm>> -> memref<2048x64xf32, #tpu.memory_space<hbm>>
    %dma_start3A_118 = arith.constant 0 : i32
    %dma_start3A_119 = tpu.memref_slice %arg4[%sub3A_113, %dma_start3A_118] : memref<4095x64xf32, #tpu.memory_space<vmem>> -> memref<2048x64xf32, #tpu.memory_space<vmem>>
    tpu.enqueue_dma source(%dma_start3A_119 : memref<2048x64xf32, #tpu.memory_space<vmem>>) target(%dma_start3A_117 : memref<2048x64xf32, #tpu.memory_space<hbm>>) target_semaphore(%arg5 : memref<!tpu.dma_semaphore, #tpu.memory_space<semaphore_mem>>)
    %add3A_120 = arith.constant 12 : i32
    %add3A_121 = arith.addi %mul3A_2, %add3A_120 : i32
    %sub3A_122 = arith.constant 2047 : i32
    %sub3A_123 = arith.subi %sub3A_122, %add3A_121 : i32
    %dma_start3A_124 = arith.constant 0 : i32
    %dma_start3A_125 = arith.constant 0 : i32
    %dma_start3A_126 = tpu.memref_slice %arg3[%add3A_121, %dma_start3A_124, %dma_start3A_125] : memref<2048x2048x64xf32, #tpu.memory_space<hbm>> -> memref<1x2048x64xf32, #tpu.memory_space<hbm>>
    %dma_start3A_127 = tpu.memref_squeeze %dma_start3A_126 : memref<1x2048x64xf32, #tpu.memory_space<hbm>> -> memref<2048x64xf32, #tpu.memory_space<hbm>>
    %dma_start3A_128 = arith.constant 0 : i32
    %dma_start3A_129 = tpu.memref_slice %arg4[%sub3A_123, %dma_start3A_128] : memref<4095x64xf32, #tpu.memory_space<vmem>> -> memref<2048x64xf32, #tpu.memory_space<vmem>>
    tpu.enqueue_dma source(%dma_start3A_129 : memref<2048x64xf32, #tpu.memory_space<vmem>>) target(%dma_start3A_127 : memref<2048x64xf32, #tpu.memory_space<hbm>>) target_semaphore(%arg5 : memref<!tpu.dma_semaphore, #tpu.memory_space<semaphore_mem>>)
    %add3A_130 = arith.constant 13 : i32
    %add3A_131 = arith.addi %mul3A_2, %add3A_130 : i32
    %sub3A_132 = arith.constant 2047 : i32
    %sub3A_133 = arith.subi %sub3A_132, %add3A_131 : i32
    %dma_start3A_134 = arith.constant 0 : i32
    %dma_start3A_135 = arith.constant 0 : i32
    %dma_start3A_136 = tpu.memref_slice %arg3[%add3A_131, %dma_start3A_134, %dma_start3A_135] : memref<2048x2048x64xf32, #tpu.memory_space<hbm>> -> memref<1x2048x64xf32, #tpu.memory_space<hbm>>
    %dma_start3A_137 = tpu.memref_squeeze %dma_start3A_136 : memref<1x2048x64xf32, #tpu.memory_space<hbm>> -> memref<2048x64xf32, #tpu.memory_space<hbm>>
    %dma_start3A_138 = arith.constant 0 : i32
    %dma_start3A_139 = tpu.memref_slice %arg4[%sub3A_133, %dma_start3A_138] : memref<4095x64xf32, #tpu.memory_space<vmem>> -> memref<2048x64xf32, #tpu.memory_space<vmem>>
    tpu.enqueue_dma source(%dma_start3A_139 : memref<2048x64xf32, #tpu.memory_space<vmem>>) target(%dma_start3A_137 : memref<2048x64xf32, #tpu.memory_space<hbm>>) target_semaphore(%arg5 : memref<!tpu.dma_semaphore, #tpu.memory_space<semaphore_mem>>)
    %add3A_140 = arith.constant 14 : i32
    %add3A_141 = arith.addi %mul3A_2, %add3A_140 : i32
    %sub3A_142 = arith.constant 2047 : i32
    %sub3A_143 = arith.subi %sub3A_142, %add3A_141 : i32
    %dma_start3A_144 = arith.constant 0 : i32
    %dma_start3A_145 = arith.constant 0 : i32
    %dma_start3A_146 = tpu.memref_slice %arg3[%add3A_141, %dma_start3A_144, %dma_start3A_145] : memref<2048x2048x64xf32, #tpu.memory_space<hbm>> -> memref<1x2048x64xf32, #tpu.memory_space<hbm>>
    %dma_start3A_147 = tpu.memref_squeeze %dma_start3A_146 : memref<1x2048x64xf32, #tpu.memory_space<hbm>> -> memref<2048x64xf32, #tpu.memory_space<hbm>>
    %dma_start3A_148 = arith.constant 0 : i32
    %dma_start3A_149 = tpu.memref_slice %arg4[%sub3A_143, %dma_start3A_148] : memref<4095x64xf32, #tpu.memory_space<vmem>> -> memref<2048x64xf32, #tpu.memory_space<vmem>>
    tpu.enqueue_dma source(%dma_start3A_149 : memref<2048x64xf32, #tpu.memory_space<vmem>>) target(%dma_start3A_147 : memref<2048x64xf32, #tpu.memory_space<hbm>>) target_semaphore(%arg5 : memref<!tpu.dma_semaphore, #tpu.memory_space<semaphore_mem>>)
    %add3A_150 = arith.constant 15 : i32
    %add3A_151 = arith.addi %mul3A_2, %add3A_150 : i32
    %sub3A_152 = arith.constant 2047 : i32
    %sub3A_153 = arith.subi %sub3A_152, %add3A_151 : i32
    %dma_start3A_154 = arith.constant 0 : i32
    %dma_start3A_155 = arith.constant 0 : i32
    %dma_start3A_156 = tpu.memref_slice %arg3[%add3A_151, %dma_start3A_154, %dma_start3A_155] : memref<2048x2048x64xf32, #tpu.memory_space<hbm>> -> memref<1x2048x64xf32, #tpu.memory_space<hbm>>
    %dma_start3A_157 = tpu.memref_squeeze %dma_start3A_156 : memref<1x2048x64xf32, #tpu.memory_space<hbm>> -> memref<2048x64xf32, #tpu.memory_space<hbm>>
    %dma_start3A_158 = arith.constant 0 : i32
    %dma_start3A_159 = tpu.memref_slice %arg4[%sub3A_153, %dma_start3A_158] : memref<4095x64xf32, #tpu.memory_space<vmem>> -> memref<2048x64xf32, #tpu.memory_space<vmem>>
    tpu.enqueue_dma source(%dma_start3A_159 : memref<2048x64xf32, #tpu.memory_space<vmem>>) target(%dma_start3A_157 : memref<2048x64xf32, #tpu.memory_space<hbm>>) target_semaphore(%arg5 : memref<!tpu.dma_semaphore, #tpu.memory_space<semaphore_mem>>)
    %add3A_160 = arith.constant 16 : i32
    %add3A_161 = arith.addi %mul3A_2, %add3A_160 : i32
    %sub3A_162 = arith.constant 2047 : i32
    %sub3A_163 = arith.subi %sub3A_162, %add3A_161 : i32
    %dma_start3A_164 = arith.constant 0 : i32
    %dma_start3A_165 = arith.constant 0 : i32
    %dma_start3A_166 = tpu.memref_slice %arg3[%add3A_161, %dma_start3A_164, %dma_start3A_165] : memref<2048x2048x64xf32, #tpu.memory_space<hbm>> -> memref<1x2048x64xf32, #tpu.memory_space<hbm>>
    %dma_start3A_167 = tpu.memref_squeeze %dma_start3A_166 : memref<1x2048x64xf32, #tpu.memory_space<hbm>> -> memref<2048x64xf32, #tpu.memory_space<hbm>>
    %dma_start3A_168 = arith.constant 0 : i32
    %dma_start3A_169 = tpu.memref_slice %arg4[%sub3A_163, %dma_start3A_168] : memref<4095x64xf32, #tpu.memory_space<vmem>> -> memref<2048x64xf32, #tpu.memory_space<vmem>>
    tpu.enqueue_dma source(%dma_start3A_169 : memref<2048x64xf32, #tpu.memory_space<vmem>>) target(%dma_start3A_167 : memref<2048x64xf32, #tpu.memory_space<hbm>>) target_semaphore(%arg5 : memref<!tpu.dma_semaphore, #tpu.memory_space<semaphore_mem>>)
    %add3A_170 = arith.constant 17 : i32
    %add3A_171 = arith.addi %mul3A_2, %add3A_170 : i32
    %sub3A_172 = arith.constant 2047 : i32
    %sub3A_173 = arith.subi %sub3A_172, %add3A_171 : i32
    %dma_start3A_174 = arith.constant 0 : i32
    %dma_start3A_175 = arith.constant 0 : i32
    %dma_start3A_176 = tpu.memref_slice %arg3[%add3A_171, %dma_start3A_174, %dma_start3A_175] : memref<2048x2048x64xf32, #tpu.memory_space<hbm>> -> memref<1x2048x64xf32, #tpu.memory_space<hbm>>
    %dma_start3A_177 = tpu.memref_squeeze %dma_start3A_176 : memref<1x2048x64xf32, #tpu.memory_space<hbm>> -> memref<2048x64xf32, #tpu.memory_space<hbm>>
    %dma_start3A_178 = arith.constant 0 : i32
    %dma_start3A_179 = tpu.memref_slice %arg4[%sub3A_173, %dma_start3A_178] : memref<4095x64xf32, #tpu.memory_space<vmem>> -> memref<2048x64xf32, #tpu.memory_space<vmem>>
    tpu.enqueue_dma source(%dma_start3A_179 : memref<2048x64xf32, #tpu.memory_space<vmem>>) target(%dma_start3A_177 : memref<2048x64xf32, #tpu.memory_space<hbm>>) target_semaphore(%arg5 : memref<!tpu.dma_semaphore, #tpu.memory_space<semaphore_mem>>)
    %add3A_180 = arith.constant 18 : i32
    %add3A_181 = arith.addi %mul3A_2, %add3A_180 : i32
    %sub3A_182 = arith.constant 2047 : i32
    %sub3A_183 = arith.subi %sub3A_182, %add3A_181 : i32
    %dma_start3A_184 = arith.constant 0 : i32
    %dma_start3A_185 = arith.constant 0 : i32
    %dma_start3A_186 = tpu.memref_slice %arg3[%add3A_181, %dma_start3A_184, %dma_start3A_185] : memref<2048x2048x64xf32, #tpu.memory_space<hbm>> -> memref<1x2048x64xf32, #tpu.memory_space<hbm>>
    %dma_start3A_187 = tpu.memref_squeeze %dma_start3A_186 : memref<1x2048x64xf32, #tpu.memory_space<hbm>> -> memref<2048x64xf32, #tpu.memory_space<hbm>>
    %dma_start3A_188 = arith.constant 0 : i32
    %dma_start3A_189 = tpu.memref_slice %arg4[%sub3A_183, %dma_start3A_188] : memref<4095x64xf32, #tpu.memory_space<vmem>> -> memref<2048x64xf32, #tpu.memory_space<vmem>>
    tpu.enqueue_dma source(%dma_start3A_189 : memref<2048x64xf32, #tpu.memory_space<vmem>>) target(%dma_start3A_187 : memref<2048x64xf32, #tpu.memory_space<hbm>>) target_semaphore(%arg5 : memref<!tpu.dma_semaphore, #tpu.memory_space<semaphore_mem>>)
    %add3A_190 = arith.constant 19 : i32
    %add3A_191 = arith.addi %mul3A_2, %add3A_190 : i32
    %sub3A_192 = arith.constant 2047 : i32
    %sub3A_193 = arith.subi %sub3A_192, %add3A_191 : i32
    %dma_start3A_194 = arith.constant 0 : i32
    %dma_start3A_195 = arith.constant 0 : i32
    %dma_start3A_196 = tpu.memref_slice %arg3[%add3A_191, %dma_start3A_194, %dma_start3A_195] : memref<2048x2048x64xf32, #tpu.memory_space<hbm>> -> memref<1x2048x64xf32, #tpu.memory_space<hbm>>
    %dma_start3A_197 = tpu.memref_squeeze %dma_start3A_196 : memref<1x2048x64xf32, #tpu.memory_space<hbm>> -> memref<2048x64xf32, #tpu.memory_space<hbm>>
    %dma_start3A_198 = arith.constant 0 : i32
    %dma_start3A_199 = tpu.memref_slice %arg4[%sub3A_193, %dma_start3A_198] : memref<4095x64xf32, #tpu.memory_space<vmem>> -> memref<2048x64xf32, #tpu.memory_space<vmem>>
    tpu.enqueue_dma source(%dma_start3A_199 : memref<2048x64xf32, #tpu.memory_space<vmem>>) target(%dma_start3A_197 : memref<2048x64xf32, #tpu.memory_space<hbm>>) target_semaphore(%arg5 : memref<!tpu.dma_semaphore, #tpu.memory_space<semaphore_mem>>)
    %add3A_200 = arith.constant 20 : i32
    %add3A_201 = arith.addi %mul3A_2, %add3A_200 : i32
    %sub3A_202 = arith.constant 2047 : i32
    %sub3A_203 = arith.subi %sub3A_202, %add3A_201 : i32
    %dma_start3A_204 = arith.constant 0 : i32
    %dma_start3A_205 = arith.constant 0 : i32
    %dma_start3A_206 = tpu.memref_slice %arg3[%add3A_201, %dma_start3A_204, %dma_start3A_205] : memref<2048x2048x64xf32, #tpu.memory_space<hbm>> -> memref<1x2048x64xf32, #tpu.memory_space<hbm>>
    %dma_start3A_207 = tpu.memref_squeeze %dma_start3A_206 : memref<1x2048x64xf32, #tpu.memory_space<hbm>> -> memref<2048x64xf32, #tpu.memory_space<hbm>>
    %dma_start3A_208 = arith.constant 0 : i32
    %dma_start3A_209 = tpu.memref_slice %arg4[%sub3A_203, %dma_start3A_208] : memref<4095x64xf32, #tpu.memory_space<vmem>> -> memref<2048x64xf32, #tpu.memory_space<vmem>>
    tpu.enqueue_dma source(%dma_start3A_209 : memref<2048x64xf32, #tpu.memory_space<vmem>>) target(%dma_start3A_207 : memref<2048x64xf32, #tpu.memory_space<hbm>>) target_semaphore(%arg5 : memref<!tpu.dma_semaphore, #tpu.memory_space<semaphore_mem>>)
    %add3A_210 = arith.constant 21 : i32
    %add3A_211 = arith.addi %mul3A_2, %add3A_210 : i32
    %sub3A_212 = arith.constant 2047 : i32
    %sub3A_213 = arith.subi %sub3A_212, %add3A_211 : i32
    %dma_start3A_214 = arith.constant 0 : i32
    %dma_start3A_215 = arith.constant 0 : i32
    %dma_start3A_216 = tpu.memref_slice %arg3[%add3A_211, %dma_start3A_214, %dma_start3A_215] : memref<2048x2048x64xf32, #tpu.memory_space<hbm>> -> memref<1x2048x64xf32, #tpu.memory_space<hbm>>
    %dma_start3A_217 = tpu.memref_squeeze %dma_start3A_216 : memref<1x2048x64xf32, #tpu.memory_space<hbm>> -> memref<2048x64xf32, #tpu.memory_space<hbm>>
    %dma_start3A_218 = arith.constant 0 : i32
    %dma_start3A_219 = tpu.memref_slice %arg4[%sub3A_213, %dma_start3A_218] : memref<4095x64xf32, #tpu.memory_space<vmem>> -> memref<2048x64xf32, #tpu.memory_space<vmem>>
    tpu.enqueue_dma source(%dma_start3A_219 : memref<2048x64xf32, #tpu.memory_space<vmem>>) target(%dma_start3A_217 : memref<2048x64xf32, #tpu.memory_space<hbm>>) target_semaphore(%arg5 : memref<!tpu.dma_semaphore, #tpu.memory_space<semaphore_mem>>)
    %add3A_220 = arith.constant 22 : i32
    %add3A_221 = arith.addi %mul3A_2, %add3A_220 : i32
    %sub3A_222 = arith.constant 2047 : i32
    %sub3A_223 = arith.subi %sub3A_222, %add3A_221 : i32
    %dma_start3A_224 = arith.constant 0 : i32
    %dma_start3A_225 = arith.constant 0 : i32
    %dma_start3A_226 = tpu.memref_slice %arg3[%add3A_221, %dma_start3A_224, %dma_start3A_225] : memref<2048x2048x64xf32, #tpu.memory_space<hbm>> -> memref<1x2048x64xf32, #tpu.memory_space<hbm>>
    %dma_start3A_227 = tpu.memref_squeeze %dma_start3A_226 : memref<1x2048x64xf32, #tpu.memory_space<hbm>> -> memref<2048x64xf32, #tpu.memory_space<hbm>>
    %dma_start3A_228 = arith.constant 0 : i32
    %dma_start3A_229 = tpu.memref_slice %arg4[%sub3A_223, %dma_start3A_228] : memref<4095x64xf32, #tpu.memory_space<vmem>> -> memref<2048x64xf32, #tpu.memory_space<vmem>>
    tpu.enqueue_dma source(%dma_start3A_229 : memref<2048x64xf32, #tpu.memory_space<vmem>>) target(%dma_start3A_227 : memref<2048x64xf32, #tpu.memory_space<hbm>>) target_semaphore(%arg5 : memref<!tpu.dma_semaphore, #tpu.memory_space<semaphore_mem>>)
    %add3A_230 = arith.constant 23 : i32
    %add3A_231 = arith.addi %mul3A_2, %add3A_230 : i32
    %sub3A_232 = arith.constant 2047 : i32
    %sub3A_233 = arith.subi %sub3A_232, %add3A_231 : i32
    %dma_start3A_234 = arith.constant 0 : i32
    %dma_start3A_235 = arith.constant 0 : i32
    %dma_start3A_236 = tpu.memref_slice %arg3[%add3A_231, %dma_start3A_234, %dma_start3A_235] : memref<2048x2048x64xf32, #tpu.memory_space<hbm>> -> memref<1x2048x64xf32, #tpu.memory_space<hbm>>
    %dma_start3A_237 = tpu.memref_squeeze %dma_start3A_236 : memref<1x2048x64xf32, #tpu.memory_space<hbm>> -> memref<2048x64xf32, #tpu.memory_space<hbm>>
    %dma_start3A_238 = arith.constant 0 : i32
    %dma_start3A_239 = tpu.memref_slice %arg4[%sub3A_233, %dma_start3A_238] : memref<4095x64xf32, #tpu.memory_space<vmem>> -> memref<2048x64xf32, #tpu.memory_space<vmem>>
    tpu.enqueue_dma source(%dma_start3A_239 : memref<2048x64xf32, #tpu.memory_space<vmem>>) target(%dma_start3A_237 : memref<2048x64xf32, #tpu.memory_space<hbm>>) target_semaphore(%arg5 : memref<!tpu.dma_semaphore, #tpu.memory_space<semaphore_mem>>)
    %add3A_240 = arith.constant 24 : i32
    %add3A_241 = arith.addi %mul3A_2, %add3A_240 : i32
    %sub3A_242 = arith.constant 2047 : i32
    %sub3A_243 = arith.subi %sub3A_242, %add3A_241 : i32
    %dma_start3A_244 = arith.constant 0 : i32
    %dma_start3A_245 = arith.constant 0 : i32
    %dma_start3A_246 = tpu.memref_slice %arg3[%add3A_241, %dma_start3A_244, %dma_start3A_245] : memref<2048x2048x64xf32, #tpu.memory_space<hbm>> -> memref<1x2048x64xf32, #tpu.memory_space<hbm>>
    %dma_start3A_247 = tpu.memref_squeeze %dma_start3A_246 : memref<1x2048x64xf32, #tpu.memory_space<hbm>> -> memref<2048x64xf32, #tpu.memory_space<hbm>>
    %dma_start3A_248 = arith.constant 0 : i32
    %dma_start3A_249 = tpu.memref_slice %arg4[%sub3A_243, %dma_start3A_248] : memref<4095x64xf32, #tpu.memory_space<vmem>> -> memref<2048x64xf32, #tpu.memory_space<vmem>>
    tpu.enqueue_dma source(%dma_start3A_249 : memref<2048x64xf32, #tpu.memory_space<vmem>>) target(%dma_start3A_247 : memref<2048x64xf32, #tpu.memory_space<hbm>>) target_semaphore(%arg5 : memref<!tpu.dma_semaphore, #tpu.memory_space<semaphore_mem>>)
    %add3A_250 = arith.constant 25 : i32
    %add3A_251 = arith.addi %mul3A_2, %add3A_250 : i32
    %sub3A_252 = arith.constant 2047 : i32
    %sub3A_253 = arith.subi %sub3A_252, %add3A_251 : i32
    %dma_start3A_254 = arith.constant 0 : i32
    %dma_start3A_255 = arith.constant 0 : i32
    %dma_start3A_256 = tpu.memref_slice %arg3[%add3A_251, %dma_start3A_254, %dma_start3A_255] : memref<2048x2048x64xf32, #tpu.memory_space<hbm>> -> memref<1x2048x64xf32, #tpu.memory_space<hbm>>
    %dma_start3A_257 = tpu.memref_squeeze %dma_start3A_256 : memref<1x2048x64xf32, #tpu.memory_space<hbm>> -> memref<2048x64xf32, #tpu.memory_space<hbm>>
    %dma_start3A_258 = arith.constant 0 : i32
    %dma_start3A_259 = tpu.memref_slice %arg4[%sub3A_253, %dma_start3A_258] : memref<4095x64xf32, #tpu.memory_space<vmem>> -> memref<2048x64xf32, #tpu.memory_space<vmem>>
    tpu.enqueue_dma source(%dma_start3A_259 : memref<2048x64xf32, #tpu.memory_space<vmem>>) target(%dma_start3A_257 : memref<2048x64xf32, #tpu.memory_space<hbm>>) target_semaphore(%arg5 : memref<!tpu.dma_semaphore, #tpu.memory_space<semaphore_mem>>)
    %add3A_260 = arith.constant 26 : i32
    %add3A_261 = arith.addi %mul3A_2, %add3A_260 : i32
    %sub3A_262 = arith.constant 2047 : i32
    %sub3A_263 = arith.subi %sub3A_262, %add3A_261 : i32
    %dma_start3A_264 = arith.constant 0 : i32
    %dma_start3A_265 = arith.constant 0 : i32
    %dma_start3A_266 = tpu.memref_slice %arg3[%add3A_261, %dma_start3A_264, %dma_start3A_265] : memref<2048x2048x64xf32, #tpu.memory_space<hbm>> -> memref<1x2048x64xf32, #tpu.memory_space<hbm>>
    %dma_start3A_267 = tpu.memref_squeeze %dma_start3A_266 : memref<1x2048x64xf32, #tpu.memory_space<hbm>> -> memref<2048x64xf32, #tpu.memory_space<hbm>>
    %dma_start3A_268 = arith.constant 0 : i32
    %dma_start3A_269 = tpu.memref_slice %arg4[%sub3A_263, %dma_start3A_268] : memref<4095x64xf32, #tpu.memory_space<vmem>> -> memref<2048x64xf32, #tpu.memory_space<vmem>>
    tpu.enqueue_dma source(%dma_start3A_269 : memref<2048x64xf32, #tpu.memory_space<vmem>>) target(%dma_start3A_267 : memref<2048x64xf32, #tpu.memory_space<hbm>>) target_semaphore(%arg5 : memref<!tpu.dma_semaphore, #tpu.memory_space<semaphore_mem>>)
    %add3A_270 = arith.constant 27 : i32
    %add3A_271 = arith.addi %mul3A_2, %add3A_270 : i32
    %sub3A_272 = arith.constant 2047 : i32
    %sub3A_273 = arith.subi %sub3A_272, %add3A_271 : i32
    %dma_start3A_274 = arith.constant 0 : i32
    %dma_start3A_275 = arith.constant 0 : i32
    %dma_start3A_276 = tpu.memref_slice %arg3[%add3A_271, %dma_start3A_274, %dma_start3A_275] : memref<2048x2048x64xf32, #tpu.memory_space<hbm>> -> memref<1x2048x64xf32, #tpu.memory_space<hbm>>
    %dma_start3A_277 = tpu.memref_squeeze %dma_start3A_276 : memref<1x2048x64xf32, #tpu.memory_space<hbm>> -> memref<2048x64xf32, #tpu.memory_space<hbm>>
    %dma_start3A_278 = arith.constant 0 : i32
    %dma_start3A_279 = tpu.memref_slice %arg4[%sub3A_273, %dma_start3A_278] : memref<4095x64xf32, #tpu.memory_space<vmem>> -> memref<2048x64xf32, #tpu.memory_space<vmem>>
    tpu.enqueue_dma source(%dma_start3A_279 : memref<2048x64xf32, #tpu.memory_space<vmem>>) target(%dma_start3A_277 : memref<2048x64xf32, #tpu.memory_space<hbm>>) target_semaphore(%arg5 : memref<!tpu.dma_semaphore, #tpu.memory_space<semaphore_mem>>)
    %add3A_280 = arith.constant 28 : i32
    %add3A_281 = arith.addi %mul3A_2, %add3A_280 : i32
    %sub3A_282 = arith.constant 2047 : i32
    %sub3A_283 = arith.subi %sub3A_282, %add3A_281 : i32
    %dma_start3A_284 = arith.constant 0 : i32
    %dma_start3A_285 = arith.constant 0 : i32
    %dma_start3A_286 = tpu.memref_slice %arg3[%add3A_281, %dma_start3A_284, %dma_start3A_285] : memref<2048x2048x64xf32, #tpu.memory_space<hbm>> -> memref<1x2048x64xf32, #tpu.memory_space<hbm>>
    %dma_start3A_287 = tpu.memref_squeeze %dma_start3A_286 : memref<1x2048x64xf32, #tpu.memory_space<hbm>> -> memref<2048x64xf32, #tpu.memory_space<hbm>>
    %dma_start3A_288 = arith.constant 0 : i32
    %dma_start3A_289 = tpu.memref_slice %arg4[%sub3A_283, %dma_start3A_288] : memref<4095x64xf32, #tpu.memory_space<vmem>> -> memref<2048x64xf32, #tpu.memory_space<vmem>>
    tpu.enqueue_dma source(%dma_start3A_289 : memref<2048x64xf32, #tpu.memory_space<vmem>>) target(%dma_start3A_287 : memref<2048x64xf32, #tpu.memory_space<hbm>>) target_semaphore(%arg5 : memref<!tpu.dma_semaphore, #tpu.memory_space<semaphore_mem>>)
    %add3A_290 = arith.constant 29 : i32
    %add3A_291 = arith.addi %mul3A_2, %add3A_290 : i32
    %sub3A_292 = arith.constant 2047 : i32
    %sub3A_293 = arith.subi %sub3A_292, %add3A_291 : i32
    %dma_start3A_294 = arith.constant 0 : i32
    %dma_start3A_295 = arith.constant 0 : i32
    %dma_start3A_296 = tpu.memref_slice %arg3[%add3A_291, %dma_start3A_294, %dma_start3A_295] : memref<2048x2048x64xf32, #tpu.memory_space<hbm>> -> memref<1x2048x64xf32, #tpu.memory_space<hbm>>
    %dma_start3A_297 = tpu.memref_squeeze %dma_start3A_296 : memref<1x2048x64xf32, #tpu.memory_space<hbm>> -> memref<2048x64xf32, #tpu.memory_space<hbm>>
    %dma_start3A_298 = arith.constant 0 : i32
    %dma_start3A_299 = tpu.memref_slice %arg4[%sub3A_293, %dma_start3A_298] : memref<4095x64xf32, #tpu.memory_space<vmem>> -> memref<2048x64xf32, #tpu.memory_space<vmem>>
    tpu.enqueue_dma source(%dma_start3A_299 : memref<2048x64xf32, #tpu.memory_space<vmem>>) target(%dma_start3A_297 : memref<2048x64xf32, #tpu.memory_space<hbm>>) target_semaphore(%arg5 : memref<!tpu.dma_semaphore, #tpu.memory_space<semaphore_mem>>)
    %add3A_300 = arith.constant 30 : i32
    %add3A_301 = arith.addi %mul3A_2, %add3A_300 : i32
    %sub3A_302 = arith.constant 2047 : i32
    %sub3A_303 = arith.subi %sub3A_302, %add3A_301 : i32
    %dma_start3A_304 = arith.constant 0 : i32
    %dma_start3A_305 = arith.constant 0 : i32
    %dma_start3A_306 = tpu.memref_slice %arg3[%add3A_301, %dma_start3A_304, %dma_start3A_305] : memref<2048x2048x64xf32, #tpu.memory_space<hbm>> -> memref<1x2048x64xf32, #tpu.memory_space<hbm>>
    %dma_start3A_307 = tpu.memref_squeeze %dma_start3A_306 : memref<1x2048x64xf32, #tpu.memory_space<hbm>> -> memref<2048x64xf32, #tpu.memory_space<hbm>>
    %dma_start3A_308 = arith.constant 0 : i32
    %dma_start3A_309 = tpu.memref_slice %arg4[%sub3A_303, %dma_start3A_308] : memref<4095x64xf32, #tpu.memory_space<vmem>> -> memref<2048x64xf32, #tpu.memory_space<vmem>>
    tpu.enqueue_dma source(%dma_start3A_309 : memref<2048x64xf32, #tpu.memory_space<vmem>>) target(%dma_start3A_307 : memref<2048x64xf32, #tpu.memory_space<hbm>>) target_semaphore(%arg5 : memref<!tpu.dma_semaphore, #tpu.memory_space<semaphore_mem>>)
    %add3A_310 = arith.constant 31 : i32
    %add3A_311 = arith.addi %mul3A_2, %add3A_310 : i32
    %sub3A_312 = arith.constant 2047 : i32
    %sub3A_313 = arith.subi %sub3A_312, %add3A_311 : i32
    %dma_start3A_314 = arith.constant 0 : i32
    %dma_start3A_315 = arith.constant 0 : i32
    %dma_start3A_316 = tpu.memref_slice %arg3[%add3A_311, %dma_start3A_314, %dma_start3A_315] : memref<2048x2048x64xf32, #tpu.memory_space<hbm>> -> memref<1x2048x64xf32, #tpu.memory_space<hbm>>
    %dma_start3A_317 = tpu.memref_squeeze %dma_start3A_316 : memref<1x2048x64xf32, #tpu.memory_space<hbm>> -> memref<2048x64xf32, #tpu.memory_space<hbm>>
    %dma_start3A_318 = arith.constant 0 : i32
    %dma_start3A_319 = tpu.memref_slice %arg4[%sub3A_313, %dma_start3A_318] : memref<4095x64xf32, #tpu.memory_space<vmem>> -> memref<2048x64xf32, #tpu.memory_space<vmem>>
    tpu.enqueue_dma source(%dma_start3A_319 : memref<2048x64xf32, #tpu.memory_space<vmem>>) target(%dma_start3A_317 : memref<2048x64xf32, #tpu.memory_space<hbm>>) target_semaphore(%arg5 : memref<!tpu.dma_semaphore, #tpu.memory_space<semaphore_mem>>)
    %add3A_320 = arith.constant 32 : i32
    %add3A_321 = arith.addi %mul3A_2, %add3A_320 : i32
    %sub3A_322 = arith.constant 2047 : i32
    %sub3A_323 = arith.subi %sub3A_322, %add3A_321 : i32
    %dma_start3A_324 = arith.constant 0 : i32
    %dma_start3A_325 = arith.constant 0 : i32
    %dma_start3A_326 = tpu.memref_slice %arg3[%add3A_321, %dma_start3A_324, %dma_start3A_325] : memref<2048x2048x64xf32, #tpu.memory_space<hbm>> -> memref<1x2048x64xf32, #tpu.memory_space<hbm>>
    %dma_start3A_327 = tpu.memref_squeeze %dma_start3A_326 : memref<1x2048x64xf32, #tpu.memory_space<hbm>> -> memref<2048x64xf32, #tpu.memory_space<hbm>>
    %dma_start3A_328 = arith.constant 0 : i32
    %dma_start3A_329 = tpu.memref_slice %arg4[%sub3A_323, %dma_start3A_328] : memref<4095x64xf32, #tpu.memory_space<vmem>> -> memref<2048x64xf32, #tpu.memory_space<vmem>>
    tpu.enqueue_dma source(%dma_start3A_329 : memref<2048x64xf32, #tpu.memory_space<vmem>>) target(%dma_start3A_327 : memref<2048x64xf32, #tpu.memory_space<hbm>>) target_semaphore(%arg5 : memref<!tpu.dma_semaphore, #tpu.memory_space<semaphore_mem>>)
    %add3A_330 = arith.constant 33 : i32
    %add3A_331 = arith.addi %mul3A_2, %add3A_330 : i32
    %sub3A_332 = arith.constant 2047 : i32
    %sub3A_333 = arith.subi %sub3A_332, %add3A_331 : i32
    %dma_start3A_334 = arith.constant 0 : i32
    %dma_start3A_335 = arith.constant 0 : i32
    %dma_start3A_336 = tpu.memref_slice %arg3[%add3A_331, %dma_start3A_334, %dma_start3A_335] : memref<2048x2048x64xf32, #tpu.memory_space<hbm>> -> memref<1x2048x64xf32, #tpu.memory_space<hbm>>
    %dma_start3A_337 = tpu.memref_squeeze %dma_start3A_336 : memref<1x2048x64xf32, #tpu.memory_space<hbm>> -> memref<2048x64xf32, #tpu.memory_space<hbm>>
    %dma_start3A_338 = arith.constant 0 : i32
    %dma_start3A_339 = tpu.memref_slice %arg4[%sub3A_333, %dma_start3A_338] : memref<4095x64xf32, #tpu.memory_space<vmem>> -> memref<2048x64xf32, #tpu.memory_space<vmem>>
    tpu.enqueue_dma source(%dma_start3A_339 : memref<2048x64xf32, #tpu.memory_space<vmem>>) target(%dma_start3A_337 : memref<2048x64xf32, #tpu.memory_space<hbm>>) target_semaphore(%arg5 : memref<!tpu.dma_semaphore, #tpu.memory_space<semaphore_mem>>)
    %add3A_340 = arith.constant 34 : i32
    %add3A_341 = arith.addi %mul3A_2, %add3A_340 : i32
    %sub3A_342 = arith.constant 2047 : i32
    %sub3A_343 = arith.subi %sub3A_342, %add3A_341 : i32
    %dma_start3A_344 = arith.constant 0 : i32
    %dma_start3A_345 = arith.constant 0 : i32
    %dma_start3A_346 = tpu.memref_slice %arg3[%add3A_341, %dma_start3A_344, %dma_start3A_345] : memref<2048x2048x64xf32, #tpu.memory_space<hbm>> -> memref<1x2048x64xf32, #tpu.memory_space<hbm>>
    %dma_start3A_347 = tpu.memref_squeeze %dma_start3A_346 : memref<1x2048x64xf32, #tpu.memory_space<hbm>> -> memref<2048x64xf32, #tpu.memory_space<hbm>>
    %dma_start3A_348 = arith.constant 0 : i32
    %dma_start3A_349 = tpu.memref_slice %arg4[%sub3A_343, %dma_start3A_348] : memref<4095x64xf32, #tpu.memory_space<vmem>> -> memref<2048x64xf32, #tpu.memory_space<vmem>>
    tpu.enqueue_dma source(%dma_start3A_349 : memref<2048x64xf32, #tpu.memory_space<vmem>>) target(%dma_start3A_347 : memref<2048x64xf32, #tpu.memory_space<hbm>>) target_semaphore(%arg5 : memref<!tpu.dma_semaphore, #tpu.memory_space<semaphore_mem>>)
    %add3A_350 = arith.constant 35 : i32
    %add3A_351 = arith.addi %mul3A_2, %add3A_350 : i32
    %sub3A_352 = arith.constant 2047 : i32
    %sub3A_353 = arith.subi %sub3A_352, %add3A_351 : i32
    %dma_start3A_354 = arith.constant 0 : i32
    %dma_start3A_355 = arith.constant 0 : i32
    %dma_start3A_356 = tpu.memref_slice %arg3[%add3A_351, %dma_start3A_354, %dma_start3A_355] : memref<2048x2048x64xf32, #tpu.memory_space<hbm>> -> memref<1x2048x64xf32, #tpu.memory_space<hbm>>
    %dma_start3A_357 = tpu.memref_squeeze %dma_start3A_356 : memref<1x2048x64xf32, #tpu.memory_space<hbm>> -> memref<2048x64xf32, #tpu.memory_space<hbm>>
    %dma_start3A_358 = arith.constant 0 : i32
    %dma_start3A_359 = tpu.memref_slice %arg4[%sub3A_353, %dma_start3A_358] : memref<4095x64xf32, #tpu.memory_space<vmem>> -> memref<2048x64xf32, #tpu.memory_space<vmem>>
    tpu.enqueue_dma source(%dma_start3A_359 : memref<2048x64xf32, #tpu.memory_space<vmem>>) target(%dma_start3A_357 : memref<2048x64xf32, #tpu.memory_space<hbm>>) target_semaphore(%arg5 : memref<!tpu.dma_semaphore, #tpu.memory_space<semaphore_mem>>)
    %add3A_360 = arith.constant 36 : i32
    %add3A_361 = arith.addi %mul3A_2, %add3A_360 : i32
    %sub3A_362 = arith.constant 2047 : i32
    %sub3A_363 = arith.subi %sub3A_362, %add3A_361 : i32
    %dma_start3A_364 = arith.constant 0 : i32
    %dma_start3A_365 = arith.constant 0 : i32
    %dma_start3A_366 = tpu.memref_slice %arg3[%add3A_361, %dma_start3A_364, %dma_start3A_365] : memref<2048x2048x64xf32, #tpu.memory_space<hbm>> -> memref<1x2048x64xf32, #tpu.memory_space<hbm>>
    %dma_start3A_367 = tpu.memref_squeeze %dma_start3A_366 : memref<1x2048x64xf32, #tpu.memory_space<hbm>> -> memref<2048x64xf32, #tpu.memory_space<hbm>>
    %dma_start3A_368 = arith.constant 0 : i32
    %dma_start3A_369 = tpu.memref_slice %arg4[%sub3A_363, %dma_start3A_368] : memref<4095x64xf32, #tpu.memory_space<vmem>> -> memref<2048x64xf32, #tpu.memory_space<vmem>>
    tpu.enqueue_dma source(%dma_start3A_369 : memref<2048x64xf32, #tpu.memory_space<vmem>>) target(%dma_start3A_367 : memref<2048x64xf32, #tpu.memory_space<hbm>>) target_semaphore(%arg5 : memref<!tpu.dma_semaphore, #tpu.memory_space<semaphore_mem>>)
    %add3A_370 = arith.constant 37 : i32
    %add3A_371 = arith.addi %mul3A_2, %add3A_370 : i32
    %sub3A_372 = arith.constant 2047 : i32
    %sub3A_373 = arith.subi %sub3A_372, %add3A_371 : i32
    %dma_start3A_374 = arith.constant 0 : i32
    %dma_start3A_375 = arith.constant 0 : i32
    %dma_start3A_376 = tpu.memref_slice %arg3[%add3A_371, %dma_start3A_374, %dma_start3A_375] : memref<2048x2048x64xf32, #tpu.memory_space<hbm>> -> memref<1x2048x64xf32, #tpu.memory_space<hbm>>
    %dma_start3A_377 = tpu.memref_squeeze %dma_start3A_376 : memref<1x2048x64xf32, #tpu.memory_space<hbm>> -> memref<2048x64xf32, #tpu.memory_space<hbm>>
    %dma_start3A_378 = arith.constant 0 : i32
    %dma_start3A_379 = tpu.memref_slice %arg4[%sub3A_373, %dma_start3A_378] : memref<4095x64xf32, #tpu.memory_space<vmem>> -> memref<2048x64xf32, #tpu.memory_space<vmem>>
    tpu.enqueue_dma source(%dma_start3A_379 : memref<2048x64xf32, #tpu.memory_space<vmem>>) target(%dma_start3A_377 : memref<2048x64xf32, #tpu.memory_space<hbm>>) target_semaphore(%arg5 : memref<!tpu.dma_semaphore, #tpu.memory_space<semaphore_mem>>)
    %add3A_380 = arith.constant 38 : i32
    %add3A_381 = arith.addi %mul3A_2, %add3A_380 : i32
    %sub3A_382 = arith.constant 2047 : i32
    %sub3A_383 = arith.subi %sub3A_382, %add3A_381 : i32
    %dma_start3A_384 = arith.constant 0 : i32
    %dma_start3A_385 = arith.constant 0 : i32
    %dma_start3A_386 = tpu.memref_slice %arg3[%add3A_381, %dma_start3A_384, %dma_start3A_385] : memref<2048x2048x64xf32, #tpu.memory_space<hbm>> -> memref<1x2048x64xf32, #tpu.memory_space<hbm>>
    %dma_start3A_387 = tpu.memref_squeeze %dma_start3A_386 : memref<1x2048x64xf32, #tpu.memory_space<hbm>> -> memref<2048x64xf32, #tpu.memory_space<hbm>>
    %dma_start3A_388 = arith.constant 0 : i32
    %dma_start3A_389 = tpu.memref_slice %arg4[%sub3A_383, %dma_start3A_388] : memref<4095x64xf32, #tpu.memory_space<vmem>> -> memref<2048x64xf32, #tpu.memory_space<vmem>>
    tpu.enqueue_dma source(%dma_start3A_389 : memref<2048x64xf32, #tpu.memory_space<vmem>>) target(%dma_start3A_387 : memref<2048x64xf32, #tpu.memory_space<hbm>>) target_semaphore(%arg5 : memref<!tpu.dma_semaphore, #tpu.memory_space<semaphore_mem>>)
    %add3A_390 = arith.constant 39 : i32
    %add3A_391 = arith.addi %mul3A_2, %add3A_390 : i32
    %sub3A_392 = arith.constant 2047 : i32
    %sub3A_393 = arith.subi %sub3A_392, %add3A_391 : i32
    %dma_start3A_394 = arith.constant 0 : i32
    %dma_start3A_395 = arith.constant 0 : i32
    %dma_start3A_396 = tpu.memref_slice %arg3[%add3A_391, %dma_start3A_394, %dma_start3A_395] : memref<2048x2048x64xf32, #tpu.memory_space<hbm>> -> memref<1x2048x64xf32, #tpu.memory_space<hbm>>
    %dma_start3A_397 = tpu.memref_squeeze %dma_start3A_396 : memref<1x2048x64xf32, #tpu.memory_space<hbm>> -> memref<2048x64xf32, #tpu.memory_space<hbm>>
    %dma_start3A_398 = arith.constant 0 : i32
    %dma_start3A_399 = tpu.memref_slice %arg4[%sub3A_393, %dma_start3A_398] : memref<4095x64xf32, #tpu.memory_space<vmem>> -> memref<2048x64xf32, #tpu.memory_space<vmem>>
    tpu.enqueue_dma source(%dma_start3A_399 : memref<2048x64xf32, #tpu.memory_space<vmem>>) target(%dma_start3A_397 : memref<2048x64xf32, #tpu.memory_space<hbm>>) target_semaphore(%arg5 : memref<!tpu.dma_semaphore, #tpu.memory_space<semaphore_mem>>)
    %add3A_400 = arith.constant 40 : i32
    %add3A_401 = arith.addi %mul3A_2, %add3A_400 : i32
    %sub3A_402 = arith.constant 2047 : i32
    %sub3A_403 = arith.subi %sub3A_402, %add3A_401 : i32
    %dma_start3A_404 = arith.constant 0 : i32
    %dma_start3A_405 = arith.constant 0 : i32
    %dma_start3A_406 = tpu.memref_slice %arg3[%add3A_401, %dma_start3A_404, %dma_start3A_405] : memref<2048x2048x64xf32, #tpu.memory_space<hbm>> -> memref<1x2048x64xf32, #tpu.memory_space<hbm>>
    %dma_start3A_407 = tpu.memref_squeeze %dma_start3A_406 : memref<1x2048x64xf32, #tpu.memory_space<hbm>> -> memref<2048x64xf32, #tpu.memory_space<hbm>>
    %dma_start3A_408 = arith.constant 0 : i32
    %dma_start3A_409 = tpu.memref_slice %arg4[%sub3A_403, %dma_start3A_408] : memref<4095x64xf32, #tpu.memory_space<vmem>> -> memref<2048x64xf32, #tpu.memory_space<vmem>>
    tpu.enqueue_dma source(%dma_start3A_409 : memref<2048x64xf32, #tpu.memory_space<vmem>>) target(%dma_start3A_407 : memref<2048x64xf32, #tpu.memory_space<hbm>>) target_semaphore(%arg5 : memref<!tpu.dma_semaphore, #tpu.memory_space<semaphore_mem>>)
    %add3A_410 = arith.constant 41 : i32
    %add3A_411 = arith.addi %mul3A_2, %add3A_410 : i32
    %sub3A_412 = arith.constant 2047 : i32
    %sub3A_413 = arith.subi %sub3A_412, %add3A_411 : i32
    %dma_start3A_414 = arith.constant 0 : i32
    %dma_start3A_415 = arith.constant 0 : i32
    %dma_start3A_416 = tpu.memref_slice %arg3[%add3A_411, %dma_start3A_414, %dma_start3A_415] : memref<2048x2048x64xf32, #tpu.memory_space<hbm>> -> memref<1x2048x64xf32, #tpu.memory_space<hbm>>
    %dma_start3A_417 = tpu.memref_squeeze %dma_start3A_416 : memref<1x2048x64xf32, #tpu.memory_space<hbm>> -> memref<2048x64xf32, #tpu.memory_space<hbm>>
    %dma_start3A_418 = arith.constant 0 : i32
    %dma_start3A_419 = tpu.memref_slice %arg4[%sub3A_413, %dma_start3A_418] : memref<4095x64xf32, #tpu.memory_space<vmem>> -> memref<2048x64xf32, #tpu.memory_space<vmem>>
    tpu.enqueue_dma source(%dma_start3A_419 : memref<2048x64xf32, #tpu.memory_space<vmem>>) target(%dma_start3A_417 : memref<2048x64xf32, #tpu.memory_space<hbm>>) target_semaphore(%arg5 : memref<!tpu.dma_semaphore, #tpu.memory_space<semaphore_mem>>)
    %add3A_420 = arith.constant 42 : i32
    %add3A_421 = arith.addi %mul3A_2, %add3A_420 : i32
    %sub3A_422 = arith.constant 2047 : i32
    %sub3A_423 = arith.subi %sub3A_422, %add3A_421 : i32
    %dma_start3A_424 = arith.constant 0 : i32
    %dma_start3A_425 = arith.constant 0 : i32
    %dma_start3A_426 = tpu.memref_slice %arg3[%add3A_421, %dma_start3A_424, %dma_start3A_425] : memref<2048x2048x64xf32, #tpu.memory_space<hbm>> -> memref<1x2048x64xf32, #tpu.memory_space<hbm>>
    %dma_start3A_427 = tpu.memref_squeeze %dma_start3A_426 : memref<1x2048x64xf32, #tpu.memory_space<hbm>> -> memref<2048x64xf32, #tpu.memory_space<hbm>>
    %dma_start3A_428 = arith.constant 0 : i32
    %dma_start3A_429 = tpu.memref_slice %arg4[%sub3A_423, %dma_start3A_428] : memref<4095x64xf32, #tpu.memory_space<vmem>> -> memref<2048x64xf32, #tpu.memory_space<vmem>>
    tpu.enqueue_dma source(%dma_start3A_429 : memref<2048x64xf32, #tpu.memory_space<vmem>>) target(%dma_start3A_427 : memref<2048x64xf32, #tpu.memory_space<hbm>>) target_semaphore(%arg5 : memref<!tpu.dma_semaphore, #tpu.memory_space<semaphore_mem>>)
    %add3A_430 = arith.constant 43 : i32
    %add3A_431 = arith.addi %mul3A_2, %add3A_430 : i32
    %sub3A_432 = arith.constant 2047 : i32
    %sub3A_433 = arith.subi %sub3A_432, %add3A_431 : i32
    %dma_start3A_434 = arith.constant 0 : i32
    %dma_start3A_435 = arith.constant 0 : i32
    %dma_start3A_436 = tpu.memref_slice %arg3[%add3A_431, %dma_start3A_434, %dma_start3A_435] : memref<2048x2048x64xf32, #tpu.memory_space<hbm>> -> memref<1x2048x64xf32, #tpu.memory_space<hbm>>
    %dma_start3A_437 = tpu.memref_squeeze %dma_start3A_436 : memref<1x2048x64xf32, #tpu.memory_space<hbm>> -> memref<2048x64xf32, #tpu.memory_space<hbm>>
    %dma_start3A_438 = arith.constant 0 : i32
    %dma_start3A_439 = tpu.memref_slice %arg4[%sub3A_433, %dma_start3A_438] : memref<4095x64xf32, #tpu.memory_space<vmem>> -> memref<2048x64xf32, #tpu.memory_space<vmem>>
    tpu.enqueue_dma source(%dma_start3A_439 : memref<2048x64xf32, #tpu.memory_space<vmem>>) target(%dma_start3A_437 : memref<2048x64xf32, #tpu.memory_space<hbm>>) target_semaphore(%arg5 : memref<!tpu.dma_semaphore, #tpu.memory_space<semaphore_mem>>)
    %add3A_440 = arith.constant 44 : i32
    %add3A_441 = arith.addi %mul3A_2, %add3A_440 : i32
    %sub3A_442 = arith.constant 2047 : i32
    %sub3A_443 = arith.subi %sub3A_442, %add3A_441 : i32
    %dma_start3A_444 = arith.constant 0 : i32
    %dma_start3A_445 = arith.constant 0 : i32
    %dma_start3A_446 = tpu.memref_slice %arg3[%add3A_441, %dma_start3A_444, %dma_start3A_445] : memref<2048x2048x64xf32, #tpu.memory_space<hbm>> -> memref<1x2048x64xf32, #tpu.memory_space<hbm>>
    %dma_start3A_447 = tpu.memref_squeeze %dma_start3A_446 : memref<1x2048x64xf32, #tpu.memory_space<hbm>> -> memref<2048x64xf32, #tpu.memory_space<hbm>>
    %dma_start3A_448 = arith.constant 0 : i32
    %dma_start3A_449 = tpu.memref_slice %arg4[%sub3A_443, %dma_start3A_448] : memref<4095x64xf32, #tpu.memory_space<vmem>> -> memref<2048x64xf32, #tpu.memory_space<vmem>>
    tpu.enqueue_dma source(%dma_start3A_449 : memref<2048x64xf32, #tpu.memory_space<vmem>>) target(%dma_start3A_447 : memref<2048x64xf32, #tpu.memory_space<hbm>>) target_semaphore(%arg5 : memref<!tpu.dma_semaphore, #tpu.memory_space<semaphore_mem>>)
    %add3A_450 = arith.constant 45 : i32
    %add3A_451 = arith.addi %mul3A_2, %add3A_450 : i32
    %sub3A_452 = arith.constant 2047 : i32
    %sub3A_453 = arith.subi %sub3A_452, %add3A_451 : i32
    %dma_start3A_454 = arith.constant 0 : i32
    %dma_start3A_455 = arith.constant 0 : i32
    %dma_start3A_456 = tpu.memref_slice %arg3[%add3A_451, %dma_start3A_454, %dma_start3A_455] : memref<2048x2048x64xf32, #tpu.memory_space<hbm>> -> memref<1x2048x64xf32, #tpu.memory_space<hbm>>
    %dma_start3A_457 = tpu.memref_squeeze %dma_start3A_456 : memref<1x2048x64xf32, #tpu.memory_space<hbm>> -> memref<2048x64xf32, #tpu.memory_space<hbm>>
    %dma_start3A_458 = arith.constant 0 : i32
    %dma_start3A_459 = tpu.memref_slice %arg4[%sub3A_453, %dma_start3A_458] : memref<4095x64xf32, #tpu.memory_space<vmem>> -> memref<2048x64xf32, #tpu.memory_space<vmem>>
    tpu.enqueue_dma source(%dma_start3A_459 : memref<2048x64xf32, #tpu.memory_space<vmem>>) target(%dma_start3A_457 : memref<2048x64xf32, #tpu.memory_space<hbm>>) target_semaphore(%arg5 : memref<!tpu.dma_semaphore, #tpu.memory_space<semaphore_mem>>)
    %add3A_460 = arith.constant 46 : i32
    %add3A_461 = arith.addi %mul3A_2, %add3A_460 : i32
    %sub3A_462 = arith.constant 2047 : i32
    %sub3A_463 = arith.subi %sub3A_462, %add3A_461 : i32
    %dma_start3A_464 = arith.constant 0 : i32
    %dma_start3A_465 = arith.constant 0 : i32
    %dma_start3A_466 = tpu.memref_slice %arg3[%add3A_461, %dma_start3A_464, %dma_start3A_465] : memref<2048x2048x64xf32, #tpu.memory_space<hbm>> -> memref<1x2048x64xf32, #tpu.memory_space<hbm>>
    %dma_start3A_467 = tpu.memref_squeeze %dma_start3A_466 : memref<1x2048x64xf32, #tpu.memory_space<hbm>> -> memref<2048x64xf32, #tpu.memory_space<hbm>>
    %dma_start3A_468 = arith.constant 0 : i32
    %dma_start3A_469 = tpu.memref_slice %arg4[%sub3A_463, %dma_start3A_468] : memref<4095x64xf32, #tpu.memory_space<vmem>> -> memref<2048x64xf32, #tpu.memory_space<vmem>>
    tpu.enqueue_dma source(%dma_start3A_469 : memref<2048x64xf32, #tpu.memory_space<vmem>>) target(%dma_start3A_467 : memref<2048x64xf32, #tpu.memory_space<hbm>>) target_semaphore(%arg5 : memref<!tpu.dma_semaphore, #tpu.memory_space<semaphore_mem>>)
    %add3A_470 = arith.constant 47 : i32
    %add3A_471 = arith.addi %mul3A_2, %add3A_470 : i32
    %sub3A_472 = arith.constant 2047 : i32
    %sub3A_473 = arith.subi %sub3A_472, %add3A_471 : i32
    %dma_start3A_474 = arith.constant 0 : i32
    %dma_start3A_475 = arith.constant 0 : i32
    %dma_start3A_476 = tpu.memref_slice %arg3[%add3A_471, %dma_start3A_474, %dma_start3A_475] : memref<2048x2048x64xf32, #tpu.memory_space<hbm>> -> memref<1x2048x64xf32, #tpu.memory_space<hbm>>
    %dma_start3A_477 = tpu.memref_squeeze %dma_start3A_476 : memref<1x2048x64xf32, #tpu.memory_space<hbm>> -> memref<2048x64xf32, #tpu.memory_space<hbm>>
    %dma_start3A_478 = arith.constant 0 : i32
    %dma_start3A_479 = tpu.memref_slice %arg4[%sub3A_473, %dma_start3A_478] : memref<4095x64xf32, #tpu.memory_space<vmem>> -> memref<2048x64xf32, #tpu.memory_space<vmem>>
    tpu.enqueue_dma source(%dma_start3A_479 : memref<2048x64xf32, #tpu.memory_space<vmem>>) target(%dma_start3A_477 : memref<2048x64xf32, #tpu.memory_space<hbm>>) target_semaphore(%arg5 : memref<!tpu.dma_semaphore, #tpu.memory_space<semaphore_mem>>)
    %add3A_480 = arith.constant 48 : i32
    %add3A_481 = arith.addi %mul3A_2, %add3A_480 : i32
    %sub3A_482 = arith.constant 2047 : i32
    %sub3A_483 = arith.subi %sub3A_482, %add3A_481 : i32
    %dma_start3A_484 = arith.constant 0 : i32
    %dma_start3A_485 = arith.constant 0 : i32
    %dma_start3A_486 = tpu.memref_slice %arg3[%add3A_481, %dma_start3A_484, %dma_start3A_485] : memref<2048x2048x64xf32, #tpu.memory_space<hbm>> -> memref<1x2048x64xf32, #tpu.memory_space<hbm>>
    %dma_start3A_487 = tpu.memref_squeeze %dma_start3A_486 : memref<1x2048x64xf32, #tpu.memory_space<hbm>> -> memref<2048x64xf32, #tpu.memory_space<hbm>>
    %dma_start3A_488 = arith.constant 0 : i32
    %dma_start3A_489 = tpu.memref_slice %arg4[%sub3A_483, %dma_start3A_488] : memref<4095x64xf32, #tpu.memory_space<vmem>> -> memref<2048x64xf32, #tpu.memory_space<vmem>>
    tpu.enqueue_dma source(%dma_start3A_489 : memref<2048x64xf32, #tpu.memory_space<vmem>>) target(%dma_start3A_487 : memref<2048x64xf32, #tpu.memory_space<hbm>>) target_semaphore(%arg5 : memref<!tpu.dma_semaphore, #tpu.memory_space<semaphore_mem>>)
    %add3A_490 = arith.constant 49 : i32
    %add3A_491 = arith.addi %mul3A_2, %add3A_490 : i32
    %sub3A_492 = arith.constant 2047 : i32
    %sub3A_493 = arith.subi %sub3A_492, %add3A_491 : i32
    %dma_start3A_494 = arith.constant 0 : i32
    %dma_start3A_495 = arith.constant 0 : i32
    %dma_start3A_496 = tpu.memref_slice %arg3[%add3A_491, %dma_start3A_494, %dma_start3A_495] : memref<2048x2048x64xf32, #tpu.memory_space<hbm>> -> memref<1x2048x64xf32, #tpu.memory_space<hbm>>
    %dma_start3A_497 = tpu.memref_squeeze %dma_start3A_496 : memref<1x2048x64xf32, #tpu.memory_space<hbm>> -> memref<2048x64xf32, #tpu.memory_space<hbm>>
    %dma_start3A_498 = arith.constant 0 : i32
    %dma_start3A_499 = tpu.memref_slice %arg4[%sub3A_493, %dma_start3A_498] : memref<4095x64xf32, #tpu.memory_space<vmem>> -> memref<2048x64xf32, #tpu.memory_space<vmem>>
    tpu.enqueue_dma source(%dma_start3A_499 : memref<2048x64xf32, #tpu.memory_space<vmem>>) target(%dma_start3A_497 : memref<2048x64xf32, #tpu.memory_space<hbm>>) target_semaphore(%arg5 : memref<!tpu.dma_semaphore, #tpu.memory_space<semaphore_mem>>)
    %add3A_500 = arith.constant 50 : i32
    %add3A_501 = arith.addi %mul3A_2, %add3A_500 : i32
    %sub3A_502 = arith.constant 2047 : i32
    %sub3A_503 = arith.subi %sub3A_502, %add3A_501 : i32
    %dma_start3A_504 = arith.constant 0 : i32
    %dma_start3A_505 = arith.constant 0 : i32
    %dma_start3A_506 = tpu.memref_slice %arg3[%add3A_501, %dma_start3A_504, %dma_start3A_505] : memref<2048x2048x64xf32, #tpu.memory_space<hbm>> -> memref<1x2048x64xf32, #tpu.memory_space<hbm>>
    %dma_start3A_507 = tpu.memref_squeeze %dma_start3A_506 : memref<1x2048x64xf32, #tpu.memory_space<hbm>> -> memref<2048x64xf32, #tpu.memory_space<hbm>>
    %dma_start3A_508 = arith.constant 0 : i32
    %dma_start3A_509 = tpu.memref_slice %arg4[%sub3A_503, %dma_start3A_508] : memref<4095x64xf32, #tpu.memory_space<vmem>> -> memref<2048x64xf32, #tpu.memory_space<vmem>>
    tpu.enqueue_dma source(%dma_start3A_509 : memref<2048x64xf32, #tpu.memory_space<vmem>>) target(%dma_start3A_507 : memref<2048x64xf32, #tpu.memory_space<hbm>>) target_semaphore(%arg5 : memref<!tpu.dma_semaphore, #tpu.memory_space<semaphore_mem>>)
    %add3A_510 = arith.constant 51 : i32
    %add3A_511 = arith.addi %mul3A_2, %add3A_510 : i32
    %sub3A_512 = arith.constant 2047 : i32
    %sub3A_513 = arith.subi %sub3A_512, %add3A_511 : i32
    %dma_start3A_514 = arith.constant 0 : i32
    %dma_start3A_515 = arith.constant 0 : i32
    %dma_start3A_516 = tpu.memref_slice %arg3[%add3A_511, %dma_start3A_514, %dma_start3A_515] : memref<2048x2048x64xf32, #tpu.memory_space<hbm>> -> memref<1x2048x64xf32, #tpu.memory_space<hbm>>
    %dma_start3A_517 = tpu.memref_squeeze %dma_start3A_516 : memref<1x2048x64xf32, #tpu.memory_space<hbm>> -> memref<2048x64xf32, #tpu.memory_space<hbm>>
    %dma_start3A_518 = arith.constant 0 : i32
    %dma_start3A_519 = tpu.memref_slice %arg4[%sub3A_513, %dma_start3A_518] : memref<4095x64xf32, #tpu.memory_space<vmem>> -> memref<2048x64xf32, #tpu.memory_space<vmem>>
    tpu.enqueue_dma source(%dma_start3A_519 : memref<2048x64xf32, #tpu.memory_space<vmem>>) target(%dma_start3A_517 : memref<2048x64xf32, #tpu.memory_space<hbm>>) target_semaphore(%arg5 : memref<!tpu.dma_semaphore, #tpu.memory_space<semaphore_mem>>)
    %add3A_520 = arith.constant 52 : i32
    %add3A_521 = arith.addi %mul3A_2, %add3A_520 : i32
    %sub3A_522 = arith.constant 2047 : i32
    %sub3A_523 = arith.subi %sub3A_522, %add3A_521 : i32
    %dma_start3A_524 = arith.constant 0 : i32
    %dma_start3A_525 = arith.constant 0 : i32
    %dma_start3A_526 = tpu.memref_slice %arg3[%add3A_521, %dma_start3A_524, %dma_start3A_525] : memref<2048x2048x64xf32, #tpu.memory_space<hbm>> -> memref<1x2048x64xf32, #tpu.memory_space<hbm>>
    %dma_start3A_527 = tpu.memref_squeeze %dma_start3A_526 : memref<1x2048x64xf32, #tpu.memory_space<hbm>> -> memref<2048x64xf32, #tpu.memory_space<hbm>>
    %dma_start3A_528 = arith.constant 0 : i32
    %dma_start3A_529 = tpu.memref_slice %arg4[%sub3A_523, %dma_start3A_528] : memref<4095x64xf32, #tpu.memory_space<vmem>> -> memref<2048x64xf32, #tpu.memory_space<vmem>>
    tpu.enqueue_dma source(%dma_start3A_529 : memref<2048x64xf32, #tpu.memory_space<vmem>>) target(%dma_start3A_527 : memref<2048x64xf32, #tpu.memory_space<hbm>>) target_semaphore(%arg5 : memref<!tpu.dma_semaphore, #tpu.memory_space<semaphore_mem>>)
    %add3A_530 = arith.constant 53 : i32
    %add3A_531 = arith.addi %mul3A_2, %add3A_530 : i32
    %sub3A_532 = arith.constant 2047 : i32
    %sub3A_533 = arith.subi %sub3A_532, %add3A_531 : i32
    %dma_start3A_534 = arith.constant 0 : i32
    %dma_start3A_535 = arith.constant 0 : i32
    %dma_start3A_536 = tpu.memref_slice %arg3[%add3A_531, %dma_start3A_534, %dma_start3A_535] : memref<2048x2048x64xf32, #tpu.memory_space<hbm>> -> memref<1x2048x64xf32, #tpu.memory_space<hbm>>
    %dma_start3A_537 = tpu.memref_squeeze %dma_start3A_536 : memref<1x2048x64xf32, #tpu.memory_space<hbm>> -> memref<2048x64xf32, #tpu.memory_space<hbm>>
    %dma_start3A_538 = arith.constant 0 : i32
    %dma_start3A_539 = tpu.memref_slice %arg4[%sub3A_533, %dma_start3A_538] : memref<4095x64xf32, #tpu.memory_space<vmem>> -> memref<2048x64xf32, #tpu.memory_space<vmem>>
    tpu.enqueue_dma source(%dma_start3A_539 : memref<2048x64xf32, #tpu.memory_space<vmem>>) target(%dma_start3A_537 : memref<2048x64xf32, #tpu.memory_space<hbm>>) target_semaphore(%arg5 : memref<!tpu.dma_semaphore, #tpu.memory_space<semaphore_mem>>)
    %add3A_540 = arith.constant 54 : i32
    %add3A_541 = arith.addi %mul3A_2, %add3A_540 : i32
    %sub3A_542 = arith.constant 2047 : i32
    %sub3A_543 = arith.subi %sub3A_542, %add3A_541 : i32
    %dma_start3A_544 = arith.constant 0 : i32
    %dma_start3A_545 = arith.constant 0 : i32
    %dma_start3A_546 = tpu.memref_slice %arg3[%add3A_541, %dma_start3A_544, %dma_start3A_545] : memref<2048x2048x64xf32, #tpu.memory_space<hbm>> -> memref<1x2048x64xf32, #tpu.memory_space<hbm>>
    %dma_start3A_547 = tpu.memref_squeeze %dma_start3A_546 : memref<1x2048x64xf32, #tpu.memory_space<hbm>> -> memref<2048x64xf32, #tpu.memory_space<hbm>>
    %dma_start3A_548 = arith.constant 0 : i32
    %dma_start3A_549 = tpu.memref_slice %arg4[%sub3A_543, %dma_start3A_548] : memref<4095x64xf32, #tpu.memory_space<vmem>> -> memref<2048x64xf32, #tpu.memory_space<vmem>>
    tpu.enqueue_dma source(%dma_start3A_549 : memref<2048x64xf32, #tpu.memory_space<vmem>>) target(%dma_start3A_547 : memref<2048x64xf32, #tpu.memory_space<hbm>>) target_semaphore(%arg5 : memref<!tpu.dma_semaphore, #tpu.memory_space<semaphore_mem>>)
    %add3A_550 = arith.constant 55 : i32
    %add3A_551 = arith.addi %mul3A_2, %add3A_550 : i32
    %sub3A_552 = arith.constant 2047 : i32
    %sub3A_553 = arith.subi %sub3A_552, %add3A_551 : i32
    %dma_start3A_554 = arith.constant 0 : i32
    %dma_start3A_555 = arith.constant 0 : i32
    %dma_start3A_556 = tpu.memref_slice %arg3[%add3A_551, %dma_start3A_554, %dma_start3A_555] : memref<2048x2048x64xf32, #tpu.memory_space<hbm>> -> memref<1x2048x64xf32, #tpu.memory_space<hbm>>
    %dma_start3A_557 = tpu.memref_squeeze %dma_start3A_556 : memref<1x2048x64xf32, #tpu.memory_space<hbm>> -> memref<2048x64xf32, #tpu.memory_space<hbm>>
    %dma_start3A_558 = arith.constant 0 : i32
    %dma_start3A_559 = tpu.memref_slice %arg4[%sub3A_553, %dma_start3A_558] : memref<4095x64xf32, #tpu.memory_space<vmem>> -> memref<2048x64xf32, #tpu.memory_space<vmem>>
    tpu.enqueue_dma source(%dma_start3A_559 : memref<2048x64xf32, #tpu.memory_space<vmem>>) target(%dma_start3A_557 : memref<2048x64xf32, #tpu.memory_space<hbm>>) target_semaphore(%arg5 : memref<!tpu.dma_semaphore, #tpu.memory_space<semaphore_mem>>)
    %add3A_560 = arith.constant 56 : i32
    %add3A_561 = arith.addi %mul3A_2, %add3A_560 : i32
    %sub3A_562 = arith.constant 2047 : i32
    %sub3A_563 = arith.subi %sub3A_562, %add3A_561 : i32
    %dma_start3A_564 = arith.constant 0 : i32
    %dma_start3A_565 = arith.constant 0 : i32
    %dma_start3A_566 = tpu.memref_slice %arg3[%add3A_561, %dma_start3A_564, %dma_start3A_565] : memref<2048x2048x64xf32, #tpu.memory_space<hbm>> -> memref<1x2048x64xf32, #tpu.memory_space<hbm>>
    %dma_start3A_567 = tpu.memref_squeeze %dma_start3A_566 : memref<1x2048x64xf32, #tpu.memory_space<hbm>> -> memref<2048x64xf32, #tpu.memory_space<hbm>>
    %dma_start3A_568 = arith.constant 0 : i32
    %dma_start3A_569 = tpu.memref_slice %arg4[%sub3A_563, %dma_start3A_568] : memref<4095x64xf32, #tpu.memory_space<vmem>> -> memref<2048x64xf32, #tpu.memory_space<vmem>>
    tpu.enqueue_dma source(%dma_start3A_569 : memref<2048x64xf32, #tpu.memory_space<vmem>>) target(%dma_start3A_567 : memref<2048x64xf32, #tpu.memory_space<hbm>>) target_semaphore(%arg5 : memref<!tpu.dma_semaphore, #tpu.memory_space<semaphore_mem>>)
    %add3A_570 = arith.constant 57 : i32
    %add3A_571 = arith.addi %mul3A_2, %add3A_570 : i32
    %sub3A_572 = arith.constant 2047 : i32
    %sub3A_573 = arith.subi %sub3A_572, %add3A_571 : i32
    %dma_start3A_574 = arith.constant 0 : i32
    %dma_start3A_575 = arith.constant 0 : i32
    %dma_start3A_576 = tpu.memref_slice %arg3[%add3A_571, %dma_start3A_574, %dma_start3A_575] : memref<2048x2048x64xf32, #tpu.memory_space<hbm>> -> memref<1x2048x64xf32, #tpu.memory_space<hbm>>
    %dma_start3A_577 = tpu.memref_squeeze %dma_start3A_576 : memref<1x2048x64xf32, #tpu.memory_space<hbm>> -> memref<2048x64xf32, #tpu.memory_space<hbm>>
    %dma_start3A_578 = arith.constant 0 : i32
    %dma_start3A_579 = tpu.memref_slice %arg4[%sub3A_573, %dma_start3A_578] : memref<4095x64xf32, #tpu.memory_space<vmem>> -> memref<2048x64xf32, #tpu.memory_space<vmem>>
    tpu.enqueue_dma source(%dma_start3A_579 : memref<2048x64xf32, #tpu.memory_space<vmem>>) target(%dma_start3A_577 : memref<2048x64xf32, #tpu.memory_space<hbm>>) target_semaphore(%arg5 : memref<!tpu.dma_semaphore, #tpu.memory_space<semaphore_mem>>)
    %add3A_580 = arith.constant 58 : i32
    %add3A_581 = arith.addi %mul3A_2, %add3A_580 : i32
    %sub3A_582 = arith.constant 2047 : i32
    %sub3A_583 = arith.subi %sub3A_582, %add3A_581 : i32
    %dma_start3A_584 = arith.constant 0 : i32
    %dma_start3A_585 = arith.constant 0 : i32
    %dma_start3A_586 = tpu.memref_slice %arg3[%add3A_581, %dma_start3A_584, %dma_start3A_585] : memref<2048x2048x64xf32, #tpu.memory_space<hbm>> -> memref<1x2048x64xf32, #tpu.memory_space<hbm>>
    %dma_start3A_587 = tpu.memref_squeeze %dma_start3A_586 : memref<1x2048x64xf32, #tpu.memory_space<hbm>> -> memref<2048x64xf32, #tpu.memory_space<hbm>>
    %dma_start3A_588 = arith.constant 0 : i32
    %dma_start3A_589 = tpu.memref_slice %arg4[%sub3A_583, %dma_start3A_588] : memref<4095x64xf32, #tpu.memory_space<vmem>> -> memref<2048x64xf32, #tpu.memory_space<vmem>>
    tpu.enqueue_dma source(%dma_start3A_589 : memref<2048x64xf32, #tpu.memory_space<vmem>>) target(%dma_start3A_587 : memref<2048x64xf32, #tpu.memory_space<hbm>>) target_semaphore(%arg5 : memref<!tpu.dma_semaphore, #tpu.memory_space<semaphore_mem>>)
    %add3A_590 = arith.constant 59 : i32
    %add3A_591 = arith.addi %mul3A_2, %add3A_590 : i32
    %sub3A_592 = arith.constant 2047 : i32
    %sub3A_593 = arith.subi %sub3A_592, %add3A_591 : i32
    %dma_start3A_594 = arith.constant 0 : i32
    %dma_start3A_595 = arith.constant 0 : i32
    %dma_start3A_596 = tpu.memref_slice %arg3[%add3A_591, %dma_start3A_594, %dma_start3A_595] : memref<2048x2048x64xf32, #tpu.memory_space<hbm>> -> memref<1x2048x64xf32, #tpu.memory_space<hbm>>
    %dma_start3A_597 = tpu.memref_squeeze %dma_start3A_596 : memref<1x2048x64xf32, #tpu.memory_space<hbm>> -> memref<2048x64xf32, #tpu.memory_space<hbm>>
    %dma_start3A_598 = arith.constant 0 : i32
    %dma_start3A_599 = tpu.memref_slice %arg4[%sub3A_593, %dma_start3A_598] : memref<4095x64xf32, #tpu.memory_space<vmem>> -> memref<2048x64xf32, #tpu.memory_space<vmem>>
    tpu.enqueue_dma source(%dma_start3A_599 : memref<2048x64xf32, #tpu.memory_space<vmem>>) target(%dma_start3A_597 : memref<2048x64xf32, #tpu.memory_space<hbm>>) target_semaphore(%arg5 : memref<!tpu.dma_semaphore, #tpu.memory_space<semaphore_mem>>)
    %add3A_600 = arith.constant 60 : i32
    %add3A_601 = arith.addi %mul3A_2, %add3A_600 : i32
    %sub3A_602 = arith.constant 2047 : i32
    %sub3A_603 = arith.subi %sub3A_602, %add3A_601 : i32
    %dma_start3A_604 = arith.constant 0 : i32
    %dma_start3A_605 = arith.constant 0 : i32
    %dma_start3A_606 = tpu.memref_slice %arg3[%add3A_601, %dma_start3A_604, %dma_start3A_605] : memref<2048x2048x64xf32, #tpu.memory_space<hbm>> -> memref<1x2048x64xf32, #tpu.memory_space<hbm>>
    %dma_start3A_607 = tpu.memref_squeeze %dma_start3A_606 : memref<1x2048x64xf32, #tpu.memory_space<hbm>> -> memref<2048x64xf32, #tpu.memory_space<hbm>>
    %dma_start3A_608 = arith.constant 0 : i32
    %dma_start3A_609 = tpu.memref_slice %arg4[%sub3A_603, %dma_start3A_608] : memref<4095x64xf32, #tpu.memory_space<vmem>> -> memref<2048x64xf32, #tpu.memory_space<vmem>>
    tpu.enqueue_dma source(%dma_start3A_609 : memref<2048x64xf32, #tpu.memory_space<vmem>>) target(%dma_start3A_607 : memref<2048x64xf32, #tpu.memory_space<hbm>>) target_semaphore(%arg5 : memref<!tpu.dma_semaphore, #tpu.memory_space<semaphore_mem>>)
    %add3A_610 = arith.constant 61 : i32
    %add3A_611 = arith.addi %mul3A_2, %add3A_610 : i32
    %sub3A_612 = arith.constant 2047 : i32
    %sub3A_613 = arith.subi %sub3A_612, %add3A_611 : i32
    %dma_start3A_614 = arith.constant 0 : i32
    %dma_start3A_615 = arith.constant 0 : i32
    %dma_start3A_616 = tpu.memref_slice %arg3[%add3A_611, %dma_start3A_614, %dma_start3A_615] : memref<2048x2048x64xf32, #tpu.memory_space<hbm>> -> memref<1x2048x64xf32, #tpu.memory_space<hbm>>
    %dma_start3A_617 = tpu.memref_squeeze %dma_start3A_616 : memref<1x2048x64xf32, #tpu.memory_space<hbm>> -> memref<2048x64xf32, #tpu.memory_space<hbm>>
    %dma_start3A_618 = arith.constant 0 : i32
    %dma_start3A_619 = tpu.memref_slice %arg4[%sub3A_613, %dma_start3A_618] : memref<4095x64xf32, #tpu.memory_space<vmem>> -> memref<2048x64xf32, #tpu.memory_space<vmem>>
    tpu.enqueue_dma source(%dma_start3A_619 : memref<2048x64xf32, #tpu.memory_space<vmem>>) target(%dma_start3A_617 : memref<2048x64xf32, #tpu.memory_space<hbm>>) target_semaphore(%arg5 : memref<!tpu.dma_semaphore, #tpu.memory_space<semaphore_mem>>)
    %add3A_620 = arith.constant 62 : i32
    %add3A_621 = arith.addi %mul3A_2, %add3A_620 : i32
    %sub3A_622 = arith.constant 2047 : i32
    %sub3A_623 = arith.subi %sub3A_622, %add3A_621 : i32
    %dma_start3A_624 = arith.constant 0 : i32
    %dma_start3A_625 = arith.constant 0 : i32
    %dma_start3A_626 = tpu.memref_slice %arg3[%add3A_621, %dma_start3A_624, %dma_start3A_625] : memref<2048x2048x64xf32, #tpu.memory_space<hbm>> -> memref<1x2048x64xf32, #tpu.memory_space<hbm>>
    %dma_start3A_627 = tpu.memref_squeeze %dma_start3A_626 : memref<1x2048x64xf32, #tpu.memory_space<hbm>> -> memref<2048x64xf32, #tpu.memory_space<hbm>>
    %dma_start3A_628 = arith.constant 0 : i32
    %dma_start3A_629 = tpu.memref_slice %arg4[%sub3A_623, %dma_start3A_628] : memref<4095x64xf32, #tpu.memory_space<vmem>> -> memref<2048x64xf32, #tpu.memory_space<vmem>>
    tpu.enqueue_dma source(%dma_start3A_629 : memref<2048x64xf32, #tpu.memory_space<vmem>>) target(%dma_start3A_627 : memref<2048x64xf32, #tpu.memory_space<hbm>>) target_semaphore(%arg5 : memref<!tpu.dma_semaphore, #tpu.memory_space<semaphore_mem>>)
    %add3A_630 = arith.constant 63 : i32
    %add3A_631 = arith.addi %mul3A_2, %add3A_630 : i32
    %sub3A_632 = arith.constant 2047 : i32
    %sub3A_633 = arith.subi %sub3A_632, %add3A_631 : i32
    %dma_start3A_634 = arith.constant 0 : i32
    %dma_start3A_635 = arith.constant 0 : i32
    %dma_start3A_636 = tpu.memref_slice %arg3[%add3A_631, %dma_start3A_634, %dma_start3A_635] : memref<2048x2048x64xf32, #tpu.memory_space<hbm>> -> memref<1x2048x64xf32, #tpu.memory_space<hbm>>
    %dma_start3A_637 = tpu.memref_squeeze %dma_start3A_636 : memref<1x2048x64xf32, #tpu.memory_space<hbm>> -> memref<2048x64xf32, #tpu.memory_space<hbm>>
    %dma_start3A_638 = arith.constant 0 : i32
    %dma_start3A_639 = tpu.memref_slice %arg4[%sub3A_633, %dma_start3A_638] : memref<4095x64xf32, #tpu.memory_space<vmem>> -> memref<2048x64xf32, #tpu.memory_space<vmem>>
    tpu.enqueue_dma source(%dma_start3A_639 : memref<2048x64xf32, #tpu.memory_space<vmem>>) target(%dma_start3A_637 : memref<2048x64xf32, #tpu.memory_space<hbm>>) target_semaphore(%arg5 : memref<!tpu.dma_semaphore, #tpu.memory_space<semaphore_mem>>)
    %dma_wait3A = arith.constant 0 : i32
    %dma_wait3A_640 = arith.constant 0 : i32
    %dma_wait3A_641 = tpu.memref_slice %arg3[%add3A_3, %dma_wait3A, %dma_wait3A_640] : memref<2048x2048x64xf32, #tpu.memory_space<hbm>> -> memref<1x2048x64xf32, #tpu.memory_space<hbm>>
    %dma_wait3A_642 = tpu.memref_squeeze %dma_wait3A_641 : memref<1x2048x64xf32, #tpu.memory_space<hbm>> -> memref<2048x64xf32, #tpu.memory_space<hbm>>
    %dma_wait3A_643 = arith.constant 0 : i32
    %dma_wait3A_644 = tpu.memref_slice %arg4[%sub3A_4, %dma_wait3A_643] : memref<4095x64xf32, #tpu.memory_space<vmem>> -> memref<2048x64xf32, #tpu.memory_space<vmem>>
    tpu.wait_dma2 semaphore(%arg5 : memref<!tpu.dma_semaphore, #tpu.memory_space<semaphore_mem>>) src(%dma_wait3A_644 : memref<2048x64xf32, #tpu.memory_space<vmem>>) dst(%dma_wait3A_642 : memref<2048x64xf32, #tpu.memory_space<hbm>>)
    %dma_wait3A_645 = arith.constant 0 : i32
    %dma_wait3A_646 = arith.constant 0 : i32
    %dma_wait3A_647 = tpu.memref_slice %arg3[%add3A_11, %dma_wait3A_645, %dma_wait3A_646] : memref<2048x2048x64xf32, #tpu.memory_space<hbm>> -> memref<1x2048x64xf32, #tpu.memory_space<hbm>>
    %dma_wait3A_648 = tpu.memref_squeeze %dma_wait3A_647 : memref<1x2048x64xf32, #tpu.memory_space<hbm>> -> memref<2048x64xf32, #tpu.memory_space<hbm>>
    %dma_wait3A_649 = arith.constant 0 : i32
    %dma_wait3A_650 = tpu.memref_slice %arg4[%sub3A_13, %dma_wait3A_649] : memref<4095x64xf32, #tpu.memory_space<vmem>> -> memref<2048x64xf32, #tpu.memory_space<vmem>>
    tpu.wait_dma2 semaphore(%arg5 : memref<!tpu.dma_semaphore, #tpu.memory_space<semaphore_mem>>) src(%dma_wait3A_650 : memref<2048x64xf32, #tpu.memory_space<vmem>>) dst(%dma_wait3A_648 : memref<2048x64xf32, #tpu.memory_space<hbm>>)
    %dma_wait3A_651 = arith.constant 0 : i32
    %dma_wait3A_652 = arith.constant 0 : i32
    %dma_wait3A_653 = tpu.memref_slice %arg3[%add3A_21, %dma_wait3A_651, %dma_wait3A_652] : memref<2048x2048x64xf32, #tpu.memory_space<hbm>> -> memref<1x2048x64xf32, #tpu.memory_space<hbm>>
    %dma_wait3A_654 = tpu.memref_squeeze %dma_wait3A_653 : memref<1x2048x64xf32, #tpu.memory_space<hbm>> -> memref<2048x64xf32, #tpu.memory_space<hbm>>
    %dma_wait3A_655 = arith.constant 0 : i32
    %dma_wait3A_656 = tpu.memref_slice %arg4[%sub3A_23, %dma_wait3A_655] : memref<4095x64xf32, #tpu.memory_space<vmem>> -> memref<2048x64xf32, #tpu.memory_space<vmem>>
    tpu.wait_dma2 semaphore(%arg5 : memref<!tpu.dma_semaphore, #tpu.memory_space<semaphore_mem>>) src(%dma_wait3A_656 : memref<2048x64xf32, #tpu.memory_space<vmem>>) dst(%dma_wait3A_654 : memref<2048x64xf32, #tpu.memory_space<hbm>>)
    %dma_wait3A_657 = arith.constant 0 : i32
    %dma_wait3A_658 = arith.constant 0 : i32
    %dma_wait3A_659 = tpu.memref_slice %arg3[%add3A_31, %dma_wait3A_657, %dma_wait3A_658] : memref<2048x2048x64xf32, #tpu.memory_space<hbm>> -> memref<1x2048x64xf32, #tpu.memory_space<hbm>>
    %dma_wait3A_660 = tpu.memref_squeeze %dma_wait3A_659 : memref<1x2048x64xf32, #tpu.memory_space<hbm>> -> memref<2048x64xf32, #tpu.memory_space<hbm>>
    %dma_wait3A_661 = arith.constant 0 : i32
    %dma_wait3A_662 = tpu.memref_slice %arg4[%sub3A_33, %dma_wait3A_661] : memref<4095x64xf32, #tpu.memory_space<vmem>> -> memref<2048x64xf32, #tpu.memory_space<vmem>>
    tpu.wait_dma2 semaphore(%arg5 : memref<!tpu.dma_semaphore, #tpu.memory_space<semaphore_mem>>) src(%dma_wait3A_662 : memref<2048x64xf32, #tpu.memory_space<vmem>>) dst(%dma_wait3A_660 : memref<2048x64xf32, #tpu.memory_space<hbm>>)
    %dma_wait3A_663 = arith.constant 0 : i32
    %dma_wait3A_664 = arith.constant 0 : i32
    %dma_wait3A_665 = tpu.memref_slice %arg3[%add3A_41, %dma_wait3A_663, %dma_wait3A_664] : memref<2048x2048x64xf32, #tpu.memory_space<hbm>> -> memref<1x2048x64xf32, #tpu.memory_space<hbm>>
    %dma_wait3A_666 = tpu.memref_squeeze %dma_wait3A_665 : memref<1x2048x64xf32, #tpu.memory_space<hbm>> -> memref<2048x64xf32, #tpu.memory_space<hbm>>
    %dma_wait3A_667 = arith.constant 0 : i32
    %dma_wait3A_668 = tpu.memref_slice %arg4[%sub3A_43, %dma_wait3A_667] : memref<4095x64xf32, #tpu.memory_space<vmem>> -> memref<2048x64xf32, #tpu.memory_space<vmem>>
    tpu.wait_dma2 semaphore(%arg5 : memref<!tpu.dma_semaphore, #tpu.memory_space<semaphore_mem>>) src(%dma_wait3A_668 : memref<2048x64xf32, #tpu.memory_space<vmem>>) dst(%dma_wait3A_666 : memref<2048x64xf32, #tpu.memory_space<hbm>>)
    %dma_wait3A_669 = arith.constant 0 : i32
    %dma_wait3A_670 = arith.constant 0 : i32
    %dma_wait3A_671 = tpu.memref_slice %arg3[%add3A_51, %dma_wait3A_669, %dma_wait3A_670] : memref<2048x2048x64xf32, #tpu.memory_space<hbm>> -> memref<1x2048x64xf32, #tpu.memory_space<hbm>>
    %dma_wait3A_672 = tpu.memref_squeeze %dma_wait3A_671 : memref<1x2048x64xf32, #tpu.memory_space<hbm>> -> memref<2048x64xf32, #tpu.memory_space<hbm>>
    %dma_wait3A_673 = arith.constant 0 : i32
    %dma_wait3A_674 = tpu.memref_slice %arg4[%sub3A_53, %dma_wait3A_673] : memref<4095x64xf32, #tpu.memory_space<vmem>> -> memref<2048x64xf32, #tpu.memory_space<vmem>>
    tpu.wait_dma2 semaphore(%arg5 : memref<!tpu.dma_semaphore, #tpu.memory_space<semaphore_mem>>) src(%dma_wait3A_674 : memref<2048x64xf32, #tpu.memory_space<vmem>>) dst(%dma_wait3A_672 : memref<2048x64xf32, #tpu.memory_space<hbm>>)
    %dma_wait3A_675 = arith.constant 0 : i32
    %dma_wait3A_676 = arith.constant 0 : i32
    %dma_wait3A_677 = tpu.memref_slice %arg3[%add3A_61, %dma_wait3A_675, %dma_wait3A_676] : memref<2048x2048x64xf32, #tpu.memory_space<hbm>> -> memref<1x2048x64xf32, #tpu.memory_space<hbm>>
    %dma_wait3A_678 = tpu.memref_squeeze %dma_wait3A_677 : memref<1x2048x64xf32, #tpu.memory_space<hbm>> -> memref<2048x64xf32, #tpu.memory_space<hbm>>
    %dma_wait3A_679 = arith.constant 0 : i32
    %dma_wait3A_680 = tpu.memref_slice %arg4[%sub3A_63, %dma_wait3A_679] : memref<4095x64xf32, #tpu.memory_space<vmem>> -> memref<2048x64xf32, #tpu.memory_space<vmem>>
    tpu.wait_dma2 semaphore(%arg5 : memref<!tpu.dma_semaphore, #tpu.memory_space<semaphore_mem>>) src(%dma_wait3A_680 : memref<2048x64xf32, #tpu.memory_space<vmem>>) dst(%dma_wait3A_678 : memref<2048x64xf32, #tpu.memory_space<hbm>>)
    %dma_wait3A_681 = arith.constant 0 : i32
    %dma_wait3A_682 = arith.constant 0 : i32
    %dma_wait3A_683 = tpu.memref_slice %arg3[%add3A_71, %dma_wait3A_681, %dma_wait3A_682] : memref<2048x2048x64xf32, #tpu.memory_space<hbm>> -> memref<1x2048x64xf32, #tpu.memory_space<hbm>>
    %dma_wait3A_684 = tpu.memref_squeeze %dma_wait3A_683 : memref<1x2048x64xf32, #tpu.memory_space<hbm>> -> memref<2048x64xf32, #tpu.memory_space<hbm>>
    %dma_wait3A_685 = arith.constant 0 : i32
    %dma_wait3A_686 = tpu.memref_slice %arg4[%sub3A_73, %dma_wait3A_685] : memref<4095x64xf32, #tpu.memory_space<vmem>> -> memref<2048x64xf32, #tpu.memory_space<vmem>>
    tpu.wait_dma2 semaphore(%arg5 : memref<!tpu.dma_semaphore, #tpu.memory_space<semaphore_mem>>) src(%dma_wait3A_686 : memref<2048x64xf32, #tpu.memory_space<vmem>>) dst(%dma_wait3A_684 : memref<2048x64xf32, #tpu.memory_space<hbm>>)
    %dma_wait3A_687 = arith.constant 0 : i32
    %dma_wait3A_688 = arith.constant 0 : i32
    %dma_wait3A_689 = tpu.memref_slice %arg3[%add3A_81, %dma_wait3A_687, %dma_wait3A_688] : memref<2048x2048x64xf32, #tpu.memory_space<hbm>> -> memref<1x2048x64xf32, #tpu.memory_space<hbm>>
    %dma_wait3A_690 = tpu.memref_squeeze %dma_wait3A_689 : memref<1x2048x64xf32, #tpu.memory_space<hbm>> -> memref<2048x64xf32, #tpu.memory_space<hbm>>
    %dma_wait3A_691 = arith.constant 0 : i32
    %dma_wait3A_692 = tpu.memref_slice %arg4[%sub3A_83, %dma_wait3A_691] : memref<4095x64xf32, #tpu.memory_space<vmem>> -> memref<2048x64xf32, #tpu.memory_space<vmem>>
    tpu.wait_dma2 semaphore(%arg5 : memref<!tpu.dma_semaphore, #tpu.memory_space<semaphore_mem>>) src(%dma_wait3A_692 : memref<2048x64xf32, #tpu.memory_space<vmem>>) dst(%dma_wait3A_690 : memref<2048x64xf32, #tpu.memory_space<hbm>>)
    %dma_wait3A_693 = arith.constant 0 : i32
    %dma_wait3A_694 = arith.constant 0 : i32
    %dma_wait3A_695 = tpu.memref_slice %arg3[%add3A_91, %dma_wait3A_693, %dma_wait3A_694] : memref<2048x2048x64xf32, #tpu.memory_space<hbm>> -> memref<1x2048x64xf32, #tpu.memory_space<hbm>>
    %dma_wait3A_696 = tpu.memref_squeeze %dma_wait3A_695 : memref<1x2048x64xf32, #tpu.memory_space<hbm>> -> memref<2048x64xf32, #tpu.memory_space<hbm>>
    %dma_wait3A_697 = arith.constant 0 : i32
    %dma_wait3A_698 = tpu.memref_slice %arg4[%sub3A_93, %dma_wait3A_697] : memref<4095x64xf32, #tpu.memory_space<vmem>> -> memref<2048x64xf32, #tpu.memory_space<vmem>>
    tpu.wait_dma2 semaphore(%arg5 : memref<!tpu.dma_semaphore, #tpu.memory_space<semaphore_mem>>) src(%dma_wait3A_698 : memref<2048x64xf32, #tpu.memory_space<vmem>>) dst(%dma_wait3A_696 : memref<2048x64xf32, #tpu.memory_space<hbm>>)
    %dma_wait3A_699 = arith.constant 0 : i32
    %dma_wait3A_700 = arith.constant 0 : i32
    %dma_wait3A_701 = tpu.memref_slice %arg3[%add3A_101, %dma_wait3A_699, %dma_wait3A_700] : memref<2048x2048x64xf32, #tpu.memory_space<hbm>> -> memref<1x2048x64xf32, #tpu.memory_space<hbm>>
    %dma_wait3A_702 = tpu.memref_squeeze %dma_wait3A_701 : memref<1x2048x64xf32, #tpu.memory_space<hbm>> -> memref<2048x64xf32, #tpu.memory_space<hbm>>
    %dma_wait3A_703 = arith.constant 0 : i32
    %dma_wait3A_704 = tpu.memref_slice %arg4[%sub3A_103, %dma_wait3A_703] : memref<4095x64xf32, #tpu.memory_space<vmem>> -> memref<2048x64xf32, #tpu.memory_space<vmem>>
    tpu.wait_dma2 semaphore(%arg5 : memref<!tpu.dma_semaphore, #tpu.memory_space<semaphore_mem>>) src(%dma_wait3A_704 : memref<2048x64xf32, #tpu.memory_space<vmem>>) dst(%dma_wait3A_702 : memref<2048x64xf32, #tpu.memory_space<hbm>>)
    %dma_wait3A_705 = arith.constant 0 : i32
    %dma_wait3A_706 = arith.constant 0 : i32
    %dma_wait3A_707 = tpu.memref_slice %arg3[%add3A_111, %dma_wait3A_705, %dma_wait3A_706] : memref<2048x2048x64xf32, #tpu.memory_space<hbm>> -> memref<1x2048x64xf32, #tpu.memory_space<hbm>>
    %dma_wait3A_708 = tpu.memref_squeeze %dma_wait3A_707 : memref<1x2048x64xf32, #tpu.memory_space<hbm>> -> memref<2048x64xf32, #tpu.memory_space<hbm>>
    %dma_wait3A_709 = arith.constant 0 : i32
    %dma_wait3A_710 = tpu.memref_slice %arg4[%sub3A_113, %dma_wait3A_709] : memref<4095x64xf32, #tpu.memory_space<vmem>> -> memref<2048x64xf32, #tpu.memory_space<vmem>>
    tpu.wait_dma2 semaphore(%arg5 : memref<!tpu.dma_semaphore, #tpu.memory_space<semaphore_mem>>) src(%dma_wait3A_710 : memref<2048x64xf32, #tpu.memory_space<vmem>>) dst(%dma_wait3A_708 : memref<2048x64xf32, #tpu.memory_space<hbm>>)
    %dma_wait3A_711 = arith.constant 0 : i32
    %dma_wait3A_712 = arith.constant 0 : i32
    %dma_wait3A_713 = tpu.memref_slice %arg3[%add3A_121, %dma_wait3A_711, %dma_wait3A_712] : memref<2048x2048x64xf32, #tpu.memory_space<hbm>> -> memref<1x2048x64xf32, #tpu.memory_space<hbm>>
    %dma_wait3A_714 = tpu.memref_squeeze %dma_wait3A_713 : memref<1x2048x64xf32, #tpu.memory_space<hbm>> -> memref<2048x64xf32, #tpu.memory_space<hbm>>
    %dma_wait3A_715 = arith.constant 0 : i32
    %dma_wait3A_716 = tpu.memref_slice %arg4[%sub3A_123, %dma_wait3A_715] : memref<4095x64xf32, #tpu.memory_space<vmem>> -> memref<2048x64xf32, #tpu.memory_space<vmem>>
    tpu.wait_dma2 semaphore(%arg5 : memref<!tpu.dma_semaphore, #tpu.memory_space<semaphore_mem>>) src(%dma_wait3A_716 : memref<2048x64xf32, #tpu.memory_space<vmem>>) dst(%dma_wait3A_714 : memref<2048x64xf32, #tpu.memory_space<hbm>>)
    %dma_wait3A_717 = arith.constant 0 : i32
    %dma_wait3A_718 = arith.constant 0 : i32
    %dma_wait3A_719 = tpu.memref_slice %arg3[%add3A_131, %dma_wait3A_717, %dma_wait3A_718] : memref<2048x2048x64xf32, #tpu.memory_space<hbm>> -> memref<1x2048x64xf32, #tpu.memory_space<hbm>>
    %dma_wait3A_720 = tpu.memref_squeeze %dma_wait3A_719 : memref<1x2048x64xf32, #tpu.memory_space<hbm>> -> memref<2048x64xf32, #tpu.memory_space<hbm>>
    %dma_wait3A_721 = arith.constant 0 : i32
    %dma_wait3A_722 = tpu.memref_slice %arg4[%sub3A_133, %dma_wait3A_721] : memref<4095x64xf32, #tpu.memory_space<vmem>> -> memref<2048x64xf32, #tpu.memory_space<vmem>>
    tpu.wait_dma2 semaphore(%arg5 : memref<!tpu.dma_semaphore, #tpu.memory_space<semaphore_mem>>) src(%dma_wait3A_722 : memref<2048x64xf32, #tpu.memory_space<vmem>>) dst(%dma_wait3A_720 : memref<2048x64xf32, #tpu.memory_space<hbm>>)
    %dma_wait3A_723 = arith.constant 0 : i32
    %dma_wait3A_724 = arith.constant 0 : i32
    %dma_wait3A_725 = tpu.memref_slice %arg3[%add3A_141, %dma_wait3A_723, %dma_wait3A_724] : memref<2048x2048x64xf32, #tpu.memory_space<hbm>> -> memref<1x2048x64xf32, #tpu.memory_space<hbm>>
    %dma_wait3A_726 = tpu.memref_squeeze %dma_wait3A_725 : memref<1x2048x64xf32, #tpu.memory_space<hbm>> -> memref<2048x64xf32, #tpu.memory_space<hbm>>
    %dma_wait3A_727 = arith.constant 0 : i32
    %dma_wait3A_728 = tpu.memref_slice %arg4[%sub3A_143, %dma_wait3A_727] : memref<4095x64xf32, #tpu.memory_space<vmem>> -> memref<2048x64xf32, #tpu.memory_space<vmem>>
    tpu.wait_dma2 semaphore(%arg5 : memref<!tpu.dma_semaphore, #tpu.memory_space<semaphore_mem>>) src(%dma_wait3A_728 : memref<2048x64xf32, #tpu.memory_space<vmem>>) dst(%dma_wait3A_726 : memref<2048x64xf32, #tpu.memory_space<hbm>>)
    %dma_wait3A_729 = arith.constant 0 : i32
    %dma_wait3A_730 = arith.constant 0 : i32
    %dma_wait3A_731 = tpu.memref_slice %arg3[%add3A_151, %dma_wait3A_729, %dma_wait3A_730] : memref<2048x2048x64xf32, #tpu.memory_space<hbm>> -> memref<1x2048x64xf32, #tpu.memory_space<hbm>>
    %dma_wait3A_732 = tpu.memref_squeeze %dma_wait3A_731 : memref<1x2048x64xf32, #tpu.memory_space<hbm>> -> memref<2048x64xf32, #tpu.memory_space<hbm>>
    %dma_wait3A_733 = arith.constant 0 : i32
    %dma_wait3A_734 = tpu.memref_slice %arg4[%sub3A_153, %dma_wait3A_733] : memref<4095x64xf32, #tpu.memory_space<vmem>> -> memref<2048x64xf32, #tpu.memory_space<vmem>>
    tpu.wait_dma2 semaphore(%arg5 : memref<!tpu.dma_semaphore, #tpu.memory_space<semaphore_mem>>) src(%dma_wait3A_734 : memref<2048x64xf32, #tpu.memory_space<vmem>>) dst(%dma_wait3A_732 : memref<2048x64xf32, #tpu.memory_space<hbm>>)
    %dma_wait3A_735 = arith.constant 0 : i32
    %dma_wait3A_736 = arith.constant 0 : i32
    %dma_wait3A_737 = tpu.memref_slice %arg3[%add3A_161, %dma_wait3A_735, %dma_wait3A_736] : memref<2048x2048x64xf32, #tpu.memory_space<hbm>> -> memref<1x2048x64xf32, #tpu.memory_space<hbm>>
    %dma_wait3A_738 = tpu.memref_squeeze %dma_wait3A_737 : memref<1x2048x64xf32, #tpu.memory_space<hbm>> -> memref<2048x64xf32, #tpu.memory_space<hbm>>
    %dma_wait3A_739 = arith.constant 0 : i32
    %dma_wait3A_740 = tpu.memref_slice %arg4[%sub3A_163, %dma_wait3A_739] : memref<4095x64xf32, #tpu.memory_space<vmem>> -> memref<2048x64xf32, #tpu.memory_space<vmem>>
    tpu.wait_dma2 semaphore(%arg5 : memref<!tpu.dma_semaphore, #tpu.memory_space<semaphore_mem>>) src(%dma_wait3A_740 : memref<2048x64xf32, #tpu.memory_space<vmem>>) dst(%dma_wait3A_738 : memref<2048x64xf32, #tpu.memory_space<hbm>>)
    %dma_wait3A_741 = arith.constant 0 : i32
    %dma_wait3A_742 = arith.constant 0 : i32
    %dma_wait3A_743 = tpu.memref_slice %arg3[%add3A_171, %dma_wait3A_741, %dma_wait3A_742] : memref<2048x2048x64xf32, #tpu.memory_space<hbm>> -> memref<1x2048x64xf32, #tpu.memory_space<hbm>>
    %dma_wait3A_744 = tpu.memref_squeeze %dma_wait3A_743 : memref<1x2048x64xf32, #tpu.memory_space<hbm>> -> memref<2048x64xf32, #tpu.memory_space<hbm>>
    %dma_wait3A_745 = arith.constant 0 : i32
    %dma_wait3A_746 = tpu.memref_slice %arg4[%sub3A_173, %dma_wait3A_745] : memref<4095x64xf32, #tpu.memory_space<vmem>> -> memref<2048x64xf32, #tpu.memory_space<vmem>>
    tpu.wait_dma2 semaphore(%arg5 : memref<!tpu.dma_semaphore, #tpu.memory_space<semaphore_mem>>) src(%dma_wait3A_746 : memref<2048x64xf32, #tpu.memory_space<vmem>>) dst(%dma_wait3A_744 : memref<2048x64xf32, #tpu.memory_space<hbm>>)
    %dma_wait3A_747 = arith.constant 0 : i32
    %dma_wait3A_748 = arith.constant 0 : i32
    %dma_wait3A_749 = tpu.memref_slice %arg3[%add3A_181, %dma_wait3A_747, %dma_wait3A_748] : memref<2048x2048x64xf32, #tpu.memory_space<hbm>> -> memref<1x2048x64xf32, #tpu.memory_space<hbm>>
    %dma_wait3A_750 = tpu.memref_squeeze %dma_wait3A_749 : memref<1x2048x64xf32, #tpu.memory_space<hbm>> -> memref<2048x64xf32, #tpu.memory_space<hbm>>
    %dma_wait3A_751 = arith.constant 0 : i32
    %dma_wait3A_752 = tpu.memref_slice %arg4[%sub3A_183, %dma_wait3A_751] : memref<4095x64xf32, #tpu.memory_space<vmem>> -> memref<2048x64xf32, #tpu.memory_space<vmem>>
    tpu.wait_dma2 semaphore(%arg5 : memref<!tpu.dma_semaphore, #tpu.memory_space<semaphore_mem>>) src(%dma_wait3A_752 : memref<2048x64xf32, #tpu.memory_space<vmem>>) dst(%dma_wait3A_750 : memref<2048x64xf32, #tpu.memory_space<hbm>>)
    %dma_wait3A_753 = arith.constant 0 : i32
    %dma_wait3A_754 = arith.constant 0 : i32
    %dma_wait3A_755 = tpu.memref_slice %arg3[%add3A_191, %dma_wait3A_753, %dma_wait3A_754] : memref<2048x2048x64xf32, #tpu.memory_space<hbm>> -> memref<1x2048x64xf32, #tpu.memory_space<hbm>>
    %dma_wait3A_756 = tpu.memref_squeeze %dma_wait3A_755 : memref<1x2048x64xf32, #tpu.memory_space<hbm>> -> memref<2048x64xf32, #tpu.memory_space<hbm>>
    %dma_wait3A_757 = arith.constant 0 : i32
    %dma_wait3A_758 = tpu.memref_slice %arg4[%sub3A_193, %dma_wait3A_757] : memref<4095x64xf32, #tpu.memory_space<vmem>> -> memref<2048x64xf32, #tpu.memory_space<vmem>>
    tpu.wait_dma2 semaphore(%arg5 : memref<!tpu.dma_semaphore, #tpu.memory_space<semaphore_mem>>) src(%dma_wait3A_758 : memref<2048x64xf32, #tpu.memory_space<vmem>>) dst(%dma_wait3A_756 : memref<2048x64xf32, #tpu.memory_space<hbm>>)
    %dma_wait3A_759 = arith.constant 0 : i32
    %dma_wait3A_760 = arith.constant 0 : i32
    %dma_wait3A_761 = tpu.memref_slice %arg3[%add3A_201, %dma_wait3A_759, %dma_wait3A_760] : memref<2048x2048x64xf32, #tpu.memory_space<hbm>> -> memref<1x2048x64xf32, #tpu.memory_space<hbm>>
    %dma_wait3A_762 = tpu.memref_squeeze %dma_wait3A_761 : memref<1x2048x64xf32, #tpu.memory_space<hbm>> -> memref<2048x64xf32, #tpu.memory_space<hbm>>
    %dma_wait3A_763 = arith.constant 0 : i32
    %dma_wait3A_764 = tpu.memref_slice %arg4[%sub3A_203, %dma_wait3A_763] : memref<4095x64xf32, #tpu.memory_space<vmem>> -> memref<2048x64xf32, #tpu.memory_space<vmem>>
    tpu.wait_dma2 semaphore(%arg5 : memref<!tpu.dma_semaphore, #tpu.memory_space<semaphore_mem>>) src(%dma_wait3A_764 : memref<2048x64xf32, #tpu.memory_space<vmem>>) dst(%dma_wait3A_762 : memref<2048x64xf32, #tpu.memory_space<hbm>>)
    %dma_wait3A_765 = arith.constant 0 : i32
    %dma_wait3A_766 = arith.constant 0 : i32
    %dma_wait3A_767 = tpu.memref_slice %arg3[%add3A_211, %dma_wait3A_765, %dma_wait3A_766] : memref<2048x2048x64xf32, #tpu.memory_space<hbm>> -> memref<1x2048x64xf32, #tpu.memory_space<hbm>>
    %dma_wait3A_768 = tpu.memref_squeeze %dma_wait3A_767 : memref<1x2048x64xf32, #tpu.memory_space<hbm>> -> memref<2048x64xf32, #tpu.memory_space<hbm>>
    %dma_wait3A_769 = arith.constant 0 : i32
    %dma_wait3A_770 = tpu.memref_slice %arg4[%sub3A_213, %dma_wait3A_769] : memref<4095x64xf32, #tpu.memory_space<vmem>> -> memref<2048x64xf32, #tpu.memory_space<vmem>>
    tpu.wait_dma2 semaphore(%arg5 : memref<!tpu.dma_semaphore, #tpu.memory_space<semaphore_mem>>) src(%dma_wait3A_770 : memref<2048x64xf32, #tpu.memory_space<vmem>>) dst(%dma_wait3A_768 : memref<2048x64xf32, #tpu.memory_space<hbm>>)
    %dma_wait3A_771 = arith.constant 0 : i32
    %dma_wait3A_772 = arith.constant 0 : i32
    %dma_wait3A_773 = tpu.memref_slice %arg3[%add3A_221, %dma_wait3A_771, %dma_wait3A_772] : memref<2048x2048x64xf32, #tpu.memory_space<hbm>> -> memref<1x2048x64xf32, #tpu.memory_space<hbm>>
    %dma_wait3A_774 = tpu.memref_squeeze %dma_wait3A_773 : memref<1x2048x64xf32, #tpu.memory_space<hbm>> -> memref<2048x64xf32, #tpu.memory_space<hbm>>
    %dma_wait3A_775 = arith.constant 0 : i32
    %dma_wait3A_776 = tpu.memref_slice %arg4[%sub3A_223, %dma_wait3A_775] : memref<4095x64xf32, #tpu.memory_space<vmem>> -> memref<2048x64xf32, #tpu.memory_space<vmem>>
    tpu.wait_dma2 semaphore(%arg5 : memref<!tpu.dma_semaphore, #tpu.memory_space<semaphore_mem>>) src(%dma_wait3A_776 : memref<2048x64xf32, #tpu.memory_space<vmem>>) dst(%dma_wait3A_774 : memref<2048x64xf32, #tpu.memory_space<hbm>>)
    %dma_wait3A_777 = arith.constant 0 : i32
    %dma_wait3A_778 = arith.constant 0 : i32
    %dma_wait3A_779 = tpu.memref_slice %arg3[%add3A_231, %dma_wait3A_777, %dma_wait3A_778] : memref<2048x2048x64xf32, #tpu.memory_space<hbm>> -> memref<1x2048x64xf32, #tpu.memory_space<hbm>>
    %dma_wait3A_780 = tpu.memref_squeeze %dma_wait3A_779 : memref<1x2048x64xf32, #tpu.memory_space<hbm>> -> memref<2048x64xf32, #tpu.memory_space<hbm>>
    %dma_wait3A_781 = arith.constant 0 : i32
    %dma_wait3A_782 = tpu.memref_slice %arg4[%sub3A_233, %dma_wait3A_781] : memref<4095x64xf32, #tpu.memory_space<vmem>> -> memref<2048x64xf32, #tpu.memory_space<vmem>>
    tpu.wait_dma2 semaphore(%arg5 : memref<!tpu.dma_semaphore, #tpu.memory_space<semaphore_mem>>) src(%dma_wait3A_782 : memref<2048x64xf32, #tpu.memory_space<vmem>>) dst(%dma_wait3A_780 : memref<2048x64xf32, #tpu.memory_space<hbm>>)
    %dma_wait3A_783 = arith.constant 0 : i32
    %dma_wait3A_784 = arith.constant 0 : i32
    %dma_wait3A_785 = tpu.memref_slice %arg3[%add3A_241, %dma_wait3A_783, %dma_wait3A_784] : memref<2048x2048x64xf32, #tpu.memory_space<hbm>> -> memref<1x2048x64xf32, #tpu.memory_space<hbm>>
    %dma_wait3A_786 = tpu.memref_squeeze %dma_wait3A_785 : memref<1x2048x64xf32, #tpu.memory_space<hbm>> -> memref<2048x64xf32, #tpu.memory_space<hbm>>
    %dma_wait3A_787 = arith.constant 0 : i32
    %dma_wait3A_788 = tpu.memref_slice %arg4[%sub3A_243, %dma_wait3A_787] : memref<4095x64xf32, #tpu.memory_space<vmem>> -> memref<2048x64xf32, #tpu.memory_space<vmem>>
    tpu.wait_dma2 semaphore(%arg5 : memref<!tpu.dma_semaphore, #tpu.memory_space<semaphore_mem>>) src(%dma_wait3A_788 : memref<2048x64xf32, #tpu.memory_space<vmem>>) dst(%dma_wait3A_786 : memref<2048x64xf32, #tpu.memory_space<hbm>>)
    %dma_wait3A_789 = arith.constant 0 : i32
    %dma_wait3A_790 = arith.constant 0 : i32
    %dma_wait3A_791 = tpu.memref_slice %arg3[%add3A_251, %dma_wait3A_789, %dma_wait3A_790] : memref<2048x2048x64xf32, #tpu.memory_space<hbm>> -> memref<1x2048x64xf32, #tpu.memory_space<hbm>>
    %dma_wait3A_792 = tpu.memref_squeeze %dma_wait3A_791 : memref<1x2048x64xf32, #tpu.memory_space<hbm>> -> memref<2048x64xf32, #tpu.memory_space<hbm>>
    %dma_wait3A_793 = arith.constant 0 : i32
    %dma_wait3A_794 = tpu.memref_slice %arg4[%sub3A_253, %dma_wait3A_793] : memref<4095x64xf32, #tpu.memory_space<vmem>> -> memref<2048x64xf32, #tpu.memory_space<vmem>>
    tpu.wait_dma2 semaphore(%arg5 : memref<!tpu.dma_semaphore, #tpu.memory_space<semaphore_mem>>) src(%dma_wait3A_794 : memref<2048x64xf32, #tpu.memory_space<vmem>>) dst(%dma_wait3A_792 : memref<2048x64xf32, #tpu.memory_space<hbm>>)
    %dma_wait3A_795 = arith.constant 0 : i32
    %dma_wait3A_796 = arith.constant 0 : i32
    %dma_wait3A_797 = tpu.memref_slice %arg3[%add3A_261, %dma_wait3A_795, %dma_wait3A_796] : memref<2048x2048x64xf32, #tpu.memory_space<hbm>> -> memref<1x2048x64xf32, #tpu.memory_space<hbm>>
    %dma_wait3A_798 = tpu.memref_squeeze %dma_wait3A_797 : memref<1x2048x64xf32, #tpu.memory_space<hbm>> -> memref<2048x64xf32, #tpu.memory_space<hbm>>
    %dma_wait3A_799 = arith.constant 0 : i32
    %dma_wait3A_800 = tpu.memref_slice %arg4[%sub3A_263, %dma_wait3A_799] : memref<4095x64xf32, #tpu.memory_space<vmem>> -> memref<2048x64xf32, #tpu.memory_space<vmem>>
    tpu.wait_dma2 semaphore(%arg5 : memref<!tpu.dma_semaphore, #tpu.memory_space<semaphore_mem>>) src(%dma_wait3A_800 : memref<2048x64xf32, #tpu.memory_space<vmem>>) dst(%dma_wait3A_798 : memref<2048x64xf32, #tpu.memory_space<hbm>>)
    %dma_wait3A_801 = arith.constant 0 : i32
    %dma_wait3A_802 = arith.constant 0 : i32
    %dma_wait3A_803 = tpu.memref_slice %arg3[%add3A_271, %dma_wait3A_801, %dma_wait3A_802] : memref<2048x2048x64xf32, #tpu.memory_space<hbm>> -> memref<1x2048x64xf32, #tpu.memory_space<hbm>>
    %dma_wait3A_804 = tpu.memref_squeeze %dma_wait3A_803 : memref<1x2048x64xf32, #tpu.memory_space<hbm>> -> memref<2048x64xf32, #tpu.memory_space<hbm>>
    %dma_wait3A_805 = arith.constant 0 : i32
    %dma_wait3A_806 = tpu.memref_slice %arg4[%sub3A_273, %dma_wait3A_805] : memref<4095x64xf32, #tpu.memory_space<vmem>> -> memref<2048x64xf32, #tpu.memory_space<vmem>>
    tpu.wait_dma2 semaphore(%arg5 : memref<!tpu.dma_semaphore, #tpu.memory_space<semaphore_mem>>) src(%dma_wait3A_806 : memref<2048x64xf32, #tpu.memory_space<vmem>>) dst(%dma_wait3A_804 : memref<2048x64xf32, #tpu.memory_space<hbm>>)
    %dma_wait3A_807 = arith.constant 0 : i32
    %dma_wait3A_808 = arith.constant 0 : i32
    %dma_wait3A_809 = tpu.memref_slice %arg3[%add3A_281, %dma_wait3A_807, %dma_wait3A_808] : memref<2048x2048x64xf32, #tpu.memory_space<hbm>> -> memref<1x2048x64xf32, #tpu.memory_space<hbm>>
    %dma_wait3A_810 = tpu.memref_squeeze %dma_wait3A_809 : memref<1x2048x64xf32, #tpu.memory_space<hbm>> -> memref<2048x64xf32, #tpu.memory_space<hbm>>
    %dma_wait3A_811 = arith.constant 0 : i32
    %dma_wait3A_812 = tpu.memref_slice %arg4[%sub3A_283, %dma_wait3A_811] : memref<4095x64xf32, #tpu.memory_space<vmem>> -> memref<2048x64xf32, #tpu.memory_space<vmem>>
    tpu.wait_dma2 semaphore(%arg5 : memref<!tpu.dma_semaphore, #tpu.memory_space<semaphore_mem>>) src(%dma_wait3A_812 : memref<2048x64xf32, #tpu.memory_space<vmem>>) dst(%dma_wait3A_810 : memref<2048x64xf32, #tpu.memory_space<hbm>>)
    %dma_wait3A_813 = arith.constant 0 : i32
    %dma_wait3A_814 = arith.constant 0 : i32
    %dma_wait3A_815 = tpu.memref_slice %arg3[%add3A_291, %dma_wait3A_813, %dma_wait3A_814] : memref<2048x2048x64xf32, #tpu.memory_space<hbm>> -> memref<1x2048x64xf32, #tpu.memory_space<hbm>>
    %dma_wait3A_816 = tpu.memref_squeeze %dma_wait3A_815 : memref<1x2048x64xf32, #tpu.memory_space<hbm>> -> memref<2048x64xf32, #tpu.memory_space<hbm>>
    %dma_wait3A_817 = arith.constant 0 : i32
    %dma_wait3A_818 = tpu.memref_slice %arg4[%sub3A_293, %dma_wait3A_817] : memref<4095x64xf32, #tpu.memory_space<vmem>> -> memref<2048x64xf32, #tpu.memory_space<vmem>>
    tpu.wait_dma2 semaphore(%arg5 : memref<!tpu.dma_semaphore, #tpu.memory_space<semaphore_mem>>) src(%dma_wait3A_818 : memref<2048x64xf32, #tpu.memory_space<vmem>>) dst(%dma_wait3A_816 : memref<2048x64xf32, #tpu.memory_space<hbm>>)
    %dma_wait3A_819 = arith.constant 0 : i32
    %dma_wait3A_820 = arith.constant 0 : i32
    %dma_wait3A_821 = tpu.memref_slice %arg3[%add3A_301, %dma_wait3A_819, %dma_wait3A_820] : memref<2048x2048x64xf32, #tpu.memory_space<hbm>> -> memref<1x2048x64xf32, #tpu.memory_space<hbm>>
    %dma_wait3A_822 = tpu.memref_squeeze %dma_wait3A_821 : memref<1x2048x64xf32, #tpu.memory_space<hbm>> -> memref<2048x64xf32, #tpu.memory_space<hbm>>
    %dma_wait3A_823 = arith.constant 0 : i32
    %dma_wait3A_824 = tpu.memref_slice %arg4[%sub3A_303, %dma_wait3A_823] : memref<4095x64xf32, #tpu.memory_space<vmem>> -> memref<2048x64xf32, #tpu.memory_space<vmem>>
    tpu.wait_dma2 semaphore(%arg5 : memref<!tpu.dma_semaphore, #tpu.memory_space<semaphore_mem>>) src(%dma_wait3A_824 : memref<2048x64xf32, #tpu.memory_space<vmem>>) dst(%dma_wait3A_822 : memref<2048x64xf32, #tpu.memory_space<hbm>>)
    %dma_wait3A_825 = arith.constant 0 : i32
    %dma_wait3A_826 = arith.constant 0 : i32
    %dma_wait3A_827 = tpu.memref_slice %arg3[%add3A_311, %dma_wait3A_825, %dma_wait3A_826] : memref<2048x2048x64xf32, #tpu.memory_space<hbm>> -> memref<1x2048x64xf32, #tpu.memory_space<hbm>>
    %dma_wait3A_828 = tpu.memref_squeeze %dma_wait3A_827 : memref<1x2048x64xf32, #tpu.memory_space<hbm>> -> memref<2048x64xf32, #tpu.memory_space<hbm>>
    %dma_wait3A_829 = arith.constant 0 : i32
    %dma_wait3A_830 = tpu.memref_slice %arg4[%sub3A_313, %dma_wait3A_829] : memref<4095x64xf32, #tpu.memory_space<vmem>> -> memref<2048x64xf32, #tpu.memory_space<vmem>>
    tpu.wait_dma2 semaphore(%arg5 : memref<!tpu.dma_semaphore, #tpu.memory_space<semaphore_mem>>) src(%dma_wait3A_830 : memref<2048x64xf32, #tpu.memory_space<vmem>>) dst(%dma_wait3A_828 : memref<2048x64xf32, #tpu.memory_space<hbm>>)
    %dma_wait3A_831 = arith.constant 0 : i32
    %dma_wait3A_832 = arith.constant 0 : i32
    %dma_wait3A_833 = tpu.memref_slice %arg3[%add3A_321, %dma_wait3A_831, %dma_wait3A_832] : memref<2048x2048x64xf32, #tpu.memory_space<hbm>> -> memref<1x2048x64xf32, #tpu.memory_space<hbm>>
    %dma_wait3A_834 = tpu.memref_squeeze %dma_wait3A_833 : memref<1x2048x64xf32, #tpu.memory_space<hbm>> -> memref<2048x64xf32, #tpu.memory_space<hbm>>
    %dma_wait3A_835 = arith.constant 0 : i32
    %dma_wait3A_836 = tpu.memref_slice %arg4[%sub3A_323, %dma_wait3A_835] : memref<4095x64xf32, #tpu.memory_space<vmem>> -> memref<2048x64xf32, #tpu.memory_space<vmem>>
    tpu.wait_dma2 semaphore(%arg5 : memref<!tpu.dma_semaphore, #tpu.memory_space<semaphore_mem>>) src(%dma_wait3A_836 : memref<2048x64xf32, #tpu.memory_space<vmem>>) dst(%dma_wait3A_834 : memref<2048x64xf32, #tpu.memory_space<hbm>>)
    %dma_wait3A_837 = arith.constant 0 : i32
    %dma_wait3A_838 = arith.constant 0 : i32
    %dma_wait3A_839 = tpu.memref_slice %arg3[%add3A_331, %dma_wait3A_837, %dma_wait3A_838] : memref<2048x2048x64xf32, #tpu.memory_space<hbm>> -> memref<1x2048x64xf32, #tpu.memory_space<hbm>>
    %dma_wait3A_840 = tpu.memref_squeeze %dma_wait3A_839 : memref<1x2048x64xf32, #tpu.memory_space<hbm>> -> memref<2048x64xf32, #tpu.memory_space<hbm>>
    %dma_wait3A_841 = arith.constant 0 : i32
    %dma_wait3A_842 = tpu.memref_slice %arg4[%sub3A_333, %dma_wait3A_841] : memref<4095x64xf32, #tpu.memory_space<vmem>> -> memref<2048x64xf32, #tpu.memory_space<vmem>>
    tpu.wait_dma2 semaphore(%arg5 : memref<!tpu.dma_semaphore, #tpu.memory_space<semaphore_mem>>) src(%dma_wait3A_842 : memref<2048x64xf32, #tpu.memory_space<vmem>>) dst(%dma_wait3A_840 : memref<2048x64xf32, #tpu.memory_space<hbm>>)
    %dma_wait3A_843 = arith.constant 0 : i32
    %dma_wait3A_844 = arith.constant 0 : i32
    %dma_wait3A_845 = tpu.memref_slice %arg3[%add3A_341, %dma_wait3A_843, %dma_wait3A_844] : memref<2048x2048x64xf32, #tpu.memory_space<hbm>> -> memref<1x2048x64xf32, #tpu.memory_space<hbm>>
    %dma_wait3A_846 = tpu.memref_squeeze %dma_wait3A_845 : memref<1x2048x64xf32, #tpu.memory_space<hbm>> -> memref<2048x64xf32, #tpu.memory_space<hbm>>
    %dma_wait3A_847 = arith.constant 0 : i32
    %dma_wait3A_848 = tpu.memref_slice %arg4[%sub3A_343, %dma_wait3A_847] : memref<4095x64xf32, #tpu.memory_space<vmem>> -> memref<2048x64xf32, #tpu.memory_space<vmem>>
    tpu.wait_dma2 semaphore(%arg5 : memref<!tpu.dma_semaphore, #tpu.memory_space<semaphore_mem>>) src(%dma_wait3A_848 : memref<2048x64xf32, #tpu.memory_space<vmem>>) dst(%dma_wait3A_846 : memref<2048x64xf32, #tpu.memory_space<hbm>>)
    %dma_wait3A_849 = arith.constant 0 : i32
    %dma_wait3A_850 = arith.constant 0 : i32
    %dma_wait3A_851 = tpu.memref_slice %arg3[%add3A_351, %dma_wait3A_849, %dma_wait3A_850] : memref<2048x2048x64xf32, #tpu.memory_space<hbm>> -> memref<1x2048x64xf32, #tpu.memory_space<hbm>>
    %dma_wait3A_852 = tpu.memref_squeeze %dma_wait3A_851 : memref<1x2048x64xf32, #tpu.memory_space<hbm>> -> memref<2048x64xf32, #tpu.memory_space<hbm>>
    %dma_wait3A_853 = arith.constant 0 : i32
    %dma_wait3A_854 = tpu.memref_slice %arg4[%sub3A_353, %dma_wait3A_853] : memref<4095x64xf32, #tpu.memory_space<vmem>> -> memref<2048x64xf32, #tpu.memory_space<vmem>>
    tpu.wait_dma2 semaphore(%arg5 : memref<!tpu.dma_semaphore, #tpu.memory_space<semaphore_mem>>) src(%dma_wait3A_854 : memref<2048x64xf32, #tpu.memory_space<vmem>>) dst(%dma_wait3A_852 : memref<2048x64xf32, #tpu.memory_space<hbm>>)
    %dma_wait3A_855 = arith.constant 0 : i32
    %dma_wait3A_856 = arith.constant 0 : i32
    %dma_wait3A_857 = tpu.memref_slice %arg3[%add3A_361, %dma_wait3A_855, %dma_wait3A_856] : memref<2048x2048x64xf32, #tpu.memory_space<hbm>> -> memref<1x2048x64xf32, #tpu.memory_space<hbm>>
    %dma_wait3A_858 = tpu.memref_squeeze %dma_wait3A_857 : memref<1x2048x64xf32, #tpu.memory_space<hbm>> -> memref<2048x64xf32, #tpu.memory_space<hbm>>
    %dma_wait3A_859 = arith.constant 0 : i32
    %dma_wait3A_860 = tpu.memref_slice %arg4[%sub3A_363, %dma_wait3A_859] : memref<4095x64xf32, #tpu.memory_space<vmem>> -> memref<2048x64xf32, #tpu.memory_space<vmem>>
    tpu.wait_dma2 semaphore(%arg5 : memref<!tpu.dma_semaphore, #tpu.memory_space<semaphore_mem>>) src(%dma_wait3A_860 : memref<2048x64xf32, #tpu.memory_space<vmem>>) dst(%dma_wait3A_858 : memref<2048x64xf32, #tpu.memory_space<hbm>>)
    %dma_wait3A_861 = arith.constant 0 : i32
    %dma_wait3A_862 = arith.constant 0 : i32
    %dma_wait3A_863 = tpu.memref_slice %arg3[%add3A_371, %dma_wait3A_861, %dma_wait3A_862] : memref<2048x2048x64xf32, #tpu.memory_space<hbm>> -> memref<1x2048x64xf32, #tpu.memory_space<hbm>>
    %dma_wait3A_864 = tpu.memref_squeeze %dma_wait3A_863 : memref<1x2048x64xf32, #tpu.memory_space<hbm>> -> memref<2048x64xf32, #tpu.memory_space<hbm>>
    %dma_wait3A_865 = arith.constant 0 : i32
    %dma_wait3A_866 = tpu.memref_slice %arg4[%sub3A_373, %dma_wait3A_865] : memref<4095x64xf32, #tpu.memory_space<vmem>> -> memref<2048x64xf32, #tpu.memory_space<vmem>>
    tpu.wait_dma2 semaphore(%arg5 : memref<!tpu.dma_semaphore, #tpu.memory_space<semaphore_mem>>) src(%dma_wait3A_866 : memref<2048x64xf32, #tpu.memory_space<vmem>>) dst(%dma_wait3A_864 : memref<2048x64xf32, #tpu.memory_space<hbm>>)
    %dma_wait3A_867 = arith.constant 0 : i32
    %dma_wait3A_868 = arith.constant 0 : i32
    %dma_wait3A_869 = tpu.memref_slice %arg3[%add3A_381, %dma_wait3A_867, %dma_wait3A_868] : memref<2048x2048x64xf32, #tpu.memory_space<hbm>> -> memref<1x2048x64xf32, #tpu.memory_space<hbm>>
    %dma_wait3A_870 = tpu.memref_squeeze %dma_wait3A_869 : memref<1x2048x64xf32, #tpu.memory_space<hbm>> -> memref<2048x64xf32, #tpu.memory_space<hbm>>
    %dma_wait3A_871 = arith.constant 0 : i32
    %dma_wait3A_872 = tpu.memref_slice %arg4[%sub3A_383, %dma_wait3A_871] : memref<4095x64xf32, #tpu.memory_space<vmem>> -> memref<2048x64xf32, #tpu.memory_space<vmem>>
    tpu.wait_dma2 semaphore(%arg5 : memref<!tpu.dma_semaphore, #tpu.memory_space<semaphore_mem>>) src(%dma_wait3A_872 : memref<2048x64xf32, #tpu.memory_space<vmem>>) dst(%dma_wait3A_870 : memref<2048x64xf32, #tpu.memory_space<hbm>>)
    %dma_wait3A_873 = arith.constant 0 : i32
    %dma_wait3A_874 = arith.constant 0 : i32
    %dma_wait3A_875 = tpu.memref_slice %arg3[%add3A_391, %dma_wait3A_873, %dma_wait3A_874] : memref<2048x2048x64xf32, #tpu.memory_space<hbm>> -> memref<1x2048x64xf32, #tpu.memory_space<hbm>>
    %dma_wait3A_876 = tpu.memref_squeeze %dma_wait3A_875 : memref<1x2048x64xf32, #tpu.memory_space<hbm>> -> memref<2048x64xf32, #tpu.memory_space<hbm>>
    %dma_wait3A_877 = arith.constant 0 : i32
    %dma_wait3A_878 = tpu.memref_slice %arg4[%sub3A_393, %dma_wait3A_877] : memref<4095x64xf32, #tpu.memory_space<vmem>> -> memref<2048x64xf32, #tpu.memory_space<vmem>>
    tpu.wait_dma2 semaphore(%arg5 : memref<!tpu.dma_semaphore, #tpu.memory_space<semaphore_mem>>) src(%dma_wait3A_878 : memref<2048x64xf32, #tpu.memory_space<vmem>>) dst(%dma_wait3A_876 : memref<2048x64xf32, #tpu.memory_space<hbm>>)
    %dma_wait3A_879 = arith.constant 0 : i32
    %dma_wait3A_880 = arith.constant 0 : i32
    %dma_wait3A_881 = tpu.memref_slice %arg3[%add3A_401, %dma_wait3A_879, %dma_wait3A_880] : memref<2048x2048x64xf32, #tpu.memory_space<hbm>> -> memref<1x2048x64xf32, #tpu.memory_space<hbm>>
    %dma_wait3A_882 = tpu.memref_squeeze %dma_wait3A_881 : memref<1x2048x64xf32, #tpu.memory_space<hbm>> -> memref<2048x64xf32, #tpu.memory_space<hbm>>
    %dma_wait3A_883 = arith.constant 0 : i32
    %dma_wait3A_884 = tpu.memref_slice %arg4[%sub3A_403, %dma_wait3A_883] : memref<4095x64xf32, #tpu.memory_space<vmem>> -> memref<2048x64xf32, #tpu.memory_space<vmem>>
    tpu.wait_dma2 semaphore(%arg5 : memref<!tpu.dma_semaphore, #tpu.memory_space<semaphore_mem>>) src(%dma_wait3A_884 : memref<2048x64xf32, #tpu.memory_space<vmem>>) dst(%dma_wait3A_882 : memref<2048x64xf32, #tpu.memory_space<hbm>>)
    %dma_wait3A_885 = arith.constant 0 : i32
    %dma_wait3A_886 = arith.constant 0 : i32
    %dma_wait3A_887 = tpu.memref_slice %arg3[%add3A_411, %dma_wait3A_885, %dma_wait3A_886] : memref<2048x2048x64xf32, #tpu.memory_space<hbm>> -> memref<1x2048x64xf32, #tpu.memory_space<hbm>>
    %dma_wait3A_888 = tpu.memref_squeeze %dma_wait3A_887 : memref<1x2048x64xf32, #tpu.memory_space<hbm>> -> memref<2048x64xf32, #tpu.memory_space<hbm>>
    %dma_wait3A_889 = arith.constant 0 : i32
    %dma_wait3A_890 = tpu.memref_slice %arg4[%sub3A_413, %dma_wait3A_889] : memref<4095x64xf32, #tpu.memory_space<vmem>> -> memref<2048x64xf32, #tpu.memory_space<vmem>>
    tpu.wait_dma2 semaphore(%arg5 : memref<!tpu.dma_semaphore, #tpu.memory_space<semaphore_mem>>) src(%dma_wait3A_890 : memref<2048x64xf32, #tpu.memory_space<vmem>>) dst(%dma_wait3A_888 : memref<2048x64xf32, #tpu.memory_space<hbm>>)
    %dma_wait3A_891 = arith.constant 0 : i32
    %dma_wait3A_892 = arith.constant 0 : i32
    %dma_wait3A_893 = tpu.memref_slice %arg3[%add3A_421, %dma_wait3A_891, %dma_wait3A_892] : memref<2048x2048x64xf32, #tpu.memory_space<hbm>> -> memref<1x2048x64xf32, #tpu.memory_space<hbm>>
    %dma_wait3A_894 = tpu.memref_squeeze %dma_wait3A_893 : memref<1x2048x64xf32, #tpu.memory_space<hbm>> -> memref<2048x64xf32, #tpu.memory_space<hbm>>
    %dma_wait3A_895 = arith.constant 0 : i32
    %dma_wait3A_896 = tpu.memref_slice %arg4[%sub3A_423, %dma_wait3A_895] : memref<4095x64xf32, #tpu.memory_space<vmem>> -> memref<2048x64xf32, #tpu.memory_space<vmem>>
    tpu.wait_dma2 semaphore(%arg5 : memref<!tpu.dma_semaphore, #tpu.memory_space<semaphore_mem>>) src(%dma_wait3A_896 : memref<2048x64xf32, #tpu.memory_space<vmem>>) dst(%dma_wait3A_894 : memref<2048x64xf32, #tpu.memory_space<hbm>>)
    %dma_wait3A_897 = arith.constant 0 : i32
    %dma_wait3A_898 = arith.constant 0 : i32
    %dma_wait3A_899 = tpu.memref_slice %arg3[%add3A_431, %dma_wait3A_897, %dma_wait3A_898] : memref<2048x2048x64xf32, #tpu.memory_space<hbm>> -> memref<1x2048x64xf32, #tpu.memory_space<hbm>>
    %dma_wait3A_900 = tpu.memref_squeeze %dma_wait3A_899 : memref<1x2048x64xf32, #tpu.memory_space<hbm>> -> memref<2048x64xf32, #tpu.memory_space<hbm>>
    %dma_wait3A_901 = arith.constant 0 : i32
    %dma_wait3A_902 = tpu.memref_slice %arg4[%sub3A_433, %dma_wait3A_901] : memref<4095x64xf32, #tpu.memory_space<vmem>> -> memref<2048x64xf32, #tpu.memory_space<vmem>>
    tpu.wait_dma2 semaphore(%arg5 : memref<!tpu.dma_semaphore, #tpu.memory_space<semaphore_mem>>) src(%dma_wait3A_902 : memref<2048x64xf32, #tpu.memory_space<vmem>>) dst(%dma_wait3A_900 : memref<2048x64xf32, #tpu.memory_space<hbm>>)
    %dma_wait3A_903 = arith.constant 0 : i32
    %dma_wait3A_904 = arith.constant 0 : i32
    %dma_wait3A_905 = tpu.memref_slice %arg3[%add3A_441, %dma_wait3A_903, %dma_wait3A_904] : memref<2048x2048x64xf32, #tpu.memory_space<hbm>> -> memref<1x2048x64xf32, #tpu.memory_space<hbm>>
    %dma_wait3A_906 = tpu.memref_squeeze %dma_wait3A_905 : memref<1x2048x64xf32, #tpu.memory_space<hbm>> -> memref<2048x64xf32, #tpu.memory_space<hbm>>
    %dma_wait3A_907 = arith.constant 0 : i32
    %dma_wait3A_908 = tpu.memref_slice %arg4[%sub3A_443, %dma_wait3A_907] : memref<4095x64xf32, #tpu.memory_space<vmem>> -> memref<2048x64xf32, #tpu.memory_space<vmem>>
    tpu.wait_dma2 semaphore(%arg5 : memref<!tpu.dma_semaphore, #tpu.memory_space<semaphore_mem>>) src(%dma_wait3A_908 : memref<2048x64xf32, #tpu.memory_space<vmem>>) dst(%dma_wait3A_906 : memref<2048x64xf32, #tpu.memory_space<hbm>>)
    %dma_wait3A_909 = arith.constant 0 : i32
    %dma_wait3A_910 = arith.constant 0 : i32
    %dma_wait3A_911 = tpu.memref_slice %arg3[%add3A_451, %dma_wait3A_909, %dma_wait3A_910] : memref<2048x2048x64xf32, #tpu.memory_space<hbm>> -> memref<1x2048x64xf32, #tpu.memory_space<hbm>>
    %dma_wait3A_912 = tpu.memref_squeeze %dma_wait3A_911 : memref<1x2048x64xf32, #tpu.memory_space<hbm>> -> memref<2048x64xf32, #tpu.memory_space<hbm>>
    %dma_wait3A_913 = arith.constant 0 : i32
    %dma_wait3A_914 = tpu.memref_slice %arg4[%sub3A_453, %dma_wait3A_913] : memref<4095x64xf32, #tpu.memory_space<vmem>> -> memref<2048x64xf32, #tpu.memory_space<vmem>>
    tpu.wait_dma2 semaphore(%arg5 : memref<!tpu.dma_semaphore, #tpu.memory_space<semaphore_mem>>) src(%dma_wait3A_914 : memref<2048x64xf32, #tpu.memory_space<vmem>>) dst(%dma_wait3A_912 : memref<2048x64xf32, #tpu.memory_space<hbm>>)
    %dma_wait3A_915 = arith.constant 0 : i32
    %dma_wait3A_916 = arith.constant 0 : i32
    %dma_wait3A_917 = tpu.memref_slice %arg3[%add3A_461, %dma_wait3A_915, %dma_wait3A_916] : memref<2048x2048x64xf32, #tpu.memory_space<hbm>> -> memref<1x2048x64xf32, #tpu.memory_space<hbm>>
    %dma_wait3A_918 = tpu.memref_squeeze %dma_wait3A_917 : memref<1x2048x64xf32, #tpu.memory_space<hbm>> -> memref<2048x64xf32, #tpu.memory_space<hbm>>
    %dma_wait3A_919 = arith.constant 0 : i32
    %dma_wait3A_920 = tpu.memref_slice %arg4[%sub3A_463, %dma_wait3A_919] : memref<4095x64xf32, #tpu.memory_space<vmem>> -> memref<2048x64xf32, #tpu.memory_space<vmem>>
    tpu.wait_dma2 semaphore(%arg5 : memref<!tpu.dma_semaphore, #tpu.memory_space<semaphore_mem>>) src(%dma_wait3A_920 : memref<2048x64xf32, #tpu.memory_space<vmem>>) dst(%dma_wait3A_918 : memref<2048x64xf32, #tpu.memory_space<hbm>>)
    %dma_wait3A_921 = arith.constant 0 : i32
    %dma_wait3A_922 = arith.constant 0 : i32
    %dma_wait3A_923 = tpu.memref_slice %arg3[%add3A_471, %dma_wait3A_921, %dma_wait3A_922] : memref<2048x2048x64xf32, #tpu.memory_space<hbm>> -> memref<1x2048x64xf32, #tpu.memory_space<hbm>>
    %dma_wait3A_924 = tpu.memref_squeeze %dma_wait3A_923 : memref<1x2048x64xf32, #tpu.memory_space<hbm>> -> memref<2048x64xf32, #tpu.memory_space<hbm>>
    %dma_wait3A_925 = arith.constant 0 : i32
    %dma_wait3A_926 = tpu.memref_slice %arg4[%sub3A_473, %dma_wait3A_925] : memref<4095x64xf32, #tpu.memory_space<vmem>> -> memref<2048x64xf32, #tpu.memory_space<vmem>>
    tpu.wait_dma2 semaphore(%arg5 : memref<!tpu.dma_semaphore, #tpu.memory_space<semaphore_mem>>) src(%dma_wait3A_926 : memref<2048x64xf32, #tpu.memory_space<vmem>>) dst(%dma_wait3A_924 : memref<2048x64xf32, #tpu.memory_space<hbm>>)
    %dma_wait3A_927 = arith.constant 0 : i32
    %dma_wait3A_928 = arith.constant 0 : i32
    %dma_wait3A_929 = tpu.memref_slice %arg3[%add3A_481, %dma_wait3A_927, %dma_wait3A_928] : memref<2048x2048x64xf32, #tpu.memory_space<hbm>> -> memref<1x2048x64xf32, #tpu.memory_space<hbm>>
    %dma_wait3A_930 = tpu.memref_squeeze %dma_wait3A_929 : memref<1x2048x64xf32, #tpu.memory_space<hbm>> -> memref<2048x64xf32, #tpu.memory_space<hbm>>
    %dma_wait3A_931 = arith.constant 0 : i32
    %dma_wait3A_932 = tpu.memref_slice %arg4[%sub3A_483, %dma_wait3A_931] : memref<4095x64xf32, #tpu.memory_space<vmem>> -> memref<2048x64xf32, #tpu.memory_space<vmem>>
    tpu.wait_dma2 semaphore(%arg5 : memref<!tpu.dma_semaphore, #tpu.memory_space<semaphore_mem>>) src(%dma_wait3A_932 : memref<2048x64xf32, #tpu.memory_space<vmem>>) dst(%dma_wait3A_930 : memref<2048x64xf32, #tpu.memory_space<hbm>>)
    %dma_wait3A_933 = arith.constant 0 : i32
    %dma_wait3A_934 = arith.constant 0 : i32
    %dma_wait3A_935 = tpu.memref_slice %arg3[%add3A_491, %dma_wait3A_933, %dma_wait3A_934] : memref<2048x2048x64xf32, #tpu.memory_space<hbm>> -> memref<1x2048x64xf32, #tpu.memory_space<hbm>>
    %dma_wait3A_936 = tpu.memref_squeeze %dma_wait3A_935 : memref<1x2048x64xf32, #tpu.memory_space<hbm>> -> memref<2048x64xf32, #tpu.memory_space<hbm>>
    %dma_wait3A_937 = arith.constant 0 : i32
    %dma_wait3A_938 = tpu.memref_slice %arg4[%sub3A_493, %dma_wait3A_937] : memref<4095x64xf32, #tpu.memory_space<vmem>> -> memref<2048x64xf32, #tpu.memory_space<vmem>>
    tpu.wait_dma2 semaphore(%arg5 : memref<!tpu.dma_semaphore, #tpu.memory_space<semaphore_mem>>) src(%dma_wait3A_938 : memref<2048x64xf32, #tpu.memory_space<vmem>>) dst(%dma_wait3A_936 : memref<2048x64xf32, #tpu.memory_space<hbm>>)
    %dma_wait3A_939 = arith.constant 0 : i32
    %dma_wait3A_940 = arith.constant 0 : i32
    %dma_wait3A_941 = tpu.memref_slice %arg3[%add3A_501, %dma_wait3A_939, %dma_wait3A_940] : memref<2048x2048x64xf32, #tpu.memory_space<hbm>> -> memref<1x2048x64xf32, #tpu.memory_space<hbm>>
    %dma_wait3A_942 = tpu.memref_squeeze %dma_wait3A_941 : memref<1x2048x64xf32, #tpu.memory_space<hbm>> -> memref<2048x64xf32, #tpu.memory_space<hbm>>
    %dma_wait3A_943 = arith.constant 0 : i32
    %dma_wait3A_944 = tpu.memref_slice %arg4[%sub3A_503, %dma_wait3A_943] : memref<4095x64xf32, #tpu.memory_space<vmem>> -> memref<2048x64xf32, #tpu.memory_space<vmem>>
    tpu.wait_dma2 semaphore(%arg5 : memref<!tpu.dma_semaphore, #tpu.memory_space<semaphore_mem>>) src(%dma_wait3A_944 : memref<2048x64xf32, #tpu.memory_space<vmem>>) dst(%dma_wait3A_942 : memref<2048x64xf32, #tpu.memory_space<hbm>>)
    %dma_wait3A_945 = arith.constant 0 : i32
    %dma_wait3A_946 = arith.constant 0 : i32
    %dma_wait3A_947 = tpu.memref_slice %arg3[%add3A_511, %dma_wait3A_945, %dma_wait3A_946] : memref<2048x2048x64xf32, #tpu.memory_space<hbm>> -> memref<1x2048x64xf32, #tpu.memory_space<hbm>>
    %dma_wait3A_948 = tpu.memref_squeeze %dma_wait3A_947 : memref<1x2048x64xf32, #tpu.memory_space<hbm>> -> memref<2048x64xf32, #tpu.memory_space<hbm>>
    %dma_wait3A_949 = arith.constant 0 : i32
    %dma_wait3A_950 = tpu.memref_slice %arg4[%sub3A_513, %dma_wait3A_949] : memref<4095x64xf32, #tpu.memory_space<vmem>> -> memref<2048x64xf32, #tpu.memory_space<vmem>>
    tpu.wait_dma2 semaphore(%arg5 : memref<!tpu.dma_semaphore, #tpu.memory_space<semaphore_mem>>) src(%dma_wait3A_950 : memref<2048x64xf32, #tpu.memory_space<vmem>>) dst(%dma_wait3A_948 : memref<2048x64xf32, #tpu.memory_space<hbm>>)
    %dma_wait3A_951 = arith.constant 0 : i32
    %dma_wait3A_952 = arith.constant 0 : i32
    %dma_wait3A_953 = tpu.memref_slice %arg3[%add3A_521, %dma_wait3A_951, %dma_wait3A_952] : memref<2048x2048x64xf32, #tpu.memory_space<hbm>> -> memref<1x2048x64xf32, #tpu.memory_space<hbm>>
    %dma_wait3A_954 = tpu.memref_squeeze %dma_wait3A_953 : memref<1x2048x64xf32, #tpu.memory_space<hbm>> -> memref<2048x64xf32, #tpu.memory_space<hbm>>
    %dma_wait3A_955 = arith.constant 0 : i32
    %dma_wait3A_956 = tpu.memref_slice %arg4[%sub3A_523, %dma_wait3A_955] : memref<4095x64xf32, #tpu.memory_space<vmem>> -> memref<2048x64xf32, #tpu.memory_space<vmem>>
    tpu.wait_dma2 semaphore(%arg5 : memref<!tpu.dma_semaphore, #tpu.memory_space<semaphore_mem>>) src(%dma_wait3A_956 : memref<2048x64xf32, #tpu.memory_space<vmem>>) dst(%dma_wait3A_954 : memref<2048x64xf32, #tpu.memory_space<hbm>>)
    %dma_wait3A_957 = arith.constant 0 : i32
    %dma_wait3A_958 = arith.constant 0 : i32
    %dma_wait3A_959 = tpu.memref_slice %arg3[%add3A_531, %dma_wait3A_957, %dma_wait3A_958] : memref<2048x2048x64xf32, #tpu.memory_space<hbm>> -> memref<1x2048x64xf32, #tpu.memory_space<hbm>>
    %dma_wait3A_960 = tpu.memref_squeeze %dma_wait3A_959 : memref<1x2048x64xf32, #tpu.memory_space<hbm>> -> memref<2048x64xf32, #tpu.memory_space<hbm>>
    %dma_wait3A_961 = arith.constant 0 : i32
    %dma_wait3A_962 = tpu.memref_slice %arg4[%sub3A_533, %dma_wait3A_961] : memref<4095x64xf32, #tpu.memory_space<vmem>> -> memref<2048x64xf32, #tpu.memory_space<vmem>>
    tpu.wait_dma2 semaphore(%arg5 : memref<!tpu.dma_semaphore, #tpu.memory_space<semaphore_mem>>) src(%dma_wait3A_962 : memref<2048x64xf32, #tpu.memory_space<vmem>>) dst(%dma_wait3A_960 : memref<2048x64xf32, #tpu.memory_space<hbm>>)
    %dma_wait3A_963 = arith.constant 0 : i32
    %dma_wait3A_964 = arith.constant 0 : i32
    %dma_wait3A_965 = tpu.memref_slice %arg3[%add3A_541, %dma_wait3A_963, %dma_wait3A_964] : memref<2048x2048x64xf32, #tpu.memory_space<hbm>> -> memref<1x2048x64xf32, #tpu.memory_space<hbm>>
    %dma_wait3A_966 = tpu.memref_squeeze %dma_wait3A_965 : memref<1x2048x64xf32, #tpu.memory_space<hbm>> -> memref<2048x64xf32, #tpu.memory_space<hbm>>
    %dma_wait3A_967 = arith.constant 0 : i32
    %dma_wait3A_968 = tpu.memref_slice %arg4[%sub3A_543, %dma_wait3A_967] : memref<4095x64xf32, #tpu.memory_space<vmem>> -> memref<2048x64xf32, #tpu.memory_space<vmem>>
    tpu.wait_dma2 semaphore(%arg5 : memref<!tpu.dma_semaphore, #tpu.memory_space<semaphore_mem>>) src(%dma_wait3A_968 : memref<2048x64xf32, #tpu.memory_space<vmem>>) dst(%dma_wait3A_966 : memref<2048x64xf32, #tpu.memory_space<hbm>>)
    %dma_wait3A_969 = arith.constant 0 : i32
    %dma_wait3A_970 = arith.constant 0 : i32
    %dma_wait3A_971 = tpu.memref_slice %arg3[%add3A_551, %dma_wait3A_969, %dma_wait3A_970] : memref<2048x2048x64xf32, #tpu.memory_space<hbm>> -> memref<1x2048x64xf32, #tpu.memory_space<hbm>>
    %dma_wait3A_972 = tpu.memref_squeeze %dma_wait3A_971 : memref<1x2048x64xf32, #tpu.memory_space<hbm>> -> memref<2048x64xf32, #tpu.memory_space<hbm>>
    %dma_wait3A_973 = arith.constant 0 : i32
    %dma_wait3A_974 = tpu.memref_slice %arg4[%sub3A_553, %dma_wait3A_973] : memref<4095x64xf32, #tpu.memory_space<vmem>> -> memref<2048x64xf32, #tpu.memory_space<vmem>>
    tpu.wait_dma2 semaphore(%arg5 : memref<!tpu.dma_semaphore, #tpu.memory_space<semaphore_mem>>) src(%dma_wait3A_974 : memref<2048x64xf32, #tpu.memory_space<vmem>>) dst(%dma_wait3A_972 : memref<2048x64xf32, #tpu.memory_space<hbm>>)
    %dma_wait3A_975 = arith.constant 0 : i32
    %dma_wait3A_976 = arith.constant 0 : i32
    %dma_wait3A_977 = tpu.memref_slice %arg3[%add3A_561, %dma_wait3A_975, %dma_wait3A_976] : memref<2048x2048x64xf32, #tpu.memory_space<hbm>> -> memref<1x2048x64xf32, #tpu.memory_space<hbm>>
    %dma_wait3A_978 = tpu.memref_squeeze %dma_wait3A_977 : memref<1x2048x64xf32, #tpu.memory_space<hbm>> -> memref<2048x64xf32, #tpu.memory_space<hbm>>
    %dma_wait3A_979 = arith.constant 0 : i32
    %dma_wait3A_980 = tpu.memref_slice %arg4[%sub3A_563, %dma_wait3A_979] : memref<4095x64xf32, #tpu.memory_space<vmem>> -> memref<2048x64xf32, #tpu.memory_space<vmem>>
    tpu.wait_dma2 semaphore(%arg5 : memref<!tpu.dma_semaphore, #tpu.memory_space<semaphore_mem>>) src(%dma_wait3A_980 : memref<2048x64xf32, #tpu.memory_space<vmem>>) dst(%dma_wait3A_978 : memref<2048x64xf32, #tpu.memory_space<hbm>>)
    %dma_wait3A_981 = arith.constant 0 : i32
    %dma_wait3A_982 = arith.constant 0 : i32
    %dma_wait3A_983 = tpu.memref_slice %arg3[%add3A_571, %dma_wait3A_981, %dma_wait3A_982] : memref<2048x2048x64xf32, #tpu.memory_space<hbm>> -> memref<1x2048x64xf32, #tpu.memory_space<hbm>>
    %dma_wait3A_984 = tpu.memref_squeeze %dma_wait3A_983 : memref<1x2048x64xf32, #tpu.memory_space<hbm>> -> memref<2048x64xf32, #tpu.memory_space<hbm>>
    %dma_wait3A_985 = arith.constant 0 : i32
    %dma_wait3A_986 = tpu.memref_slice %arg4[%sub3A_573, %dma_wait3A_985] : memref<4095x64xf32, #tpu.memory_space<vmem>> -> memref<2048x64xf32, #tpu.memory_space<vmem>>
    tpu.wait_dma2 semaphore(%arg5 : memref<!tpu.dma_semaphore, #tpu.memory_space<semaphore_mem>>) src(%dma_wait3A_986 : memref<2048x64xf32, #tpu.memory_space<vmem>>) dst(%dma_wait3A_984 : memref<2048x64xf32, #tpu.memory_space<hbm>>)
    %dma_wait3A_987 = arith.constant 0 : i32
    %dma_wait3A_988 = arith.constant 0 : i32
    %dma_wait3A_989 = tpu.memref_slice %arg3[%add3A_581, %dma_wait3A_987, %dma_wait3A_988] : memref<2048x2048x64xf32, #tpu.memory_space<hbm>> -> memref<1x2048x64xf32, #tpu.memory_space<hbm>>
    %dma_wait3A_990 = tpu.memref_squeeze %dma_wait3A_989 : memref<1x2048x64xf32, #tpu.memory_space<hbm>> -> memref<2048x64xf32, #tpu.memory_space<hbm>>
    %dma_wait3A_991 = arith.constant 0 : i32
    %dma_wait3A_992 = tpu.memref_slice %arg4[%sub3A_583, %dma_wait3A_991] : memref<4095x64xf32, #tpu.memory_space<vmem>> -> memref<2048x64xf32, #tpu.memory_space<vmem>>
    tpu.wait_dma2 semaphore(%arg5 : memref<!tpu.dma_semaphore, #tpu.memory_space<semaphore_mem>>) src(%dma_wait3A_992 : memref<2048x64xf32, #tpu.memory_space<vmem>>) dst(%dma_wait3A_990 : memref<2048x64xf32, #tpu.memory_space<hbm>>)
    %dma_wait3A_993 = arith.constant 0 : i32
    %dma_wait3A_994 = arith.constant 0 : i32
    %dma_wait3A_995 = tpu.memref_slice %arg3[%add3A_591, %dma_wait3A_993, %dma_wait3A_994] : memref<2048x2048x64xf32, #tpu.memory_space<hbm>> -> memref<1x2048x64xf32, #tpu.memory_space<hbm>>
    %dma_wait3A_996 = tpu.memref_squeeze %dma_wait3A_995 : memref<1x2048x64xf32, #tpu.memory_space<hbm>> -> memref<2048x64xf32, #tpu.memory_space<hbm>>
    %dma_wait3A_997 = arith.constant 0 : i32
    %dma_wait3A_998 = tpu.memref_slice %arg4[%sub3A_593, %dma_wait3A_997] : memref<4095x64xf32, #tpu.memory_space<vmem>> -> memref<2048x64xf32, #tpu.memory_space<vmem>>
    tpu.wait_dma2 semaphore(%arg5 : memref<!tpu.dma_semaphore, #tpu.memory_space<semaphore_mem>>) src(%dma_wait3A_998 : memref<2048x64xf32, #tpu.memory_space<vmem>>) dst(%dma_wait3A_996 : memref<2048x64xf32, #tpu.memory_space<hbm>>)
    %dma_wait3A_999 = arith.constant 0 : i32
    %dma_wait3A_1000 = arith.constant 0 : i32
    %dma_wait3A_1001 = tpu.memref_slice %arg3[%add3A_601, %dma_wait3A_999, %dma_wait3A_1000] : memref<2048x2048x64xf32, #tpu.memory_space<hbm>> -> memref<1x2048x64xf32, #tpu.memory_space<hbm>>
    %dma_wait3A_1002 = tpu.memref_squeeze %dma_wait3A_1001 : memref<1x2048x64xf32, #tpu.memory_space<hbm>> -> memref<2048x64xf32, #tpu.memory_space<hbm>>
    %dma_wait3A_1003 = arith.constant 0 : i32
    %dma_wait3A_1004 = tpu.memref_slice %arg4[%sub3A_603, %dma_wait3A_1003] : memref<4095x64xf32, #tpu.memory_space<vmem>> -> memref<2048x64xf32, #tpu.memory_space<vmem>>
    tpu.wait_dma2 semaphore(%arg5 : memref<!tpu.dma_semaphore, #tpu.memory_space<semaphore_mem>>) src(%dma_wait3A_1004 : memref<2048x64xf32, #tpu.memory_space<vmem>>) dst(%dma_wait3A_1002 : memref<2048x64xf32, #tpu.memory_space<hbm>>)
    %dma_wait3A_1005 = arith.constant 0 : i32
    %dma_wait3A_1006 = arith.constant 0 : i32
    %dma_wait3A_1007 = tpu.memref_slice %arg3[%add3A_611, %dma_wait3A_1005, %dma_wait3A_1006] : memref<2048x2048x64xf32, #tpu.memory_space<hbm>> -> memref<1x2048x64xf32, #tpu.memory_space<hbm>>
    %dma_wait3A_1008 = tpu.memref_squeeze %dma_wait3A_1007 : memref<1x2048x64xf32, #tpu.memory_space<hbm>> -> memref<2048x64xf32, #tpu.memory_space<hbm>>
    %dma_wait3A_1009 = arith.constant 0 : i32
    %dma_wait3A_1010 = tpu.memref_slice %arg4[%sub3A_613, %dma_wait3A_1009] : memref<4095x64xf32, #tpu.memory_space<vmem>> -> memref<2048x64xf32, #tpu.memory_space<vmem>>
    tpu.wait_dma2 semaphore(%arg5 : memref<!tpu.dma_semaphore, #tpu.memory_space<semaphore_mem>>) src(%dma_wait3A_1010 : memref<2048x64xf32, #tpu.memory_space<vmem>>) dst(%dma_wait3A_1008 : memref<2048x64xf32, #tpu.memory_space<hbm>>)
    %dma_wait3A_1011 = arith.constant 0 : i32
    %dma_wait3A_1012 = arith.constant 0 : i32
    %dma_wait3A_1013 = tpu.memref_slice %arg3[%add3A_621, %dma_wait3A_1011, %dma_wait3A_1012] : memref<2048x2048x64xf32, #tpu.memory_space<hbm>> -> memref<1x2048x64xf32, #tpu.memory_space<hbm>>
    %dma_wait3A_1014 = tpu.memref_squeeze %dma_wait3A_1013 : memref<1x2048x64xf32, #tpu.memory_space<hbm>> -> memref<2048x64xf32, #tpu.memory_space<hbm>>
    %dma_wait3A_1015 = arith.constant 0 : i32
    %dma_wait3A_1016 = tpu.memref_slice %arg4[%sub3A_623, %dma_wait3A_1015] : memref<4095x64xf32, #tpu.memory_space<vmem>> -> memref<2048x64xf32, #tpu.memory_space<vmem>>
    tpu.wait_dma2 semaphore(%arg5 : memref<!tpu.dma_semaphore, #tpu.memory_space<semaphore_mem>>) src(%dma_wait3A_1016 : memref<2048x64xf32, #tpu.memory_space<vmem>>) dst(%dma_wait3A_1014 : memref<2048x64xf32, #tpu.memory_space<hbm>>)
    %dma_wait3A_1017 = arith.constant 0 : i32
    %dma_wait3A_1018 = arith.constant 0 : i32
    %dma_wait3A_1019 = tpu.memref_slice %arg3[%add3A_631, %dma_wait3A_1017, %dma_wait3A_1018] : memref<2048x2048x64xf32, #tpu.memory_space<hbm>> -> memref<1x2048x64xf32, #tpu.memory_space<hbm>>
    %dma_wait3A_1020 = tpu.memref_squeeze %dma_wait3A_1019 : memref<1x2048x64xf32, #tpu.memory_space<hbm>> -> memref<2048x64xf32, #tpu.memory_space<hbm>>
    %dma_wait3A_1021 = arith.constant 0 : i32
    %dma_wait3A_1022 = tpu.memref_slice %arg4[%sub3A_633, %dma_wait3A_1021] : memref<4095x64xf32, #tpu.memory_space<vmem>> -> memref<2048x64xf32, #tpu.memory_space<vmem>>
    tpu.wait_dma2 semaphore(%arg5 : memref<!tpu.dma_semaphore, #tpu.memory_space<semaphore_mem>>) src(%dma_wait3A_1022 : memref<2048x64xf32, #tpu.memory_space<vmem>>) dst(%dma_wait3A_1020 : memref<2048x64xf32, #tpu.memory_space<hbm>>)
    return
  }
  func.func @transform_0(%arg0: i32) -> (i32, i32) {
    %c0_i32 = arith.constant 0 : i32
    %c0_i32_0 = arith.constant 0 : i32
    %c0_i32_1 = arith.constant 0 : i32
    return %c0_i32, %c0_i32_0 : i32, i32
  }
}

</mosaic_0001>

<sc_bundles>
// kernel: kernel.4.cloned.1.call-start
scs
__scs_entry_jumppad:
0x0: {  	(pc) =	sbr.rel $0x88, $3  }
0x1: {  	(tag) =	ssettag $0x0;
	lr =	simm.s32 $0x1  }
0x2: {  	[smem:$0x3FA0] =	sst lr;
	_ =	strace $0xD0000000  }
0x3: {  	_ = 	snop  }
0x4: {  	_ = 	snop  }
0x5: {  	_ = 	snop  }
0x6: {  	_ = 	snop  }
0x7: {  	_ = 	snop  }
__scs_overlays_trampoline_lowered:
0x8: {  	[smem:$0x3FAF] =	sst s0  }
0x9: {  	[smem:$0x3FB0] =	sst s1  }
0xa: {  	[smem:$0x3FB1] =	sst s2  }
0xb: {  	[smem:$0x3FB2] =	sst s3  }
0xc: {  	[smem:$0x3FB3] =	sst s4  }
0xd: {  	[smem:$0x3FB4] =	sst s5  }
0xe: {  	[smem:$0x3FB5] =	sst s6  }
0xf: {  	[smem:$0x3FB6] =	sst s7  }
0x10: {  	[smem:$0x3FB7] =	sst s8  }
0x11: {  	[smem:$0x3FB8] =	sst s9;
	s0 =	simm.s32 @!p0 $0x0  }
0x12: {  	s1 =	sld [smem:$0x3F9E];
	s0 =	simm.s32 @p0 $0x1  }
0x13: {  	[smem:$0x3FB9] =	sst s0;
	s0 =	simm.s32 @!p1 $0x0  }
0x14: {  	s2 =	sld [smem:$0x3F9D];
	s0 =	simm.s32 @p1 $0x1  }
0x15: {  	[smem:$0x3FBA] =	sst s0;
	s0 =	simm.s32 @!p2 $0x0  }
0x16: {  	s3 =	sld [smem:$0x3FDB];
	s0 =	simm.s32 @p2 $0x1  }
0x17: {  	s4 =	simm.s32 $0x1BF5;
	[smem:$0x3FBC] =	sst s0  }
0x18: {  	s0 =	sld [smem:$0x3F9F];
	_ =	swait.ge [sflag:s4], $0x0  }
0x19: {  	s7 =	sld [smem:$0x3FA0]  }
0x1a: {  	s8 =	sadd.s32 $0xFFFFE003, lr  }
0x1b: {  	s9 =	sadd.s32 $0xFFFFFEF7, lr;
	s5 =	simm.s32 $0xFFFFFFFF;
	p2 =	slt.u32 s8, $0xFFFFF086  }
0x1c: {  	p1 =	slt.u32 s9, $0xF7A;
	s5 =	simm.s32 @!p2 $0x0  }
0x1d: {  	s5 =	simm.s32 @p1 $0x1;
	p0 =	seq.s32 s7, s2  }
0x1e: {  	s7 =	smul.u32 @!p0 $0xF7A, s2;
	p2 =	seq.s32 @!p0 s5, $0x0  }
0x1f: {  	s9 =	smul.u32 $0xF7A, s1;
	s8 =	simm.s32 @!p0 $0x1BF5;
	p2 =	por !p2, p0  }
0x20: {  	[sflag:s8] =	ssyncset.s32 @!p0 $0xFFFFF086;
	s6 =	sadd.s32 @!p0 s3, s7;
	s7 =	simm.s32 @!p0 $0x108  }
0x21: {  	s3 =	sadd.s32 s3, s9;
	s6 =	sadd.s32 @!p0 $0x88, s6;
	s7 =	simm.s32 @p2 $0x1082  }
0x22: {  	[simem:s7], [sflag:s8] =	dma.local @!p0 [hbm:s6], $0xF7A  }
0x23: {  	s9 =	sor.u32 $0xD0000000, s2;
	s6 =	simm.s32 $0x108;
	_ =	swait.ge @!p0 [sflag:s8], $0x0  }
0x24: {  	s3 =	sadd.s32 $0x88, s3;
	s6 =	simm.s32 @!p1 $0x1082;
	[sflag:s4] =	ssyncset.s32 $0xFFFFF086  }
0x25: {  	[simem:s6], [sflag:s4] =	dma.local [hbm:s3], $0xF7A  }
0x26: {  	[smem:$0x3FA0] =	sst s1;
	(tag) =	ssettag s2;
	_ =	strace s9  }
0x27: {  	s1 =	sld [smem:$0x3FB0]  }
0x28: {  	s2 =	sld [smem:$0x3FB1]  }
0x29: {  	s4 =	sld [smem:$0x3FB3]  }
0x2a: {  	p0 =	seq.s32 s5, $0x0;
	s5 =	sld [smem:$0x3FB4]  }
0x2b: {  	s6 =	sld [smem:$0x3FB5]  }
0x2c: {  	s7 =	sld [smem:$0x3FB6]  }
0x2d: {  	s3 =	simm.s32 $0x108;
	s8 =	sld [smem:$0x3FB7]  }
0x2e: {  	s3 =	simm.s32 @!p0 $0x1082;
	s9 =	sld [smem:$0x3FB8]  }
0x2f: {  	lr =	sadd.s32 s0, s3;
	s0 =	sld [smem:$0x3FAF]  }
0x30: {  	s3 =	sld [smem:$0x3FB2]  }
0x31: {  	[smem:$0x3FBB] =	sst s10  }
0x32: {  	s10 =	sld [smem:$0x3FB9];
	_ =	sdelay $0x3  }
0x33: {  	p0 =	seq.s32 s10, $0x1;
	s10 =	sld [smem:$0x3FBB];
	_ =	sdelay $0x3  }
0x34: {  	[smem:$0x3FBB] =	sst s10  }
0x35: {  	s10 =	sld [smem:$0x3FBA];
	_ =	sdelay $0x3  }
0x36: {  	p1 =	seq.s32 s10, $0x1;
	s10 =	sld [smem:$0x3FBB];
	_ =	sdelay $0x3  }
0x37: {  	[smem:$0x3FBB] =	sst s10  }
0x38: {  	s10 =	sld [smem:$0x3FBC]  }
0x39: {  	_ = 	snop;
	(pc) =	sbr.ind lr, $3  }
0x3a: {  	_ = 	snop  }
0x3b: {  	_ = 	snop  }
0x3c: {  	p2 =	seq.s32 s10, $0x1;
	s10 =	sld [smem:$0x3FBB]  }
0x3d: {  	_ =	shalt  }
0x3e: {  	_ =	shalt  }
0x3f: {  	_ =	shalt  }
0x40: {  	_ =	shalt  }
0x41: {  	_ =	shalt  }
0x42: {  	_ =	shalt  }
0x43: {  	_ =	shalt  }
0x44: {  	_ =	shalt  }
0x45: {  	_ =	shalt  }
0x46: {  	_ =	shalt  }
0x47: {  	_ =	shalt  }
0x48: {  	_ =	shalt  }
0x49: {  	_ =	shalt  }
0x4a: {  	_ =	shalt  }
0x4b: {  	_ =	shalt  }
0x4c: {  	_ =	shalt  }
0x4d: {  	_ =	shalt  }
0x4e: {  	_ =	shalt  }
0x4f: {  	_ =	shalt  }
0x50: {  	_ =	shalt  }
0x51: {  	_ =	shalt  }
0x52: {  	_ =	shalt  }
0x53: {  	_ =	shalt  }
0x54: {  	_ =	shalt  }
0x55: {  	_ =	shalt  }
0x56: {  	_ =	shalt  }
0x57: {  	_ =	shalt  }
0x58: {  	_ =	shalt  }
0x59: {  	_ =	shalt  }
0x5a: {  	_ =	shalt  }
0x5b: {  	_ =	shalt  }
0x5c: {  	_ =	shalt  }
0x5d: {  	_ =	shalt  }
0x5e: {  	_ =	shalt  }
0x5f: {  	_ =	shalt  }
0x60: {  	_ =	shalt  }
0x61: {  	_ =	shalt  }
0x62: {  	_ =	shalt  }
0x63: {  	_ =	shalt  }
0x64: {  	_ =	shalt  }
0x65: {  	_ =	shalt  }
0x66: {  	_ =	shalt  }
0x67: {  	_ =	shalt  }
0x68: {  	_ =	shalt  }
0x69: {  	_ =	shalt  }
0x6a: {  	_ =	shalt  }
0x6b: {  	_ =	shalt  }
0x6c: {  	_ =	shalt  }
0x6d: {  	_ =	shalt  }
0x6e: {  	_ =	shalt  }
0x6f: {  	_ =	shalt  }
0x70: {  	_ =	shalt  }
0x71: {  	_ =	shalt  }
0x72: {  	_ =	shalt  }
0x73: {  	_ =	shalt  }
0x74: {  	_ =	shalt  }
0x75: {  	_ =	shalt  }
0x76: {  	_ =	shalt  }
0x77: {  	_ =	shalt  }
0x78: {  	_ =	shalt  }
0x79: {  	_ =	shalt  }
0x7a: {  	_ =	shalt  }
0x7b: {  	_ =	shalt  }
0x7c: {  	_ =	shalt  }
0x7d: {  	_ =	shalt  }
0x7e: {  	_ =	shalt  }
0x7f: {  	_ =	shalt  }
0x80: {  	_ =	shalt  }
0x81: {  	_ =	shalt  }
0x82: {  	_ =	shalt  }
0x83: {  	_ =	shalt  }
0x84: {  	_ =	shalt  }
0x85: {  	_ =	shalt  }
0x86: {  	_ =	shalt  }
0x87: {  	_ =	shalt  }
.Lfunc_end0:
.L_simem_size_0:
called_computation_lowered:
.L_overlay_start_0:
0x88: {  	s2 =	sld [smem:$0x3FD9]  }
0x89: {  	s3 =	sld [smem:$0x3FFE];
	_ =	sdelay $0x1  }
0x8a: {  	s1 =	srdreg.scid  }
0x8b: {  	s0 =	sand.u32 $0x1, s1  }
0x8c: {  	s17 =	sshll.u32 s0, $0xA;
	s2 =	sadd.s32 s3, s2  }
0x8d: {  	s2 =	sadd.s32 s2, s17  }
0x8e: {  	[smem:$0x3FC7] =	sst s2  }
0x8f: {  	_ = 	snop  }
0x90: {  	s2 =	sld [smem:$0x3FD0];
	(tm) =	ssettm $0x1  }
0x91: {  	s18 =	sld [smem:$0x3FFB];
	_ =	sdelay $0x3  }
0x92: {  	_ =	strace s18  }
0x93: {  	s3 =	sld [smem:$0x3FFC];
	_ =	sdelay $0x3  }
0x94: {  	_ =	strace s3  }
0x95: {  	s3 =	sld [smem:$0x3FFD];
	_ =	sdelay $0x3  }
0x96: {  	_ =	strace s3  }
0x97: {  	_ =	strace $0x8FFFFFFF  }
0x98: {  	s19 =	sld [smem:$0x3FDB];
	_ =	sdelay $0x1  }
0x99: {  	s4 =	simm.s32 $_scs_section_size  }
0x9a: {  	s5 =	simm.s32 $_size__tile_overlayer_lowered;
	s6 =	simm.s32 $_tile_overlayer_lowered  }
0x9b: {  	s22 =	simm.s32 $0x1BFF;
	s21 =	sshll.u32 s6, $0x1;
	s3 =	sadd.s32 s4, s19  }
0x9c: {  	s7 =	simm.s32 $0x0;
	s20 =	sshll.u32 s5, $0x1;
	s5 =	sadd.s32 s21, s3  }
0x9d: {  	[timem:s7], [sflag:s22] =	dma.local [hbm:s5], s20  }
0x9e: {  	_ =	swait.ge [sflag:s22], s20  }
0x9f: {  	s4 =	ssub.s32 $0x0, s20;
	[sflag:s22] =	ssyncset.done $0x0  }
0xa0: {  	[sflag:s22] =	ssyncadd.s32 s4;
	_ =	sdelay $0x1  }
0xa1: {  	s23 =	simm.s32 $0x1B8B  }
0xa2: {  	_ =	swait.ge [sflag:s23], $0x1  }
0xa3: {  	[sflag:s23] =	ssyncset.done $0x0  }
0xa4: {  	s25 =	simm.s32 $0x1B8E;
	s24 =	sld [smem:$0x3FFE];
	[sflag:s23] =	ssyncadd.s32 $0xFFFFFFFF  }
0xa5: {  	s26 =	simm.s32 $execute0_lowered;
	[smem:$0x3FD2] =	sst s25  }
0xa6: {  	s5 =	sshll.u32 s26, $0x1;
	_ =	strace $0x80000046;
	[dreg:$0x1] =	wrdreg $0xFFFFFFFF  }
0xa7: {  	s28 =	simm.s32 $_size_execute0_lowered;
	s3 =	sadd.s32 s3, s5;
	[dreg:$0x0] =	wrdreg $0x0  }
0xa8: {  	s5 =	sshll.u32 s28, $0x1;
	[dreg:$0x2] =	wrdreg s3  }
0xa9: {  	[dreg:$0x3] =	wrdreg s5  }
0xaa: {  	[dreg:$0x4] =	wrdreg $0xC0  }
0xab: {  	_ =	task [dreg:s7], $0x5FFFF  }
0xac: {  	[dreg:$0x1] =	wrdreg $0xFFFFFFFF  }
0xad: {  	[dreg:$0x0] =	wrdreg $0x60  }
0xae: {  	[dreg:$0x2] =	wrdreg s2  }
0xaf: {  	[dreg:$0x3] =	wrdreg s24  }
0xb0: {  	[dreg:$0x4] =	wrdreg $0x0  }
0xb1: {  	[dreg:$0x5] =	wrdreg $0x9  }
0xb2: {  	_ =	task.clear_ibuf [dreg:s7], $0x6FFFF;
	_ =	strace $0x90000046  }
0xb3: {  	s29 =	simm.s32 $0x9;
	_ =	strace $0x80000048  }
0xb4: {  	_ =	swait.ge [sflag:s29], $0x1  }
0xb5: {  	[sflag:s29] =	ssyncadd.s32 $0xFFFFFFFF  }
0xb6: {  	_ =	strace $0x90000048  }
0xb7: {  	_ =	sfence  }
0xb8: {  	s30 =	sld [smem:$0x0];
	_ =	sdelay $0x2  }
0xb9: {  	s31 =	sshll.u32 s1, $0xD;
	s1 =	sshrl.u32 s1, $0x2  }
0xba: {  	s3 =	sand.u32 $0x4000, s31;
	s1 =	sadd.s32 s1, s30  }
0xbb: {  	s0 =	sor.u32 s3, s0;
	s1 =	sshll.u32 s1, $0x11  }
0xbc: {  	s0 =	sor.u32 s1, s0  }
0xbd: {  	s0 =	sadd.s32 $0x8F2B, s0  }
0xbe: {  	[sflag:s0] =	ssyncadd.remote.s32 $0x1  }
0xbf: {  	_ =	sfence.sel $0xFFFF  }
0xc0: {  	[dreg:$0x0] =	wrdreg $0xFFFFFFFF;
	(pc) =	sbr.abs _section_cstart, $3  }
0xc1: {  	[dreg:$0x1] =	wrdreg $0xFFFFFFFF  }
0xc2: {  	_ =	task.clear_ibuf [dreg:s7], $0x2FFFF;
	_ =	strace $0x9FFFFFFF  }
0xc3: {  	(tm) =	ssettm $0x7FFFFFFF  }
tec
execute0_lowered:
.L_overlay_start_1:
0x0: {  	(tag) =	ssettag $0x1  }
0x1: {  	s0 =	srdreg.scid  }
0x2: {  	s1 =	stileid.u32;
	s0 =	sand.u32 $0x1, s0  }
0x3: {  	s4 =	sshll.u32 s1, $0x6;
	s3 =	sshll.u32 s0, $0x5  }
0x4: {  	s2 =	rddreg [dreg:$0x1];
	s3 =	sor.u32 s3, s4  }
0x5: {  	s16 =	rddreg [dreg:$0x2];
	s24 =	simm.s32 $0x0;
	s5 =	sshll.u32 s3, $0xF  }
0x6: {  	[smem:$0x7FF] =	sst s24;
	s2 =	sadd.s32 s5, s2  }
0x7: {  	[dreg:$0x4] =	wrdreg s4;
	s25 =	sadd.s32 $0x2000600, s2  }
0x8: {  	_ =	strace $0x80000047;
	s26 =	sadd.s32 $0x2008600, s2;
	[dreg:$0x5] =	wrdreg s25  }
0x9: {  	s5 =	sadd.s32 $0x2010600, s2;
	[dreg:$0x6] =	wrdreg s26  }
0xa: {  	s6 =	sadd.s32 $0x2018600, s2;
	[dreg:$0x7] =	wrdreg s5  }
0xb: {  	s7 =	sadd.s32 $0x2020600, s2;
	[dreg:$0x8] =	wrdreg s6  }
0xc: {  	s8 =	sadd.s32 $0x2028600, s2;
	[dreg:$0x9] =	wrdreg s7  }
0xd: {  	s9 =	sadd.s32 $0x2030600, s2;
	[dreg:$0xa] =	wrdreg s8  }
0xe: {  	s10 =	sadd.s32 $0x2038600, s2;
	[dreg:$0xb] =	wrdreg s9  }
0xf: {  	s11 =	sadd.s32 $0x2040600, s2;
	[dreg:$0xc] =	wrdreg s10  }
0x10: {  	s12 =	sadd.s32 $0x2048600, s2;
	[dreg:$0xd] =	wrdreg s11  }
0x11: {  	s13 =	sadd.s32 $0x2050600, s2;
	[dreg:$0xe] =	wrdreg s12  }
0x12: {  	s14 =	sadd.s32 $0x2058600, s2;
	[dreg:$0xf] =	wrdreg s13  }
0x13: {  	s15 =	sadd.s32 $0x2060600, s2;
	[dreg:$0x10] =	wrdreg s14  }
0x14: {  	s17 =	sadd.s32 $0x2068600, s2;
	[dreg:$0x11] =	wrdreg s15  }
0x15: {  	s18 =	sadd.s32 $0x2070600, s2;
	[dreg:$0x12] =	wrdreg s17  }
0x16: {  	s19 =	sadd.s32 $0x2078600, s2;
	[dreg:$0x13] =	wrdreg s18  }
0x17: {  	s20 =	sadd.s32 $0x2080600, s2;
	[dreg:$0x14] =	wrdreg s19  }
0x18: {  	s21 =	sadd.s32 $0x2088600, s2;
	[dreg:$0x15] =	wrdreg s20  }
0x19: {  	s22 =	sadd.s32 $0x2090600, s2;
	[dreg:$0x16] =	wrdreg s21  }
0x1a: {  	s23 =	sadd.s32 $0x2098600, s2;
	[dreg:$0x17] =	wrdreg s22  }
0x1b: {  	s24 =	sadd.s32 $0x20A0600, s2;
	[dreg:$0x18] =	wrdreg s23  }
0x1c: {  	[dreg:$0x19] =	wrdreg s24;
	s5 =	sadd.s32 $0x20A8600, s2  }
0x1d: {  	s26 =	sadd.s32 $0x20B0600, s2;
	[dreg:$0x1a] =	wrdreg s5  }
0x1e: {  	s7 =	sadd.s32 $0x20C0600, s2;
	[dreg:$0x1b] =	wrdreg s26  }
0x1f: {  	s8 =	sadd.s32 $0x20C8600, s2;
	[dreg:$0x1d] =	wrdreg s7  }
0x20: {  	s9 =	sadd.s32 $0x20D0600, s2;
	[dreg:$0x1e] =	wrdreg s8  }
0x21: {  	s11 =	sadd.s32 $0x20D8600, s2;
	[dreg:$0x1f] =	wrdreg s9  }
0x22: {  	s12 =	sadd.s32 $0x20E0600, s2;
	[smem:$0x7D1] =	sst s11  }
0x23: {  	p0 =	sne.s32 s1, $0x0;
	s13 =	sadd.s32 $0x20E8600, s2;
	[smem:$0x7D2] =	sst s12  }
0x24: {  	s0 =	ssub.s32 $0x2, s0;
	s15 =	sadd.s32 $0x20F0600, s2;
	[smem:$0x7D3] =	sst s13  }
0x25: {  	s25 =	sshrl.u32 s0, $0x1;
	s17 =	sadd.s32 $0x20F8600, s2;
	[smem:$0x7D4] =	sst s15  }
0x26: {  	s10 =	sshll.u32 s3, $0x7;
	s5 =	sadd.s32 $0x20B8600, s2;
	[smem:$0x7D5] =	sst s17  }
0x27: {  	s6 =	ssub.s32 s0, s25;
	s14 =	ssub.s32 s16, s10;
	[dreg:$0x1c] =	wrdreg s5  }
0x28: {  	s0 =	sadd.s32 $0x1FF80, s14;
	s1 =	sadd.s32 $0x1FF00, s14;
	s3 =	sadd.s32 $0x1FE80, s14  }
0x29: {  	s4 =	sadd.s32 $0x1FE00, s14;
	s5 =	sadd.s32 $0x1FD80, s14;
	s7 =	sadd.s32 $0x1FD00, s14  }
0x2a: {  	s8 =	sadd.s32 $0x1FC80, s14;
	s9 =	sadd.s32 $0x1FC00, s14;
	s10 =	sadd.s32 $0x1FB80, s14  }
0x2b: {  	s11 =	sadd.s32 $0x1FB00, s14;
	s12 =	sadd.s32 $0x1FA80, s14;
	s13 =	sadd.s32 $0x1FA00, s14  }
0x2c: {  	s19 =	sadd.s32 $0x1F980, s14;
	s20 =	sadd.s32 $0x1F900, s14;
	s21 =	sadd.s32 $0x1F880, s14  }
0x2d: {  	s22 =	sadd.s32 $0x1F800, s14;
	s23 =	sadd.s32 $0x1F780, s14;
	s18 =	sadd.s32 $0x1F380, s14  }
0x2e: {  	s24 =	sadd.s32 $0x1F700, s14;
	s15 =	sadd.s32 $0x1F300, s14;
	[smem:$0x7F6] =	sst s18  }
0x2f: {  	s25 =	sadd.s32 $0x1F680, s14;
	s17 =	sadd.s32 $0x1F280, s14;
	[smem:$0x7F7] =	sst s15  }
0x30: {  	s26 =	sadd.s32 $0x1F600, s14;
	[smem:$0x7F8] =	sst s17;
	s18 =	sadd.s32 $0x1F200, s14  }
0x31: {  	s28 =	sadd.s32 $0x1F580, s14;
	s15 =	sadd.s32 $0x1F180, s14;
	[smem:$0x7F9] =	sst s18  }
0x32: {  	s29 =	sadd.s32 $0x1F500, s14;
	s17 =	sadd.s32 $0x1F100, s14;
	[smem:$0x7FA] =	sst s15  }
0x33: {  	s30 =	sadd.s32 $0x1F480, s14;
	s0 =	sshrl.u32 s0, $0x3;
	[smem:$0x7FB] =	sst s17  }
0x34: {  	s31 =	sadd.s32 $0x1F400, s14;
	s18 =	sadd.s32 $0x1F080, s14;
	[smem:$0x7ED] =	sst s0  }
0x35: {  	s15 =	sadd.s32 $0x1F000, s14;
	s17 =	sadd.s32 $0x37F80, s16;
	[smem:$0x7FC] =	sst s18  }
0x36: {  	[smem:$0x7FD] =	sst s15;
	s18 =	sadd.s32 $0x37F00, s16;
	s2 =	sshrl.u32 s17, $0x3  }
0x37: {  	s15 =	sadd.s32 $0x37E00, s16;
	[smem:$0x7D6] =	sst s2;
	s14 =	sshrl.u32 s18, $0x3  }
0x38: {  	s17 =	sadd.s32 $0x37C00, s16;
	s2 =	sshrl.u32 s15, $0x3;
	[smem:$0x7D7] =	sst s14  }
0x39: {  	s18 =	sadd.s32 $0x37800, s16;
	[smem:$0x7D8] =	sst s2;
	s2 =	sshrl.u32 s17, $0x3  }
0x3a: {  	s15 =	sadd.s32 $0x37000, s16;
	s14 =	sshrl.u32 s18, $0x3;
	[smem:$0x7D9] =	sst s2  }
0x3b: {  	s18 =	sadd.s32 $0x34000, s16;
	[smem:$0x7DA] =	sst s14;
	s2 =	sshrl.u32 s15, $0x3  }
0x3c: {  	s17 =	sadd.s32 $0x36000, s16;
	s14 =	sshrl.u32 s18, $0x3;
	[smem:$0x7DB] =	sst s2  }
0x3d: {  	s18 =	sadd.s32 $0x18000, s16;
	s2 =	sshrl.u32 s17, $0x3;
	[smem:$0x7DD] =	sst s14  }
0x3e: {  	s15 =	sadd.s32 $0x30000, s16;
	s14 =	sshrl.u32 s18, $0x3;
	[smem:$0x7DC] =	sst s2  }
0x3f: {  	s17 =	sadd.s32 $0x28000, s16;
	s2 =	sshrl.u32 s15, $0x3;
	[smem:$0x7E0] =	sst s14  }
0x40: {  	s18 =	sadd.s32 $0x47F80, s16;
	[smem:$0x7DE] =	sst s2;
	s2 =	sshrl.u32 s17, $0x3  }
0x41: {  	s15 =	sadd.s32 $0x20000, s16;
	s17 =	sadd.s32 $0x48000, s16;
	[smem:$0x7DF] =	sst s2  }
0x42: {  	s2 =	sshrl.u32 s15, $0x3;
	s14 =	sshrl.u32 s17, $0x3;
	s15 =	sadd.s32 $0x48080, s16  }
0x43: {  	s17 =	sadd.s32 $0x48180, s16;
	[smem:$0x7E1] =	sst s2;
	s2 =	sshrl.u32 s18, $0x3  }
0x44: {  	[smem:$0x7E2] =	sst s14;
	s14 =	sshrl.u32 s15, $0x3;
	s15 =	sadd.s32 $0x48380, s16  }
0x45: {  	[smem:$0x7E3] =	sst s14;
	s14 =	sshrl.u32 s17, $0x3;
	s18 =	sshrl.u32 s15, $0x3  }
0x46: {  	s15 =	sadd.s32 $0x48780, s16;
	s17 =	sadd.s32 $0x48F80, s16;
	[smem:$0x7E4] =	sst s14  }
0x47: {  	[smem:$0x7E5] =	sst s18;
	s14 =	sshrl.u32 s15, $0x3;
	s18 =	sadd.s32 $0x49F80, s16  }
0x48: {  	s15 =	sadd.s32 $0x4FF80, s16;
	[smem:$0x7E6] =	sst s14;
	s14 =	sshrl.u32 s17, $0x3  }
0x49: {  	s17 =	sshrl.u32 s18, $0x3;
	s18 =	sadd.s32 $0x4BF80, s16;
	[smem:$0x7E7] =	sst s14  }
0x4a: {  	[smem:$0x7E8] =	sst s17;
	s14 =	sshrl.u32 s18, $0x3;
	s17 =	sadd.s32 $0x57F80, s16  }
0x4b: {  	[smem:$0x7E9] =	sst s14;
	s14 =	sshrl.u32 s15, $0x3;
	s18 =	sshrl.u32 s17, $0x3  }
0x4c: {  	s15 =	sadd.s32 $0x67F80, s16;
	s16 =	sshrl.u32 s1, $0x3;
	s17 =	sshrl.u32 s3, $0x3  }
0x4d: {  	s1 =	sshrl.u32 s5, $0x3;
	s5 =	sshrl.u32 s9, $0x3;
	s9 =	sld [smem:$0x7F7]  }
0x4e: {  	s3 =	sshrl.u32 s7, $0x3;
	s7 =	sshrl.u32 s10, $0x3;
	s10 =	sld [smem:$0x7F8]  }
0x4f: {  	[smem:$0x7EA] =	sst s14  }
0x50: {  	[smem:$0x7EB] =	sst s18  }
0x51: {  	[smem:$0x7EE] =	sst s16  }
0x52: {  	[smem:$0x7EF] =	sst s17  }
0x53: {  	[smem:$0x7F1] =	sst s1  }
0x54: {  	[smem:$0x7F2] =	sst s3  }
0x55: {  	s6 =	smax.u32 s6, $0x1;
	s19 =	sshrl.u32 s19, $0x3;
	[smem:$0x7F4] =	sst s5  }
0x56: {  	s20 =	sshrl.u32 s20, $0x3;
	s21 =	sshrl.u32 s21, $0x3;
	[smem:$0x7F5] =	sst s7  }
0x57: {  	s18 =	sshrl.u32 s4, $0x3;
	s4 =	sshrl.u32 s8, $0x3;
	s8 =	sld [smem:$0x7F6]  }
0x58: {  	s22 =	sshrl.u32 s22, $0x3;
	s16 =	sshrl.u32 s11, $0x3;
	s11 =	sld [smem:$0x7F9]  }
0x59: {  	s23 =	sshrl.u32 s23, $0x3;
	s17 =	sshrl.u32 s12, $0x3;
	s12 =	sld [smem:$0x7FA]  }
0x5a: {  	s24 =	sshrl.u32 s24, $0x3;
	s14 =	sshrl.u32 s15, $0x3;
	s15 =	sld [smem:$0x7FD]  }
0x5b: {  	s25 =	sshrl.u32 s25, $0x3;
	s26 =	sshrl.u32 s26, $0x3;
	[smem:$0x7EC] =	sst s14  }
0x5c: {  	s28 =	sshrl.u32 s28, $0x3;
	s29 =	sshrl.u32 s29, $0x3;
	[smem:$0x7F0] =	sst s18  }
0x5d: {  	s30 =	sshrl.u32 s30, $0x3;
	s31 =	sshrl.u32 s31, $0x3;
	[smem:$0x7F3] =	sst s4  }
.Ltmp0:
0x5e: {  	s18 =	sshrl.u32 s13, $0x3;
	s13 =	sld [smem:$0x7FB];
	(pc) =	sbr.rel .LBB2_1-.Ltmp0, $4  }
0x5f: {  	s14 =	sld [smem:$0x7FC];
	s0 =	sshrl.u32 s9, $0x3;
	s3 =	sshrl.u32 s10, $0x3  }
0x60: {  	s10 =	simm.s32 $0x1C02;
	s1 =	sshrl.u32 s8, $0x3;
	s4 =	sshrl.u32 s11, $0x3  }
0x61: {  	s5 =	sshrl.u32 s12, $0x3;
	s9 =	sshrl.u32 s15, $0x3;
	s11 =	simm.s32 $0x2  }
0x62: {  	s12 =	simm.s32 $0x1;
	s7 =	sshrl.u32 s13, $0x3;
	s8 =	sshrl.u32 s14, $0x3  }
.LBB2_3:
0x63: {  	[bflag:$0x0] =	sbarrier.arrive $0xFFFF  }
0x64: {  	s15 =	sld [smem:$0x7ED]  }
0x65: {  	s13 =	rddreg [dreg:$0x4]  }
0x66: {  	s14 =	rddreg [dreg:$0x5];
	s13 =	sor.u32 $0x1C01, s13  }
0x67: {  	[hbm:s14], [sflag:s13] =	dma.local [spmem:s15], $0x8000  }
0x68: {  	s15 =	sld [smem:$0x7EE];
	_ =	sdelay $0x1  }
0x69: {  	s14 =	rddreg [dreg:$0x6]  }
0x6a: {  	[hbm:s14], [sflag:s13] =	dma.local [spmem:s15], $0x8000  }
0x6b: {  	s15 =	sld [smem:$0x7EF];
	_ =	sdelay $0x1  }
0x6c: {  	s14 =	rddreg [dreg:$0x7]  }
0x6d: {  	[hbm:s14], [sflag:s13] =	dma.local [spmem:s15], $0x8000  }
0x6e: {  	s15 =	sld [smem:$0x7F0];
	_ =	sdelay $0x1  }
0x6f: {  	s14 =	rddreg [dreg:$0x8]  }
0x70: {  	[hbm:s14], [sflag:s13] =	dma.local [spmem:s15], $0x8000  }
0x71: {  	_ =	swait.ge [sflag:s12], $0x8000  }
0x72: {  	[sflag:s12] =	ssyncset.done $0x0  }
0x73: {  	[sflag:s12] =	ssyncadd.s32 $0xFFFF8000  }
0x74: {  	_ =	swait.ge [sflag:s12], $0x8000  }
0x75: {  	[sflag:s12] =	ssyncset.done $0x0  }
0x76: {  	[sflag:s12] =	ssyncadd.s32 $0xFFFF8000  }
0x77: {  	_ =	swait.ge [sflag:s12], $0x8000  }
0x78: {  	[sflag:s12] =	ssyncset.done $0x0  }
0x79: {  	[sflag:s12] =	ssyncadd.s32 $0xFFFF8000  }
0x7a: {  	_ =	swait.ge [sflag:s12], $0x8000  }
0x7b: {  	s15 =	sld [smem:$0x7F1]  }
0x7c: {  	[sflag:s12] =	ssyncset.done $0x0  }
0x7d: {  	s14 =	rddreg [dreg:$0x9];
	[sflag:s12] =	ssyncadd.s32 $0xFFFF8000  }
0x7e: {  	[hbm:s14], [sflag:s13] =	dma.local [spmem:s15], $0x8000  }
0x7f: {  	s15 =	sld [smem:$0x7F2];
	_ =	sdelay $0x1  }
0x80: {  	s14 =	rddreg [dreg:$0xa]  }
0x81: {  	[hbm:s14], [sflag:s13] =	dma.local [spmem:s15], $0x8000  }
0x82: {  	s15 =	sld [smem:$0x7F3];
	_ =	sdelay $0x1  }
0x83: {  	s14 =	rddreg [dreg:$0xb]  }
0x84: {  	[hbm:s14], [sflag:s13] =	dma.local [spmem:s15], $0x8000  }
0x85: {  	s15 =	sld [smem:$0x7F4];
	_ =	sdelay $0x1  }
0x86: {  	s14 =	rddreg [dreg:$0xc]  }
0x87: {  	[hbm:s14], [sflag:s13] =	dma.local [spmem:s15], $0x8000  }
0x88: {  	_ =	swait.ge [sflag:s12], $0x8000  }
0x89: {  	[sflag:s12] =	ssyncset.done $0x0  }
0x8a: {  	[sflag:s12] =	ssyncadd.s32 $0xFFFF8000  }
0x8b: {  	_ =	swait.ge [sflag:s12], $0x8000  }
0x8c: {  	[sflag:s12] =	ssyncset.done $0x0  }
0x8d: {  	[sflag:s12] =	ssyncadd.s32 $0xFFFF8000  }
0x8e: {  	_ =	swait.ge [sflag:s12], $0x8000  }
0x8f: {  	[sflag:s12] =	ssyncset.done $0x0  }
0x90: {  	[sflag:s12] =	ssyncadd.s32 $0xFFFF8000  }
0x91: {  	_ =	swait.ge [sflag:s12], $0x8000  }
0x92: {  	s15 =	sld [smem:$0x7F5]  }
0x93: {  	[sflag:s12] =	ssyncset.done $0x0  }
0x94: {  	s14 =	rddreg [dreg:$0xd];
	[sflag:s12] =	ssyncadd.s32 $0xFFFF8000  }
0x95: {  	[hbm:s14], [sflag:s13] =	dma.local [spmem:s15], $0x8000  }
0x96: {  	s14 =	rddreg [dreg:$0xe]  }
0x97: {  	[hbm:s14], [sflag:s13] =	dma.local [spmem:s16], $0x8000  }
0x98: {  	s14 =	rddreg [dreg:$0xf]  }
0x99: {  	[hbm:s14], [sflag:s13] =	dma.local [spmem:s17], $0x8000  }
0x9a: {  	s14 =	rddreg [dreg:$0x10]  }
0x9b: {  	[hbm:s14], [sflag:s13] =	dma.local [spmem:s18], $0x8000  }
0x9c: {  	_ =	swait.ge [sflag:s12], $0x8000  }
0x9d: {  	[sflag:s12] =	ssyncset.done $0x0  }
0x9e: {  	[sflag:s12] =	ssyncadd.s32 $0xFFFF8000  }
0x9f: {  	_ =	swait.ge [sflag:s12], $0x8000  }
0xa0: {  	[sflag:s12] =	ssyncset.done $0x0  }
0xa1: {  	[sflag:s12] =	ssyncadd.s32 $0xFFFF8000  }
0xa2: {  	_ =	swait.ge [sflag:s12], $0x8000  }
0xa3: {  	[sflag:s12] =	ssyncset.done $0x0  }
0xa4: {  	[sflag:s12] =	ssyncadd.s32 $0xFFFF8000  }
0xa5: {  	_ =	swait.ge [sflag:s12], $0x8000  }
0xa6: {  	[sflag:s12] =	ssyncset.done $0x0  }
0xa7: {  	s15 =	rddreg [dreg:$0x11];
	[sflag:s12] =	ssyncadd.s32 $0xFFFF8000  }
0xa8: {  	[hbm:s15], [sflag:s13] =	dma.local [spmem:s19], $0x8000  }
0xa9: {  	s14 =	rddreg [dreg:$0x12]  }
0xaa: {  	[hbm:s14], [sflag:s13] =	dma.local [spmem:s20], $0x8000  }
0xab: {  	s14 =	rddreg [dreg:$0x13]  }
0xac: {  	[hbm:s14], [sflag:s13] =	dma.local [spmem:s21], $0x8000  }
0xad: {  	s14 =	rddreg [dreg:$0x14]  }
0xae: {  	[hbm:s14], [sflag:s13] =	dma.local [spmem:s22], $0x8000  }
0xaf: {  	_ =	swait.ge [sflag:s12], $0x8000  }
0xb0: {  	[sflag:s12] =	ssyncset.done $0x0  }
0xb1: {  	[sflag:s12] =	ssyncadd.s32 $0xFFFF8000  }
0xb2: {  	_ =	swait.ge [sflag:s12], $0x8000  }
0xb3: {  	[sflag:s12] =	ssyncset.done $0x0  }
0xb4: {  	[sflag:s12] =	ssyncadd.s32 $0xFFFF8000  }
0xb5: {  	_ =	swait.ge [sflag:s12], $0x8000  }
0xb6: {  	[sflag:s12] =	ssyncset.done $0x0  }
0xb7: {  	[sflag:s12] =	ssyncadd.s32 $0xFFFF8000  }
0xb8: {  	_ =	swait.ge [sflag:s12], $0x8000  }
0xb9: {  	[sflag:s12] =	ssyncset.done $0x0  }
0xba: {  	s15 =	rddreg [dreg:$0x15];
	[sflag:s12] =	ssyncadd.s32 $0xFFFF8000  }
0xbb: {  	[hbm:s15], [sflag:s13] =	dma.local [spmem:s23], $0x8000  }
0xbc: {  	s14 =	rddreg [dreg:$0x16]  }
0xbd: {  	[hbm:s14], [sflag:s13] =	dma.local [spmem:s24], $0x8000  }
0xbe: {  	s14 =	rddreg [dreg:$0x17]  }
0xbf: {  	[hbm:s14], [sflag:s13] =	dma.local [spmem:s25], $0x8000  }
0xc0: {  	s14 =	rddreg [dreg:$0x18]  }
0xc1: {  	[hbm:s14], [sflag:s13] =	dma.local [spmem:s26], $0x8000  }
0xc2: {  	_ =	swait.ge [sflag:s12], $0x8000  }
0xc3: {  	[sflag:s12] =	ssyncset.done $0x0  }
0xc4: {  	[sflag:s12] =	ssyncadd.s32 $0xFFFF8000  }
0xc5: {  	_ =	swait.ge [sflag:s12], $0x8000  }
0xc6: {  	[sflag:s12] =	ssyncset.done $0x0  }
0xc7: {  	[sflag:s12] =	ssyncadd.s32 $0xFFFF8000  }
0xc8: {  	_ =	swait.ge [sflag:s12], $0x8000  }
0xc9: {  	[sflag:s12] =	ssyncset.done $0x0  }
0xca: {  	[sflag:s12] =	ssyncadd.s32 $0xFFFF8000  }
0xcb: {  	_ =	swait.ge [sflag:s12], $0x8000  }
0xcc: {  	[sflag:s12] =	ssyncset.done $0x0  }
0xcd: {  	s15 =	rddreg [dreg:$0x19];
	[sflag:s12] =	ssyncadd.s32 $0xFFFF8000  }
0xce: {  	[hbm:s15], [sflag:s13] =	dma.local [spmem:s28], $0x8000  }
0xcf: {  	s14 =	rddreg [dreg:$0x1a]  }
0xd0: {  	[hbm:s14], [sflag:s13] =	dma.local [spmem:s29], $0x8000  }
0xd1: {  	s14 =	rddreg [dreg:$0x1b]  }
0xd2: {  	[hbm:s14], [sflag:s13] =	dma.local [spmem:s30], $0x8000  }
0xd3: {  	s14 =	rddreg [dreg:$0x1c]  }
0xd4: {  	[hbm:s14], [sflag:s13] =	dma.local [spmem:s31], $0x8000  }
0xd5: {  	_ =	swait.ge [sflag:s12], $0x8000  }
0xd6: {  	[sflag:s12] =	ssyncset.done $0x0  }
0xd7: {  	[sflag:s12] =	ssyncadd.s32 $0xFFFF8000  }
0xd8: {  	_ =	swait.ge [sflag:s12], $0x8000  }
0xd9: {  	[sflag:s12] =	ssyncset.done $0x0  }
0xda: {  	[sflag:s12] =	ssyncadd.s32 $0xFFFF8000  }
0xdb: {  	_ =	swait.ge [sflag:s12], $0x8000  }
0xdc: {  	[sflag:s12] =	ssyncset.done $0x0  }
0xdd: {  	[sflag:s12] =	ssyncadd.s32 $0xFFFF8000  }
0xde: {  	_ =	swait.ge [sflag:s12], $0x8000  }
0xdf: {  	[sflag:s12] =	ssyncset.done $0x0  }
0xe0: {  	s15 =	rddreg [dreg:$0x1d];
	[sflag:s12] =	ssyncadd.s32 $0xFFFF8000  }
0xe1: {  	[hbm:s15], [sflag:s13] =	dma.local [spmem:s1], $0x8000  }
0xe2: {  	s14 =	rddreg [dreg:$0x1e]  }
0xe3: {  	[hbm:s14], [sflag:s13] =	dma.local [spmem:s0], $0x8000  }
0xe4: {  	s14 =	rddreg [dreg:$0x1f]  }
0xe5: {  	[hbm:s14], [sflag:s13] =	dma.local [spmem:s3], $0x8000  }
0xe6: {  	s14 =	sld [smem:$0x7D1];
	_ =	sdelay $0x2  }
0xe7: {  	[hbm:s14], [sflag:s13] =	dma.local [spmem:s4], $0x8000  }
0xe8: {  	_ =	swait.ge [sflag:s12], $0x8000  }
0xe9: {  	[sflag:s12] =	ssyncset.done $0x0  }
0xea: {  	[sflag:s12] =	ssyncadd.s32 $0xFFFF8000  }
0xeb: {  	_ =	swait.ge [sflag:s12], $0x8000  }
0xec: {  	[sflag:s12] =	ssyncset.done $0x0  }
0xed: {  	[sflag:s12] =	ssyncadd.s32 $0xFFFF8000  }
0xee: {  	_ =	swait.ge [sflag:s12], $0x8000  }
0xef: {  	[sflag:s12] =	ssyncset.done $0x0  }
0xf0: {  	[sflag:s12] =	ssyncadd.s32 $0xFFFF8000  }
0xf1: {  	_ =	swait.ge [sflag:s12], $0x8000  }
0xf2: {  	s15 =	sld [smem:$0x7D2]  }
0xf3: {  	[sflag:s12] =	ssyncset.done $0x0  }
0xf4: {  	[sflag:s12] =	ssyncadd.s32 $0xFFFF8000  }
0xf5: {  	[hbm:s15], [sflag:s13] =	dma.local [spmem:s5], $0x8000  }
0xf6: {  	s14 =	sld [smem:$0x7D3];
	_ =	sdelay $0x2  }
0xf7: {  	[hbm:s14], [sflag:s13] =	dma.local [spmem:s7], $0x8000  }
0xf8: {  	s14 =	sld [smem:$0x7D4];
	_ =	sdelay $0x2  }
0xf9: {  	[hbm:s14], [sflag:s13] =	dma.local [spmem:s8], $0x8000  }
0xfa: {  	s14 =	sld [smem:$0x7D5];
	_ =	sdelay $0x2  }
0xfb: {  	[hbm:s14], [sflag:s13] =	dma.local [spmem:s9], $0x8000  }
0xfc: {  	_ =	swait.ge [sflag:s12], $0x8000  }
0xfd: {  	[sflag:s12] =	ssyncset.done $0x0  }
0xfe: {  	[sflag:s12] =	ssyncadd.s32 $0xFFFF8000  }
0xff: {  	_ =	swait.ge [sflag:s12], $0x8000  }
0x100: {  	[sflag:s12] =	ssyncset.done $0x0  }
0x101: {  	s6 =	sadd.s32 $0xFFFFFFFF, s6;
	[sflag:s12] =	ssyncadd.s32 $0xFFFF8000  }
0x102: {  	p1 =	sne.s32 s6, $0x0;
	_ =	swait.ge [sflag:s12], $0x8000  }
.Ltmp1:
0x103: {  	[sflag:s12] =	ssyncset.done $0x0;
	(pc) =	sbr.rel @!p1 .LBB2_4-.Ltmp1, $4  }
0x104: {  	[sflag:s12] =	ssyncadd.s32 $0xFFFF8000  }
0x105: {  	_ =	swait.ge [sflag:s12], $0x8000  }
0x106: {  	[sflag:s12] =	ssyncset.done $0x0  }
0x107: {  	[sflag:s12] =	ssyncadd.s32 $0xFFFF8000  }
.LBB2_1:
.Ltmp2:
0x108: {  	(pc) =	sbr.rel @p0 .LBB2_3-.Ltmp2, $1  }
0x109: {  	_ =	sdelay $0x3  }
0x10a: {  	s14 =	sld [smem:$0x7D6];
	_ =	sdelay $0x1  }
0x10b: {  	s13 =	rddreg [dreg:$0x0]  }
0x10c: {  	[spmem:s14], [sflag:s10] =	dma.local [hbm:s13], $0x2010  }
0x10d: {  	_ =	swait.ge [sflag:s11], $0x2010  }
0x10e: {  	s13 =	sld [smem:$0x7D7]  }
0x10f: {  	[sflag:s11] =	ssyncset.done $0x0  }
0x110: {  	[sflag:s11] =	ssyncadd.s32 $0xFFFFDFF0  }
0x111: {  	[spmem:s13], [sflag:s10] =	dma.local [spmem:s14], $0x10  }
0x112: {  	_ =	swait.ge [sflag:s11], $0x10  }
0x113: {  	s15 =	sld [smem:$0x7D8]  }
0x114: {  	[sflag:s11] =	ssyncset.done $0x0  }
0x115: {  	[sflag:s11] =	ssyncadd.s32 $0xFFFFFFF0  }
0x116: {  	[spmem:s15], [sflag:s10] =	dma.local [spmem:s13], $0x20  }
0x117: {  	_ =	swait.ge [sflag:s11], $0x20  }
0x118: {  	s13 =	sld [smem:$0x7D9]  }
0x119: {  	[sflag:s11] =	ssyncset.done $0x0  }
0x11a: {  	[sflag:s11] =	ssyncadd.s32 $0xFFFFFFE0  }
0x11b: {  	[spmem:s13], [sflag:s10] =	dma.local [spmem:s15], $0x40  }
0x11c: {  	_ =	swait.ge [sflag:s11], $0x40  }
0x11d: {  	s15 =	sld [smem:$0x7DA]  }
0x11e: {  	[sflag:s11] =	ssyncset.done $0x0  }
0x11f: {  	[sflag:s11] =	ssyncadd.s32 $0xFFFFFFC0  }
0x120: {  	[spmem:s15], [sflag:s10] =	dma.local [spmem:s13], $0x80  }
0x121: {  	_ =	swait.ge [sflag:s11], $0x80  }
0x122: {  	s13 =	sld [smem:$0x7DB]  }
0x123: {  	[sflag:s11] =	ssyncset.done $0x0  }
0x124: {  	[sflag:s11] =	ssyncadd.s32 $0xFFFFFF80  }
0x125: {  	[spmem:s13], [sflag:s10] =	dma.local [spmem:s15], $0x100  }
0x126: {  	_ =	swait.ge [sflag:s11], $0x100  }
0x127: {  	s15 =	sld [smem:$0x7DC]  }
0x128: {  	[sflag:s11] =	ssyncset.done $0x0  }
0x129: {  	[sflag:s11] =	ssyncadd.s32 $0xFFFFFF00  }
0x12a: {  	[spmem:s15], [sflag:s10] =	dma.local [spmem:s13], $0x200  }
0x12b: {  	_ =	swait.ge [sflag:s11], $0x200  }
0x12c: {  	s13 =	sld [smem:$0x7DD]  }
0x12d: {  	[sflag:s11] =	ssyncset.done $0x0  }
0x12e: {  	[sflag:s11] =	ssyncadd.s32 $0xFFFFFE00  }
0x12f: {  	[spmem:s13], [sflag:s10] =	dma.local [spmem:s15], $0x400  }
0x130: {  	_ =	swait.ge [sflag:s11], $0x400  }
0x131: {  	s15 =	sld [smem:$0x7DE]  }
0x132: {  	[sflag:s11] =	ssyncset.done $0x0  }
0x133: {  	[sflag:s11] =	ssyncadd.s32 $0xFFFFFC00  }
0x134: {  	[spmem:s15], [sflag:s10] =	dma.local [spmem:s13], $0x800  }
0x135: {  	_ =	swait.ge [sflag:s11], $0x800  }
0x136: {  	s13 =	sld [smem:$0x7DF]  }
0x137: {  	[sflag:s11] =	ssyncset.done $0x0  }
0x138: {  	[sflag:s11] =	ssyncadd.s32 $0xFFFFF800  }
0x139: {  	[spmem:s13], [sflag:s10] =	dma.local [spmem:s15], $0x1000  }
0x13a: {  	_ =	swait.ge [sflag:s11], $0x1000  }
0x13b: {  	s15 =	sld [smem:$0x7E0]  }
0x13c: {  	[sflag:s11] =	ssyncset.done $0x0  }
0x13d: {  	[sflag:s11] =	ssyncadd.s32 $0xFFFFF000  }
0x13e: {  	[spmem:s15], [sflag:s10] =	dma.local [spmem:s13], $0x2000  }
0x13f: {  	_ =	swait.ge [sflag:s11], $0x2000  }
0x140: {  	[sflag:s11] =	ssyncset.done $0x0  }
0x141: {  	s15 =	sld [smem:$0x7E1];
	[sflag:s11] =	ssyncadd.s32 $0xFFFFE000  }
0x142: {  	s14 =	rddreg [dreg:$0x2]  }
0x143: {  	s13 =	sshrl.u32 s14, $0x3  }
0x144: {  	[spmem:s13], [sflag:s10] =	dma.local [spmem:s15], $0x3000  }
0x145: {  	_ =	swait.ge [sflag:s11], $0x3000  }
0x146: {  	s15 =	sld [smem:$0x7E2]  }
0x147: {  	[sflag:s11] =	ssyncset.done $0x0  }
0x148: {  	[sflag:s11] =	ssyncadd.s32 $0xFFFFD000  }
0x149: {  	[spmem:s15], [sflag:s10] =	dma.local [spmem:s2], $0x10  }
0x14a: {  	_ =	swait.ge [sflag:s11], $0x10  }
0x14b: {  	s14 =	sld [smem:$0x7E3]  }
0x14c: {  	[sflag:s11] =	ssyncset.done $0x0  }
0x14d: {  	[sflag:s11] =	ssyncadd.s32 $0xFFFFFFF0  }
0x14e: {  	[spmem:s14], [sflag:s10] =	dma.local [spmem:s2], $0x20  }
0x14f: {  	_ =	swait.ge [sflag:s11], $0x20  }
0x150: {  	s15 =	sld [smem:$0x7E4]  }
0x151: {  	[sflag:s11] =	ssyncset.done $0x0  }
0x152: {  	[sflag:s11] =	ssyncadd.s32 $0xFFFFFFE0  }
0x153: {  	[spmem:s15], [sflag:s10] =	dma.local [spmem:s2], $0x40  }
0x154: {  	_ =	swait.ge [sflag:s11], $0x40  }
0x155: {  	s14 =	sld [smem:$0x7E5]  }
0x156: {  	[sflag:s11] =	ssyncset.done $0x0  }
0x157: {  	[sflag:s11] =	ssyncadd.s32 $0xFFFFFFC0  }
0x158: {  	[spmem:s14], [sflag:s10] =	dma.local [spmem:s2], $0x80  }
0x159: {  	_ =	swait.ge [sflag:s11], $0x80  }
0x15a: {  	s15 =	sld [smem:$0x7E6]  }
0x15b: {  	[sflag:s11] =	ssyncset.done $0x0  }
0x15c: {  	[sflag:s11] =	ssyncadd.s32 $0xFFFFFF80  }
0x15d: {  	[spmem:s15], [sflag:s10] =	dma.local [spmem:s2], $0x100  }
0x15e: {  	_ =	swait.ge [sflag:s11], $0x100  }
0x15f: {  	s14 =	sld [smem:$0x7E7]  }
0x160: {  	[sflag:s11] =	ssyncset.done $0x0  }
0x161: {  	[sflag:s11] =	ssyncadd.s32 $0xFFFFFF00  }
0x162: {  	[spmem:s14], [sflag:s10] =	dma.local [spmem:s2], $0x200  }
0x163: {  	_ =	swait.ge [sflag:s11], $0x200  }
0x164: {  	s15 =	sld [smem:$0x7E8]  }
0x165: {  	[sflag:s11] =	ssyncset.done $0x0  }
0x166: {  	[sflag:s11] =	ssyncadd.s32 $0xFFFFFE00  }
0x167: {  	[spmem:s15], [sflag:s10] =	dma.local [spmem:s2], $0x400  }
0x168: {  	_ =	swait.ge [sflag:s11], $0x400  }
0x169: {  	s14 =	sld [smem:$0x7E9]  }
0x16a: {  	[sflag:s11] =	ssyncset.done $0x0  }
0x16b: {  	[sflag:s11] =	ssyncadd.s32 $0xFFFFFC00  }
0x16c: {  	[spmem:s14], [sflag:s10] =	dma.local [spmem:s2], $0x800  }
0x16d: {  	_ =	swait.ge [sflag:s11], $0x800  }
0x16e: {  	s15 =	sld [smem:$0x7EA]  }
0x16f: {  	[sflag:s11] =	ssyncset.done $0x0  }
0x170: {  	[sflag:s11] =	ssyncadd.s32 $0xFFFFF800  }
0x171: {  	[spmem:s15], [sflag:s10] =	dma.local [spmem:s2], $0x1000  }
0x172: {  	_ =	swait.ge [sflag:s11], $0x1000  }
0x173: {  	s14 =	sld [smem:$0x7EB]  }
0x174: {  	[sflag:s11] =	ssyncset.done $0x0  }
0x175: {  	[sflag:s11] =	ssyncadd.s32 $0xFFFFF000  }
0x176: {  	[spmem:s14], [sflag:s10] =	dma.local [spmem:s2], $0x2000  }
0x177: {  	_ =	swait.ge [sflag:s11], $0x2000  }
0x178: {  	s15 =	sld [smem:$0x7EC]  }
0x179: {  	[sflag:s11] =	ssyncset.done $0x0  }
.Ltmp3:
0x17a: {  	[sflag:s11] =	ssyncadd.s32 $0xFFFFE000;
	(pc) =	sbr.rel .LBB2_3-.Ltmp3, $4  }
0x17b: {  	[spmem:s15], [sflag:s10] =	dma.local [spmem:s2], $0x3000  }
0x17c: {  	_ =	swait.ge [sflag:s11], $0x3000  }
0x17d: {  	[sflag:s11] =	ssyncset.done $0x0  }
0x17e: {  	[sflag:s11] =	ssyncadd.s32 $0xFFFFD000  }
.LBB2_4:
0x17f: {  	_ =	sfence.sel $0x180000  }
0x180: {  	[bflag:$0x0] =	sbarrier.arrive $0xFFFF  }
0x181: {  	_ =	strace $0x90000047  }
0x182: {  	[bflag:$0x2] =	sbarrier.arrive $0xFFFF  }
0x183: {  	s0 =	rddreg [dreg:$0x3]  }
0x184: {  	s0 =	sadd.s32 @!p0 $0x100000, s0  }
0x185: {  	[sflag:s0] =	ssyncadd.tile.s32 @!p0 $0x1;
	_ =	shalt  }
.Lfunc_end2:
_tile_overlayer_lowered:
.L_overlay_start_2:
0x186: {  	(tag) =	ssettag $0x2  }
0x187: {  	s0 =	rddreg [dreg:$0x0];
	s2 =	stileid.u32  }
0x188: {  	s1 =	rddreg [dreg:$0x1];
	p0 =	sne.s32 s2, $0x0  }
0x189: {  	s3 =	rddreg [dreg:$0x2];
	[bflag:$0x3] =	sbarrier.arrive $0xFFFF;
	s2 =	simm.s32 @!p0 $0x1C02  }
0x18a: {  	[timem:s3], [sflag:s2] =	dma.local @!p0 [hbm:s0], s1  }
0x18b: {  	s0 =	simm.s32 @!p0 $0x2  }
0x18c: {  	_ =	swait.ge @!p0 [sflag:s0], s1  }
0x18d: {  	s1 =	ssub.s32 @!p0 $0x0, s1;
	[sflag:s0] =	ssyncset.done @!p0 $0x0  }
0x18e: {  	[sflag:s0] =	ssyncadd.s32 @!p0 s1  }
0x18f: {  	[bflag:$0x3] =	sbarrier.arrive $0xFFFF  }
0x190: {  	_ =	shalt  }

</sc_bundles>
